<compile_context>
chip_gen: v7x
topology: tpu7x:2x2x1
jax: 0.10.2.dev20260603
libtpu: 0.0.44.dev20260713+nightly
codegen_flags: <defaults>
</compile_context>

<pallas_src>
import functools
import math

import jax
import jax.numpy as jnp
from jax import lax
from jax.experimental import pallas as pl
from jax.experimental.pallas import tpu as pltpu
from jax.experimental.pallas import tpu_sc as plsc

_NCORE = 2
_NSUB = 16
_M = 128
_CHUNK = 4


@functools.lru_cache(maxsize=None)
def _build_sc(E, N, H):
    ntiles = _NCORE * _NSUB
    rows_total = -(-E // _M)
    rows_per_tile = -(-(-(-rows_total // ntiles)) // _CHUNK) * _CHUNK
    totrows = ntiles * rows_per_tile
    epad = totrows * _M
    nchunk = rows_per_tile // _CHUNK
    nrow = -(-(N + 1) // 128) * 128
    init_rows = nrow // _NSUB

    mesh = plsc.VectorSubcoreMesh(core_axis_name="c", subcore_axis_name="s")
    sc_params = pltpu.CompilerParams(use_tc_tiling_on_sc=False)

    ch = 2
    nch = rows_per_tile // ch

    @functools.partial(
        pl.kernel,
        out_type=jax.ShapeDtypeStruct((_NCORE, nrow, H), jnp.float32),
        mesh=mesh,
        compiler_params=sc_params,
        scratch_types=[
            pltpu.VMEM((rows_per_tile, _M), jnp.int32),
            pltpu.VMEM((rows_per_tile, _M), jnp.int32),
            pltpu.VMEM((ch * _M, H), jnp.float32),
            pltpu.VMEM((ch * _M, H), jnp.float32),
            pltpu.VMEM_SHARED((nrow, H), jnp.float32),
            pltpu.SemaphoreType.DMA,
            pltpu.SemaphoreType.DMA,
        ],
    )
    def conv(g_hbm, src_hbm, dst_hbm, z_hbm, out_hbm, sidx, didx, buf0, buf1,
             acc, sem0, sem1):
        c = lax.axis_index("c")
        s = lax.axis_index("s")
        t = c * _NSUB + s
        ib = s * init_rows
        row_t = t * rows_per_tile
        pltpu.sync_copy(src_hbm.at[pl.ds(row_t, rows_per_tile)], sidx)
        pltpu.sync_copy(dst_hbm.at[pl.ds(row_t, rows_per_tile)], didx)
        pltpu.sync_copy(z_hbm.at[pl.ds(ib, init_rows)], acc.at[pl.ds(ib, init_rows)])
        plsc.subcore_barrier()

        bufs = (buf0, buf1)
        sems = (sem0, sem1)

        def fire(k, p):
            for j in range(ch):
                pltpu.async_copy(g_hbm.at[sidx.at[k * ch + j]],
                                 bufs[p].at[pl.ds(j * _M, _M)], sems[p])

        def wait(k, p):
            for j in range(ch):
                pltpu.make_async_copy(g_hbm.at[sidx.at[k * ch + j]],
                                      bufs[p].at[pl.ds(j * _M, _M)],
                                      sems[p]).wait()

        def scat(k, p):
            for j in range(ch):
                pltpu.sync_copy(bufs[p].at[pl.ds(j * _M, _M)],
                                acc.at[didx.at[k * ch + j]], add=True)

        fire(0, 0)

        @pl.loop(0, nch - 2, step=2)
        def _(k):
            fire(k + 1, 1)
            wait(k, 0)
            scat(k, 0)
            fire(k + 2, 0)
            wait(k + 1, 1)
            scat(k + 1, 1)

        fire(nch - 1, 1)
        wait(nch - 2, 0)
        scat(nch - 2, 0)
        wait(nch - 1, 1)
        scat(nch - 1, 1)

        plsc.subcore_barrier()
        pltpu.sync_copy(acc.at[pl.ds(ib, init_rows)], out_hbm.at[c, pl.ds(ib, init_rows)])

    @functools.partial(
        pl.kernel,
        out_type=jax.ShapeDtypeStruct((_NCORE, nrow, 16), jnp.float32),
        mesh=mesh,
        compiler_params=sc_params,
        scratch_types=[
            pltpu.VMEM((_CHUNK, _M), jnp.int32),
            pltpu.VMEM((_M, 16), jnp.float32),
            pltpu.VMEM_SHARED((nrow, 16), jnp.float32),
        ],
    )
    def deg(dst_hbm, z_hbm, ones_hbm, out_hbm, didx, ones, dacc):
        c = lax.axis_index("c")
        s = lax.axis_index("s")
        t = c * _NSUB + s
        pltpu.sync_copy(ones_hbm, ones)
        ib = s * init_rows
        pltpu.sync_copy(z_hbm.at[pl.ds(ib, init_rows)], dacc.at[pl.ds(ib, init_rows)])
        plsc.subcore_barrier()

        @pl.loop(0, nchunk)
        def _(k):
            row0 = t * rows_per_tile + k * _CHUNK
            pltpu.sync_copy(dst_hbm.at[pl.ds(row0, _CHUNK)], didx)
            for j in range(_CHUNK):
                pltpu.sync_copy(ones, dacc.at[didx.at[j]], add=True)

        plsc.subcore_barrier()
        pltpu.sync_copy(dacc.at[pl.ds(ib, init_rows)], out_hbm.at[c, pl.ds(ib, init_rows)])

    return conv, deg, (epad, totrows, nrow)


@functools.lru_cache(maxsize=None)
def _build_tc(N, D, H, G):
    BN = 1000 if N % 1000 == 0 else N
    NB = N // BN
    H2 = 2 * H

    def stageb_body(x_ref, deg_ref, w_ref, g_ref, dis_ref):
        d = deg_ref[0] + deg_ref[1]
        dis = lax.rsqrt(d[:, 0:1] + 1.0)
        h = jnp.dot(x_ref[...], w_ref[...], preferred_element_type=jnp.float32)
        g_ref[...] = h * dis
        dis_ref[...] = dis

    stageb = pl.pallas_call(
        stageb_body,
        grid=(NB,),
        in_specs=[
            pl.BlockSpec((BN, D), lambda i: (i, 0)),
            pl.BlockSpec((_NCORE, BN, 16), lambda i: (0, i, 0)),
            pl.BlockSpec((D, H), lambda i: (0, 0)),
        ],
        out_specs=[
            pl.BlockSpec((BN, H), lambda i: (i, 0)),
            pl.BlockSpec((BN, 1), lambda i: (i, 0)),
        ],
        out_shape=[
            jax.ShapeDtypeStruct((N, H), jnp.float32),
            jax.ShapeDtypeStruct((N, 1), jnp.float32),
        ],
    )

    def staged_body(a_ref, g1_ref, dis_ref, b_ref, w_ref, h1_ref, g2_ref):
        dis = dis_ref[...]
        acc = a_ref[0] + a_ref[1] + g1_ref[...]
        h1 = jnp.maximum(acc * dis + b_ref[...], 0.0)
        h1_ref[...] = h1
        g2_ref[...] = jnp.dot(h1, w_ref[...], preferred_element_type=jnp.float32) * dis

    staged = pl.pallas_call(
        staged_body,
        grid=(NB,),
        in_specs=[
            pl.BlockSpec((_NCORE, BN, H), lambda i: (0, i, 0)),
            pl.BlockSpec((BN, H), lambda i: (i, 0)),
            pl.BlockSpec((BN, 1), lambda i: (i, 0)),
            pl.BlockSpec((1, H), lambda i: (0, 0)),
            pl.BlockSpec((H, H), lambda i: (0, 0)),
        ],
        out_specs=[
            pl.BlockSpec((BN, H), lambda i: (i, 0)),
            pl.BlockSpec((BN, H), lambda i: (i, 0)),
        ],
        out_shape=[
            jax.ShapeDtypeStruct((N, H), jnp.float32),
            jax.ShapeDtypeStruct((N, H), jnp.float32),
        ],
    )

    def stagef_body(a_ref, g2_ref, dis_ref, b_ref, h1_ref, batch_ref, nw_ref,
                    nb_ref, gw_ref, gb_ref, nl_ref, gl_ref, sums_ref, cnt_ref,
                    mx_ref):
        i = pl.program_id(0)
        dis = dis_ref[...]
        acc = a_ref[0] + a_ref[1] + g2_ref[...]
        h2 = jnp.maximum(acc * dis + b_ref[...], 0.0)
        h = jnp.concatenate([h1_ref[...], h2], axis=1)
        nl_ref[...] = (
            jnp.dot(h, nw_ref[...], preferred_element_type=jnp.float32) + nb_ref[...]
        )

        @pl.when(i == 0)
        def _():
            sums_ref[...] = jnp.zeros_like(sums_ref)
            cnt_ref[...] = jnp.zeros_like(cnt_ref)
            mx_ref[...] = jnp.full_like(mx_ref, -jnp.inf)

        brow = batch_ref[0]
        iota_g = lax.broadcasted_iota(jnp.int32, (G, BN), 0)
        maskf = (brow == iota_g).astype(jnp.float32)
        sums_ref[...] += jnp.dot(maskf, h, preferred_element_type=jnp.float32)
        cnt_ref[...] += jnp.sum(maskf, axis=1, keepdims=True)
        bcol = brow.reshape(BN, 1)
        b_lo = brow[0, 0]
        b_hi = brow[0, BN - 1]
        for g in range(G):
            @pl.when(jnp.logical_and(g >= b_lo, g <= b_hi))
            def _():
                m = jnp.max(jnp.where(bcol == g, h, -jnp.inf), axis=0,
                            keepdims=True)
                mx_ref[pl.ds(g, 1), :] = jnp.maximum(mx_ref[pl.ds(g, 1), :], m)

        cnt = cnt_ref[...]
        mean = sums_ref[...] / jnp.maximum(cnt, 1.0)
        mxp = jnp.where(cnt > 0, mx_ref[...], 0.0)
        pooled = jnp.concatenate([mean, mxp], axis=1)
        gl_ref[...] = (
            jnp.dot(pooled, gw_ref[...], preferred_element_type=jnp.float32)
            + gb_ref[...]
        )

    stagef = pl.pallas_call(
        stagef_body,
        grid=(NB,),
        in_specs=[
            pl.BlockSpec((_NCORE, BN, H), lambda i: (0, i, 0)),
            pl.BlockSpec((BN, H), lambda i: (i, 0)),
            pl.BlockSpec((BN, 1), lambda i: (i, 0)),
            pl.BlockSpec((1, H), lambda i: (0, 0)),
            pl.BlockSpec((BN, H), lambda i: (i, 0)),
            pl.BlockSpec((1, 1, BN), lambda i: (i, 0, 0)),
            pl.BlockSpec((H2, 1), lambda i: (0, 0)),
            pl.BlockSpec((1, 1), lambda i: (0, 0)),
            pl.BlockSpec((2 * H2, 1), lambda i: (0, 0)),
            pl.BlockSpec((1, 1), lambda i: (0, 0)),
        ],
        out_specs=[
            pl.BlockSpec((BN, 1), lambda i: (i, 0)),
            pl.BlockSpec((G, 1), lambda i: (0, 0)),
        ],
        out_shape=[
            jax.ShapeDtypeStruct((N, 1), jnp.float32),
            jax.ShapeDtypeStruct((G, 1), jnp.float32),
        ],
        scratch_shapes=[
            pltpu.VMEM((G, H2), jnp.float32),
            pltpu.VMEM((G, 1), jnp.float32),
            pltpu.VMEM((G, H2), jnp.float32),
        ],
        compiler_params=pltpu.CompilerParams(
            dimension_semantics=("arbitrary",),
        ),
    )

    return stageb, staged, stagef, (BN, NB)


def kernel(x, edge_index, batch, W1, b1, W2, b2, node_W, node_b, graph_W, graph_b):
    N, D = x.shape
    H = W1.shape[0]
    G = 16
    E = edge_index.shape[1]

    conv_sc, deg_sc, (epad, totrows, nrow) = _build_sc(E, N, H)
    stageb, staged, stagef, (BN, NB) = _build_tc(N, D, H, G)

    pad = epad - E
    pad_i = jnp.arange(pad, dtype=jnp.int32)
    src = jnp.concatenate(
        [edge_index[0], pad_i % N]).reshape(totrows, _M)
    dst = jnp.concatenate(
        [edge_index[1], N + pad_i % (nrow - N)]).reshape(totrows, _M)
    z_h = jnp.zeros((nrow, H), jnp.float32)
    z_16 = jnp.zeros((nrow, 16), jnp.float32)
    ones = jnp.ones((_M, 16), jnp.float32)

    degs = deg_sc(dst, z_16, ones)
    g1, dis = stageb(x, degs, W1.T)
    a1 = conv_sc(g1, src, dst, z_h)
    h1, g2 = staged(a1, g1, dis, b1.reshape(1, H), W2.T)
    a2 = conv_sc(g2, src, dst, z_h)
    nl, gl = stagef(
        a2, g2, dis, b2.reshape(1, H), h1,
        batch.reshape(NB, 1, BN),
        node_W.reshape(2 * H, 1), node_b.reshape(1, 1),
        graph_W.reshape(4 * H, 1), graph_b.reshape(1, 1),
    )
    return (gl.reshape(-1), nl.reshape(-1))

# --- scband reference (transcript-rebuilt; emitter-appended) ---
"""Pipeline reference for scband-h2-gnnclassifier-81518479278625 (READ-ONLY COPY).

The authoritative reference and input builder live on the scoring server;
editing this copy changes nothing except your own understanding.
"""

import jax, jax.numpy as jnp
import numpy as np

N = 10000
E = 320000
D = 128
H = 96
G = 16


def setup_inputs(seed: int = 0) -> dict:
    key = jax.random.key(seed)
    ks = jax.random.split(key, 12)
    x = jax.random.normal(ks[0], (N, D), dtype=jnp.float32)
    edge_index = jax.random.randint(ks[1], (2, E), 0, N, dtype=jnp.int32)
    batch = jnp.sort(jax.random.randint(ks[2], (N,), 0, G, dtype=jnp.int32))
    W1 = jax.random.normal(ks[3], (H, D), dtype=jnp.float32) * 0.05
    b1 = jnp.zeros((H,), dtype=jnp.float32)
    W2 = jax.random.normal(ks[4], (H, H), dtype=jnp.float32) * 0.05
    b2 = jnp.zeros((H,), dtype=jnp.float32)
    node_W = jax.random.normal(ks[5], (1, 2 * H), dtype=jnp.float32) * 0.05
    node_b = jnp.zeros((1,), dtype=jnp.float32)
    graph_W = jax.random.normal(ks[6], (1, 4 * H), dtype=jnp.float32) * 0.05
    graph_b = jnp.zeros((1,), dtype=jnp.float32)
    return {"x": x, "edge_index": edge_index, "batch": batch, "W1": W1, "b1": b1, "W2": W2, "b2": b2, "node_W": node_W, "node_b": node_b, "graph_W": graph_W, "graph_b": graph_b}


def _gcn_conv(x, src, dst, norm, W, b):
    # GCNConv: x' = W x, then scatter-add of norm-weighted source messages into dst, plus bias
    h = x @ W.T
    msg = h[src] * norm[:, None]
    out = jnp.zeros((x.shape[0], W.shape[0]), dtype=jnp.float32).at[dst].add(msg)
    return out + b


def reference(x, edge_index, batch, W1, b1, W2, b2, node_W, node_b, graph_W, graph_b):
    num_nodes = x.shape[0]
    loop = jnp.arange(num_nodes, dtype=edge_index.dtype)
    src = jnp.concatenate([edge_index[0], loop])
    dst = jnp.concatenate([edge_index[1], loop])
    # gcn_norm with add_self_loops=True: deg over dst, norm = d^-1/2[src] * d^-1/2[dst]
    deg = jnp.zeros((num_nodes,), dtype=jnp.float32).at[dst].add(1.0)
    dis = jnp.where(deg > 0, jax.lax.rsqrt(deg), 0.0)
    norm = dis[src] * dis[dst]
    h1 = jax.nn.relu(_gcn_conv(x, src, dst, norm, W1, b1))
    # dropout is identity in eval mode
    h2 = jax.nn.relu(_gcn_conv(h1, src, dst, norm, W2, b2))
    h = jnp.concatenate([h1, h2], axis=1)
    node_logits = (h @ node_W.T + node_b).reshape(-1)
    counts = jax.ops.segment_sum(jnp.ones((num_nodes,), jnp.float32), batch, num_segments=G, indices_are_sorted=True)
    sums = jax.ops.segment_sum(h, batch, num_segments=G, indices_are_sorted=True)
    mean_pool = sums / jnp.maximum(counts, 1.0)[:, None]
    max_pool = jax.ops.segment_max(h, batch, num_segments=G, indices_are_sorted=True)
    max_pool = jnp.where(counts[:, None] > 0, max_pool, 0.0)
    pooled = jnp.concatenate([mean_pool, max_pool], axis=1)
    graph_logits = (pooled @ graph_W.T + graph_b).reshape(-1)
    return (graph_logits, node_logits)

if __name__ == "__main__":
    import jax
    _d = setup_inputs()
    print(jax.jit(kernel)(*tuple(_d.values())))

</pallas_src>

<mosaic_0001>
#map = affine_map<(d0, d1) -> (0, 0)>
#map1 = affine_map<(d0, d1) -> (0, 0, 0)>
module attributes {stable_mosaic.version = 14 : i64} {
  func.func @deg(%arg0: i32, %arg1: i32, %arg2: memref<2560x128xi32, #tpu.memory_space<hbm>>, %arg3: memref<10112x16xf32, #tpu.memory_space<hbm>>, %arg4: memref<128x16xf32, #tpu.memory_space<hbm>>, %arg5: memref<2x10112x16xf32, #tpu.memory_space<hbm>>, %arg6: memref<4x128xi32, #tpu.memory_space<vmem>>, %arg7: memref<128x16xf32, #tpu.memory_space<vmem>>, %arg8: memref<10112x16xf32, #tpu.memory_space<vmem_shared>>) attributes {dimension_semantics = [#tpu.dimension_semantics<core_parallel>, #tpu.dimension_semantics<subcore_parallel>], iteration_bounds = array<i64: 2, 16>, scalar_prefetch = 0 : i64, scratch_operands = 3 : i64, tpu.core_type = #tpu.core_type<sc_vector_subcore>, window_params = [{transform_indices = #map}, {transform_indices = #map}, {transform_indices = #map}, {transform_indices = #map1}]} {
    %mul3A = arith.constant 16 : i32
    %mul3A_0 = arith.muli %arg0, %mul3A : i32
    %add3A = arith.addi %mul3A_0, %arg1 : i32
    "tpu.region"() ({
      %run_scoped3A = tpu.sem_alloc : memref<!tpu.dma_semaphore, #tpu.memory_space<semaphore_mem>>
      tpu.enqueue_dma source(%arg4 : memref<128x16xf32, #tpu.memory_space<hbm>>) target(%arg7 : memref<128x16xf32, #tpu.memory_space<vmem>>) target_semaphore(%run_scoped3A : memref<!tpu.dma_semaphore, #tpu.memory_space<semaphore_mem>>)
      tpu.wait_dma2 semaphore(%run_scoped3A : memref<!tpu.dma_semaphore, #tpu.memory_space<semaphore_mem>>) src(%arg4 : memref<128x16xf32, #tpu.memory_space<hbm>>) dst(%arg7 : memref<128x16xf32, #tpu.memory_space<vmem>>)
      tpu.yield
    }) : () -> ()
    %mul3A_1 = arith.constant 632 : i32
    %mul3A_2 = arith.muli %arg1, %mul3A_1 : i32
    "tpu.region"() ({
      %run_scoped3A = tpu.sem_alloc : memref<!tpu.dma_semaphore, #tpu.memory_space<semaphore_mem>>
      %dma_start3A = arith.constant 0 : i32
      %dma_start3A_8 = tpu.memref_slice %arg8[%mul3A_2, %dma_start3A] : memref<10112x16xf32, #tpu.memory_space<vmem_shared>> -> memref<632x16xf32, #tpu.memory_space<vmem_shared>>
      %dma_start3A_9 = arith.constant 0 : i32
      %dma_start3A_10 = tpu.memref_slice %arg3[%mul3A_2, %dma_start3A_9] : memref<10112x16xf32, #tpu.memory_space<hbm>> -> memref<632x16xf32, #tpu.memory_space<hbm>>
      tpu.enqueue_dma source(%dma_start3A_10 : memref<632x16xf32, #tpu.memory_space<hbm>>) target(%dma_start3A_8 : memref<632x16xf32, #tpu.memory_space<vmem_shared>>) target_semaphore(%run_scoped3A : memref<!tpu.dma_semaphore, #tpu.memory_space<semaphore_mem>>)
      %dma_wait3A = arith.constant 0 : i32
      %dma_wait3A_11 = tpu.memref_slice %arg8[%mul3A_2, %dma_wait3A] : memref<10112x16xf32, #tpu.memory_space<vmem_shared>> -> memref<632x16xf32, #tpu.memory_space<vmem_shared>>
      %dma_wait3A_12 = arith.constant 0 : i32
      %dma_wait3A_13 = tpu.memref_slice %arg3[%mul3A_2, %dma_wait3A_12] : memref<10112x16xf32, #tpu.memory_space<hbm>> -> memref<632x16xf32, #tpu.memory_space<hbm>>
      tpu.wait_dma2 semaphore(%run_scoped3A : memref<!tpu.dma_semaphore, #tpu.memory_space<semaphore_mem>>) src(%dma_wait3A_13 : memref<632x16xf32, #tpu.memory_space<hbm>>) dst(%dma_wait3A_11 : memref<632x16xf32, #tpu.memory_space<vmem_shared>>)
      tpu.yield
    }) : () -> ()
    %barrier3A = arith.constant 0 : index
    tpu.barrier barrier_id(%barrier3A)
    %scan3A = arith.constant 0 : i32
    %scan3A_3 = arith.constant 20 : i32
    %scan3A_4 = arith.addi %scan3A, %scan3A_3 : i32
    %scan3A_5 = arith.constant 1 : i32
    scf.for %scan3A_8 = %scan3A to %scan3A_4 step %scan3A_5  : i32 {
      %mul3A_9 = arith.constant 1 : i32
      %mul3A_10 = arith.muli %scan3A_8, %mul3A_9 : i32
      %add3A_11 = arith.constant 0 : i32
      %add3A_12 = arith.addi %add3A_11, %mul3A_10 : i32
      %mul3A_13 = arith.constant 80 : i32
      %mul3A_14 = arith.muli %add3A, %mul3A_13 : i32
      %mul3A_15 = arith.constant 4 : i32
      %mul3A_16 = arith.muli %add3A_12, %mul3A_15 : i32
      %add3A_17 = arith.addi %mul3A_14, %mul3A_16 : i32
      "tpu.region"() ({
        %run_scoped3A_21 = tpu.sem_alloc : memref<!tpu.dma_semaphore, #tpu.memory_space<semaphore_mem>>
        %dma_start3A = arith.constant 0 : i32
        %dma_start3A_22 = tpu.memref_slice %arg2[%add3A_17, %dma_start3A] : memref<2560x128xi32, #tpu.memory_space<hbm>> -> memref<4x128xi32, #tpu.memory_space<hbm>>
        %dma_start3A_23 = arith.constant 0 : i32
        %dma_start3A_24 = tpu.memref_slice %arg2[%add3A_17, %dma_start3A_23] : memref<2560x128xi32, #tpu.memory_space<hbm>> -> memref<4x128xi32, #tpu.memory_space<hbm>>
        tpu.enqueue_dma source(%dma_start3A_24 : memref<4x128xi32, #tpu.memory_space<hbm>>) target(%arg6 : memref<4x128xi32, #tpu.memory_space<vmem>>) target_semaphore(%run_scoped3A_21 : memref<!tpu.dma_semaphore, #tpu.memory_space<semaphore_mem>>)
        %dma_wait3A = arith.constant 0 : i32
        %dma_wait3A_25 = tpu.memref_slice %arg2[%add3A_17, %dma_wait3A] : memref<2560x128xi32, #tpu.memory_space<hbm>> -> memref<4x128xi32, #tpu.memory_space<hbm>>
        %dma_wait3A_26 = arith.constant 0 : i32
        %dma_wait3A_27 = tpu.memref_slice %arg2[%add3A_17, %dma_wait3A_26] : memref<2560x128xi32, #tpu.memory_space<hbm>> -> memref<4x128xi32, #tpu.memory_space<hbm>>
        tpu.wait_dma2 semaphore(%run_scoped3A_21 : memref<!tpu.dma_semaphore, #tpu.memory_space<semaphore_mem>>) src(%dma_wait3A_27 : memref<4x128xi32, #tpu.memory_space<hbm>>) dst(%arg6 : memref<4x128xi32, #tpu.memory_space<vmem>>)
        tpu.yield
      }) : () -> ()
      %run_scoped3A = arith.constant 0 : i32
      "tpu.region"() ({
        %run_scoped3A_21 = tpu.sem_alloc : memref<!tpu.dma_semaphore, #tpu.memory_space<semaphore_mem>>
        %dma_start3A = arith.constant 0 : i32
        %dma_start3A_22 = tpu.memref_slice %arg6[%run_scoped3A, %dma_start3A] : memref<4x128xi32, #tpu.memory_space<vmem>> -> memref<1x128xi32, #tpu.memory_space<vmem>>
        %dma_start3A_23 = tpu.memref_squeeze %dma_start3A_22 : memref<1x128xi32, #tpu.memory_space<vmem>> -> memref<128xi32, #tpu.memory_space<vmem>>
        %dma_start3A_24 = arith.constant 0 : i32
        %dma_start3A_25 = arith.constant 0 : i32
        %dma_start3A_26 = tpu.memref_slice %arg8[%dma_start3A_24, %dma_start3A_25] : memref<10112x16xf32, #tpu.memory_space<vmem_shared>> -> memref<10112x16xf32, #tpu.memory_space<vmem_shared>>
        tpu.enqueue_indirect_dma source(%arg7 : memref<128x16xf32, #tpu.memory_space<vmem>>) target(%dma_start3A_26 : memref<10112x16xf32, #tpu.memory_space<vmem_shared>>) offsets(%dma_start3A_23 : memref<128xi32, #tpu.memory_space<vmem>>) semaphore(%run_scoped3A_21 : memref<!tpu.dma_semaphore, #tpu.memory_space<semaphore_mem>>) {add = true}
        %dma_wait3A = arith.constant 0 : i32
        %dma_wait3A_27 = tpu.memref_slice %arg6[%run_scoped3A, %dma_wait3A] : memref<4x128xi32, #tpu.memory_space<vmem>> -> memref<1x128xi32, #tpu.memory_space<vmem>>
        %dma_wait3A_28 = tpu.memref_squeeze %dma_wait3A_27 : memref<1x128xi32, #tpu.memory_space<vmem>> -> memref<128xi32, #tpu.memory_space<vmem>>
        %dma_wait3A_29 = arith.constant 0 : i32
        %dma_wait3A_30 = arith.constant 0 : i32
        %dma_wait3A_31 = tpu.memref_slice %arg8[%dma_wait3A_29, %dma_wait3A_30] : memref<10112x16xf32, #tpu.memory_space<vmem_shared>> -> memref<10112x16xf32, #tpu.memory_space<vmem_shared>>
        tpu.wait_indirect_dma semaphore(%run_scoped3A_21 : memref<!tpu.dma_semaphore, #tpu.memory_space<semaphore_mem>>) src(%arg7 : memref<128x16xf32, #tpu.memory_space<vmem>>) dst(%dma_wait3A_31 : memref<10112x16xf32, #tpu.memory_space<vmem_shared>>)
        tpu.yield
      }) : () -> ()
      %run_scoped3A_18 = arith.constant 1 : i32
      "tpu.region"() ({
        %run_scoped3A_21 = tpu.sem_alloc : memref<!tpu.dma_semaphore, #tpu.memory_space<semaphore_mem>>
        %dma_start3A = arith.constant 0 : i32
        %dma_start3A_22 = tpu.memref_slice %arg6[%run_scoped3A_18, %dma_start3A] : memref<4x128xi32, #tpu.memory_space<vmem>> -> memref<1x128xi32, #tpu.memory_space<vmem>>
        %dma_start3A_23 = tpu.memref_squeeze %dma_start3A_22 : memref<1x128xi32, #tpu.memory_space<vmem>> -> memref<128xi32, #tpu.memory_space<vmem>>
        %dma_start3A_24 = arith.constant 0 : i32
        %dma_start3A_25 = arith.constant 0 : i32
        %dma_start3A_26 = tpu.memref_slice %arg8[%dma_start3A_24, %dma_start3A_25] : memref<10112x16xf32, #tpu.memory_space<vmem_shared>> -> memref<10112x16xf32, #tpu.memory_space<vmem_shared>>
        tpu.enqueue_indirect_dma source(%arg7 : memref<128x16xf32, #tpu.memory_space<vmem>>) target(%dma_start3A_26 : memref<10112x16xf32, #tpu.memory_space<vmem_shared>>) offsets(%dma_start3A_23 : memref<128xi32, #tpu.memory_space<vmem>>) semaphore(%run_scoped3A_21 : memref<!tpu.dma_semaphore, #tpu.memory_space<semaphore_mem>>) {add = true}
        %dma_wait3A = arith.constant 0 : i32
        %dma_wait3A_27 = tpu.memref_slice %arg6[%run_scoped3A_18, %dma_wait3A] : memref<4x128xi32, #tpu.memory_space<vmem>> -> memref<1x128xi32, #tpu.memory_space<vmem>>
        %dma_wait3A_28 = tpu.memref_squeeze %dma_wait3A_27 : memref<1x128xi32, #tpu.memory_space<vmem>> -> memref<128xi32, #tpu.memory_space<vmem>>
        %dma_wait3A_29 = arith.constant 0 : i32
        %dma_wait3A_30 = arith.constant 0 : i32
        %dma_wait3A_31 = tpu.memref_slice %arg8[%dma_wait3A_29, %dma_wait3A_30] : memref<10112x16xf32, #tpu.memory_space<vmem_shared>> -> memref<10112x16xf32, #tpu.memory_space<vmem_shared>>
        tpu.wait_indirect_dma semaphore(%run_scoped3A_21 : memref<!tpu.dma_semaphore, #tpu.memory_space<semaphore_mem>>) src(%arg7 : memref<128x16xf32, #tpu.memory_space<vmem>>) dst(%dma_wait3A_31 : memref<10112x16xf32, #tpu.memory_space<vmem_shared>>)
        tpu.yield
      }) : () -> ()
      %run_scoped3A_19 = arith.constant 2 : i32
      "tpu.region"() ({
        %run_scoped3A_21 = tpu.sem_alloc : memref<!tpu.dma_semaphore, #tpu.memory_space<semaphore_mem>>
        %dma_start3A = arith.constant 0 : i32
        %dma_start3A_22 = tpu.memref_slice %arg6[%run_scoped3A_19, %dma_start3A] : memref<4x128xi32, #tpu.memory_space<vmem>> -> memref<1x128xi32, #tpu.memory_space<vmem>>
        %dma_start3A_23 = tpu.memref_squeeze %dma_start3A_22 : memref<1x128xi32, #tpu.memory_space<vmem>> -> memref<128xi32, #tpu.memory_space<vmem>>
        %dma_start3A_24 = arith.constant 0 : i32
        %dma_start3A_25 = arith.constant 0 : i32
        %dma_start3A_26 = tpu.memref_slice %arg8[%dma_start3A_24, %dma_start3A_25] : memref<10112x16xf32, #tpu.memory_space<vmem_shared>> -> memref<10112x16xf32, #tpu.memory_space<vmem_shared>>
        tpu.enqueue_indirect_dma source(%arg7 : memref<128x16xf32, #tpu.memory_space<vmem>>) target(%dma_start3A_26 : memref<10112x16xf32, #tpu.memory_space<vmem_shared>>) offsets(%dma_start3A_23 : memref<128xi32, #tpu.memory_space<vmem>>) semaphore(%run_scoped3A_21 : memref<!tpu.dma_semaphore, #tpu.memory_space<semaphore_mem>>) {add = true}
        %dma_wait3A = arith.constant 0 : i32
        %dma_wait3A_27 = tpu.memref_slice %arg6[%run_scoped3A_19, %dma_wait3A] : memref<4x128xi32, #tpu.memory_space<vmem>> -> memref<1x128xi32, #tpu.memory_space<vmem>>
        %dma_wait3A_28 = tpu.memref_squeeze %dma_wait3A_27 : memref<1x128xi32, #tpu.memory_space<vmem>> -> memref<128xi32, #tpu.memory_space<vmem>>
        %dma_wait3A_29 = arith.constant 0 : i32
        %dma_wait3A_30 = arith.constant 0 : i32
        %dma_wait3A_31 = tpu.memref_slice %arg8[%dma_wait3A_29, %dma_wait3A_30] : memref<10112x16xf32, #tpu.memory_space<vmem_shared>> -> memref<10112x16xf32, #tpu.memory_space<vmem_shared>>
        tpu.wait_indirect_dma semaphore(%run_scoped3A_21 : memref<!tpu.dma_semaphore, #tpu.memory_space<semaphore_mem>>) src(%arg7 : memref<128x16xf32, #tpu.memory_space<vmem>>) dst(%dma_wait3A_31 : memref<10112x16xf32, #tpu.memory_space<vmem_shared>>)
        tpu.yield
      }) : () -> ()
      %run_scoped3A_20 = arith.constant 3 : i32
      "tpu.region"() ({
        %run_scoped3A_21 = tpu.sem_alloc : memref<!tpu.dma_semaphore, #tpu.memory_space<semaphore_mem>>
        %dma_start3A = arith.constant 0 : i32
        %dma_start3A_22 = tpu.memref_slice %arg6[%run_scoped3A_20, %dma_start3A] : memref<4x128xi32, #tpu.memory_space<vmem>> -> memref<1x128xi32, #tpu.memory_space<vmem>>
        %dma_start3A_23 = tpu.memref_squeeze %dma_start3A_22 : memref<1x128xi32, #tpu.memory_space<vmem>> -> memref<128xi32, #tpu.memory_space<vmem>>
        %dma_start3A_24 = arith.constant 0 : i32
        %dma_start3A_25 = arith.constant 0 : i32
        %dma_start3A_26 = tpu.memref_slice %arg8[%dma_start3A_24, %dma_start3A_25] : memref<10112x16xf32, #tpu.memory_space<vmem_shared>> -> memref<10112x16xf32, #tpu.memory_space<vmem_shared>>
        tpu.enqueue_indirect_dma source(%arg7 : memref<128x16xf32, #tpu.memory_space<vmem>>) target(%dma_start3A_26 : memref<10112x16xf32, #tpu.memory_space<vmem_shared>>) offsets(%dma_start3A_23 : memref<128xi32, #tpu.memory_space<vmem>>) semaphore(%run_scoped3A_21 : memref<!tpu.dma_semaphore, #tpu.memory_space<semaphore_mem>>) {add = true}
        %dma_wait3A = arith.constant 0 : i32
        %dma_wait3A_27 = tpu.memref_slice %arg6[%run_scoped3A_20, %dma_wait3A] : memref<4x128xi32, #tpu.memory_space<vmem>> -> memref<1x128xi32, #tpu.memory_space<vmem>>
        %dma_wait3A_28 = tpu.memref_squeeze %dma_wait3A_27 : memref<1x128xi32, #tpu.memory_space<vmem>> -> memref<128xi32, #tpu.memory_space<vmem>>
        %dma_wait3A_29 = arith.constant 0 : i32
        %dma_wait3A_30 = arith.constant 0 : i32
        %dma_wait3A_31 = tpu.memref_slice %arg8[%dma_wait3A_29, %dma_wait3A_30] : memref<10112x16xf32, #tpu.memory_space<vmem_shared>> -> memref<10112x16xf32, #tpu.memory_space<vmem_shared>>
        tpu.wait_indirect_dma semaphore(%run_scoped3A_21 : memref<!tpu.dma_semaphore, #tpu.memory_space<semaphore_mem>>) src(%arg7 : memref<128x16xf32, #tpu.memory_space<vmem>>) dst(%dma_wait3A_31 : memref<10112x16xf32, #tpu.memory_space<vmem_shared>>)
        tpu.yield
      }) : () -> ()
    }
    %scan3A_6 = arith.constant 20 : i32
    %barrier3A_7 = arith.constant 0 : index
    tpu.barrier barrier_id(%barrier3A_7)
    "tpu.region"() ({
      %run_scoped3A = tpu.sem_alloc : memref<!tpu.dma_semaphore, #tpu.memory_space<semaphore_mem>>
      %dma_start3A = arith.constant 0 : i32
      %dma_start3A_8 = tpu.memref_slice %arg5[%arg0, %mul3A_2, %dma_start3A] : memref<2x10112x16xf32, #tpu.memory_space<hbm>> -> memref<1x632x16xf32, #tpu.memory_space<hbm>>
      %dma_start3A_9 = tpu.memref_squeeze %dma_start3A_8 : memref<1x632x16xf32, #tpu.memory_space<hbm>> -> memref<632x16xf32, #tpu.memory_space<hbm>>
      %dma_start3A_10 = arith.constant 0 : i32
      %dma_start3A_11 = tpu.memref_slice %arg8[%mul3A_2, %dma_start3A_10] : memref<10112x16xf32, #tpu.memory_space<vmem_shared>> -> memref<632x16xf32, #tpu.memory_space<vmem_shared>>
      tpu.enqueue_dma source(%dma_start3A_11 : memref<632x16xf32, #tpu.memory_space<vmem_shared>>) target(%dma_start3A_9 : memref<632x16xf32, #tpu.memory_space<hbm>>) target_semaphore(%run_scoped3A : memref<!tpu.dma_semaphore, #tpu.memory_space<semaphore_mem>>)
      %dma_wait3A = arith.constant 0 : i32
      %dma_wait3A_12 = tpu.memref_slice %arg5[%arg0, %mul3A_2, %dma_wait3A] : memref<2x10112x16xf32, #tpu.memory_space<hbm>> -> memref<1x632x16xf32, #tpu.memory_space<hbm>>
      %dma_wait3A_13 = tpu.memref_squeeze %dma_wait3A_12 : memref<1x632x16xf32, #tpu.memory_space<hbm>> -> memref<632x16xf32, #tpu.memory_space<hbm>>
      %dma_wait3A_14 = arith.constant 0 : i32
      %dma_wait3A_15 = tpu.memref_slice %arg8[%mul3A_2, %dma_wait3A_14] : memref<10112x16xf32, #tpu.memory_space<vmem_shared>> -> memref<632x16xf32, #tpu.memory_space<vmem_shared>>
      tpu.wait_dma2 semaphore(%run_scoped3A : memref<!tpu.dma_semaphore, #tpu.memory_space<semaphore_mem>>) src(%dma_wait3A_15 : memref<632x16xf32, #tpu.memory_space<vmem_shared>>) dst(%dma_wait3A_13 : memref<632x16xf32, #tpu.memory_space<hbm>>)
      tpu.yield
    }) : () -> ()
    return
  }
}

#map = affine_map<(d0, d1) -> (0, 0)>
#map1 = affine_map<(d0, d1) -> (0, 0, 0)>
module attributes {stable_mosaic.version = 14 : i64} {
  func.func @conv(%arg0: i32, %arg1: i32, %arg2: memref<10000x96xf32, #tpu.memory_space<hbm>>, %arg3: memref<2560x128xi32, #tpu.memory_space<hbm>>, %arg4: memref<2560x128xi32, #tpu.memory_space<hbm>>, %arg5: memref<10112x96xf32, #tpu.memory_space<hbm>>, %arg6: memref<2x10112x96xf32, #tpu.memory_space<hbm>>, %arg7: memref<80x128xi32, #tpu.memory_space<vmem>>, %arg8: memref<80x128xi32, #tpu.memory_space<vmem>>, %arg9: memref<256x96xf32, #tpu.memory_space<vmem>>, %arg10: memref<256x96xf32, #tpu.memory_space<vmem>>, %arg11: memref<10112x96xf32, #tpu.memory_space<vmem_shared>>, %arg12: memref<!tpu.dma_semaphore, #tpu.memory_space<semaphore_mem>>, %arg13: memref<!tpu.dma_semaphore, #tpu.memory_space<semaphore_mem>>) attributes {dimension_semantics = [#tpu.dimension_semantics<core_parallel>, #tpu.dimension_semantics<subcore_parallel>], iteration_bounds = array<i64: 2, 16>, scalar_prefetch = 0 : i64, scratch_operands = 7 : i64, tpu.core_type = #tpu.core_type<sc_vector_subcore>, window_params = [{transform_indices = #map}, {transform_indices = #map}, {transform_indices = #map}, {transform_indices = #map}, {transform_indices = #map1}]} {
    %mul3A = arith.constant 16 : i32
    %mul3A_0 = arith.muli %arg0, %mul3A : i32
    %add3A = arith.addi %mul3A_0, %arg1 : i32
    %mul3A_1 = arith.constant 632 : i32
    %mul3A_2 = arith.muli %arg1, %mul3A_1 : i32
    %mul3A_3 = arith.constant 80 : i32
    %mul3A_4 = arith.muli %add3A, %mul3A_3 : i32
    "tpu.region"() ({
      %run_scoped3A_91 = tpu.sem_alloc : memref<!tpu.dma_semaphore, #tpu.memory_space<semaphore_mem>>
      %dma_start3A_92 = arith.constant 0 : i32
      %dma_start3A_93 = tpu.memref_slice %arg3[%mul3A_4, %dma_start3A_92] : memref<2560x128xi32, #tpu.memory_space<hbm>> -> memref<80x128xi32, #tpu.memory_space<hbm>>
      %dma_start3A_94 = arith.constant 0 : i32
      %dma_start3A_95 = tpu.memref_slice %arg3[%mul3A_4, %dma_start3A_94] : memref<2560x128xi32, #tpu.memory_space<hbm>> -> memref<80x128xi32, #tpu.memory_space<hbm>>
      tpu.enqueue_dma source(%dma_start3A_95 : memref<80x128xi32, #tpu.memory_space<hbm>>) target(%arg7 : memref<80x128xi32, #tpu.memory_space<vmem>>) target_semaphore(%run_scoped3A_91 : memref<!tpu.dma_semaphore, #tpu.memory_space<semaphore_mem>>)
      %dma_wait3A_96 = arith.constant 0 : i32
      %dma_wait3A_97 = tpu.memref_slice %arg3[%mul3A_4, %dma_wait3A_96] : memref<2560x128xi32, #tpu.memory_space<hbm>> -> memref<80x128xi32, #tpu.memory_space<hbm>>
      %dma_wait3A_98 = arith.constant 0 : i32
      %dma_wait3A_99 = tpu.memref_slice %arg3[%mul3A_4, %dma_wait3A_98] : memref<2560x128xi32, #tpu.memory_space<hbm>> -> memref<80x128xi32, #tpu.memory_space<hbm>>
      tpu.wait_dma2 semaphore(%run_scoped3A_91 : memref<!tpu.dma_semaphore, #tpu.memory_space<semaphore_mem>>) src(%dma_wait3A_99 : memref<80x128xi32, #tpu.memory_space<hbm>>) dst(%arg7 : memref<80x128xi32, #tpu.memory_space<vmem>>)
      tpu.yield
    }) : () -> ()
    "tpu.region"() ({
      %run_scoped3A_91 = tpu.sem_alloc : memref<!tpu.dma_semaphore, #tpu.memory_space<semaphore_mem>>
      %dma_start3A_92 = arith.constant 0 : i32
      %dma_start3A_93 = tpu.memref_slice %arg4[%mul3A_4, %dma_start3A_92] : memref<2560x128xi32, #tpu.memory_space<hbm>> -> memref<80x128xi32, #tpu.memory_space<hbm>>
      %dma_start3A_94 = arith.constant 0 : i32
      %dma_start3A_95 = tpu.memref_slice %arg4[%mul3A_4, %dma_start3A_94] : memref<2560x128xi32, #tpu.memory_space<hbm>> -> memref<80x128xi32, #tpu.memory_space<hbm>>
      tpu.enqueue_dma source(%dma_start3A_95 : memref<80x128xi32, #tpu.memory_space<hbm>>) target(%arg8 : memref<80x128xi32, #tpu.memory_space<vmem>>) target_semaphore(%run_scoped3A_91 : memref<!tpu.dma_semaphore, #tpu.memory_space<semaphore_mem>>)
      %dma_wait3A_96 = arith.constant 0 : i32
      %dma_wait3A_97 = tpu.memref_slice %arg4[%mul3A_4, %dma_wait3A_96] : memref<2560x128xi32, #tpu.memory_space<hbm>> -> memref<80x128xi32, #tpu.memory_space<hbm>>
      %dma_wait3A_98 = arith.constant 0 : i32
      %dma_wait3A_99 = tpu.memref_slice %arg4[%mul3A_4, %dma_wait3A_98] : memref<2560x128xi32, #tpu.memory_space<hbm>> -> memref<80x128xi32, #tpu.memory_space<hbm>>
      tpu.wait_dma2 semaphore(%run_scoped3A_91 : memref<!tpu.dma_semaphore, #tpu.memory_space<semaphore_mem>>) src(%dma_wait3A_99 : memref<80x128xi32, #tpu.memory_space<hbm>>) dst(%arg8 : memref<80x128xi32, #tpu.memory_space<vmem>>)
      tpu.yield
    }) : () -> ()
    "tpu.region"() ({
      %run_scoped3A_91 = tpu.sem_alloc : memref<!tpu.dma_semaphore, #tpu.memory_space<semaphore_mem>>
      %dma_start3A_92 = arith.constant 0 : i32
      %dma_start3A_93 = tpu.memref_slice %arg11[%mul3A_2, %dma_start3A_92] : memref<10112x96xf32, #tpu.memory_space<vmem_shared>> -> memref<632x96xf32, #tpu.memory_space<vmem_shared>>
      %dma_start3A_94 = arith.constant 0 : i32
      %dma_start3A_95 = tpu.memref_slice %arg5[%mul3A_2, %dma_start3A_94] : memref<10112x96xf32, #tpu.memory_space<hbm>> -> memref<632x96xf32, #tpu.memory_space<hbm>>
      tpu.enqueue_dma source(%dma_start3A_95 : memref<632x96xf32, #tpu.memory_space<hbm>>) target(%dma_start3A_93 : memref<632x96xf32, #tpu.memory_space<vmem_shared>>) target_semaphore(%run_scoped3A_91 : memref<!tpu.dma_semaphore, #tpu.memory_space<semaphore_mem>>)
      %dma_wait3A_96 = arith.constant 0 : i32
      %dma_wait3A_97 = tpu.memref_slice %arg11[%mul3A_2, %dma_wait3A_96] : memref<10112x96xf32, #tpu.memory_space<vmem_shared>> -> memref<632x96xf32, #tpu.memory_space<vmem_shared>>
      %dma_wait3A_98 = arith.constant 0 : i32
      %dma_wait3A_99 = tpu.memref_slice %arg5[%mul3A_2, %dma_wait3A_98] : memref<10112x96xf32, #tpu.memory_space<hbm>> -> memref<632x96xf32, #tpu.memory_space<hbm>>
      tpu.wait_dma2 semaphore(%run_scoped3A_91 : memref<!tpu.dma_semaphore, #tpu.memory_space<semaphore_mem>>) src(%dma_wait3A_99 : memref<632x96xf32, #tpu.memory_space<hbm>>) dst(%dma_wait3A_97 : memref<632x96xf32, #tpu.memory_space<vmem_shared>>)
      tpu.yield
    }) : () -> ()
    %barrier3A = arith.constant 0 : index
    tpu.barrier barrier_id(%barrier3A)
    %dma_start3A = arith.constant 0 : i32
    %dma_start3A_5 = arith.constant 0 : i32
    %dma_start3A_6 = arith.constant 0 : i32
    %dma_start3A_7 = tpu.memref_slice %arg9[%dma_start3A_5, %dma_start3A_6] : memref<256x96xf32, #tpu.memory_space<vmem>> -> memref<128x96xf32, #tpu.memory_space<vmem>>
    %dma_start3A_8 = arith.constant 0 : i32
    %dma_start3A_9 = tpu.memref_slice %arg7[%dma_start3A, %dma_start3A_8] : memref<80x128xi32, #tpu.memory_space<vmem>> -> memref<1x128xi32, #tpu.memory_space<vmem>>
    %dma_start3A_10 = tpu.memref_squeeze %dma_start3A_9 : memref<1x128xi32, #tpu.memory_space<vmem>> -> memref<128xi32, #tpu.memory_space<vmem>>
    %dma_start3A_11 = arith.constant 0 : i32
    %dma_start3A_12 = arith.constant 0 : i32
    %dma_start3A_13 = tpu.memref_slice %arg2[%dma_start3A_11, %dma_start3A_12] : memref<10000x96xf32, #tpu.memory_space<hbm>> -> memref<10000x96xf32, #tpu.memory_space<hbm>>
    tpu.enqueue_indirect_dma source(%dma_start3A_13 : memref<10000x96xf32, #tpu.memory_space<hbm>>) target(%dma_start3A_7 : memref<128x96xf32, #tpu.memory_space<vmem>>) offsets(%dma_start3A_10 : memref<128xi32, #tpu.memory_space<vmem>>) semaphore(%arg12 : memref<!tpu.dma_semaphore, #tpu.memory_space<semaphore_mem>>)
    %dma_start3A_14 = arith.constant 1 : i32
    %dma_start3A_15 = arith.constant 128 : i32
    %dma_start3A_16 = arith.constant 0 : i32
    %dma_start3A_17 = tpu.memref_slice %arg9[%dma_start3A_15, %dma_start3A_16] : memref<256x96xf32, #tpu.memory_space<vmem>> -> memref<128x96xf32, #tpu.memory_space<vmem>>
    %dma_start3A_18 = arith.constant 0 : i32
    %dma_start3A_19 = tpu.memref_slice %arg7[%dma_start3A_14, %dma_start3A_18] : memref<80x128xi32, #tpu.memory_space<vmem>> -> memref<1x128xi32, #tpu.memory_space<vmem>>
    %dma_start3A_20 = tpu.memref_squeeze %dma_start3A_19 : memref<1x128xi32, #tpu.memory_space<vmem>> -> memref<128xi32, #tpu.memory_space<vmem>>
    %dma_start3A_21 = arith.constant 0 : i32
    %dma_start3A_22 = arith.constant 0 : i32
    %dma_start3A_23 = tpu.memref_slice %arg2[%dma_start3A_21, %dma_start3A_22] : memref<10000x96xf32, #tpu.memory_space<hbm>> -> memref<10000x96xf32, #tpu.memory_space<hbm>>
    tpu.enqueue_indirect_dma source(%dma_start3A_23 : memref<10000x96xf32, #tpu.memory_space<hbm>>) target(%dma_start3A_17 : memref<128x96xf32, #tpu.memory_space<vmem>>) offsets(%dma_start3A_20 : memref<128xi32, #tpu.memory_space<vmem>>) semaphore(%arg12 : memref<!tpu.dma_semaphore, #tpu.memory_space<semaphore_mem>>)
    %scan3A = arith.constant 0 : i32
    %scan3A_24 = arith.constant 19 : i32
    %scan3A_25 = arith.addi %scan3A, %scan3A_24 : i32
    %scan3A_26 = arith.constant 1 : i32
    scf.for %scan3A_91 = %scan3A to %scan3A_25 step %scan3A_26  : i32 {
      %mul3A_92 = arith.constant 2 : i32
      %mul3A_93 = arith.muli %scan3A_91, %mul3A_92 : i32
      %add3A_94 = arith.constant 0 : i32
      %add3A_95 = arith.addi %add3A_94, %mul3A_93 : i32
      %add3A_96 = arith.constant 1 : i32
      %add3A_97 = arith.addi %add3A_95, %add3A_96 : i32
      %mul3A_98 = arith.constant 2 : i32
      %mul3A_99 = arith.muli %add3A_97, %mul3A_98 : i32
      %add3A_100 = arith.constant 0 : i32
      %add3A_101 = arith.addi %mul3A_99, %add3A_100 : i32
      %dma_start3A_102 = arith.constant 0 : i32
      %dma_start3A_103 = arith.constant 0 : i32
      %dma_start3A_104 = tpu.memref_slice %arg10[%dma_start3A_102, %dma_start3A_103] : memref<256x96xf32, #tpu.memory_space<vmem>> -> memref<128x96xf32, #tpu.memory_space<vmem>>
      %dma_start3A_105 = arith.constant 0 : i32
      %dma_start3A_106 = tpu.memref_slice %arg7[%add3A_101, %dma_start3A_105] : memref<80x128xi32, #tpu.memory_space<vmem>> -> memref<1x128xi32, #tpu.memory_space<vmem>>
      %dma_start3A_107 = tpu.memref_squeeze %dma_start3A_106 : memref<1x128xi32, #tpu.memory_space<vmem>> -> memref<128xi32, #tpu.memory_space<vmem>>
      %dma_start3A_108 = arith.constant 0 : i32
      %dma_start3A_109 = arith.constant 0 : i32
      %dma_start3A_110 = tpu.memref_slice %arg2[%dma_start3A_108, %dma_start3A_109] : memref<10000x96xf32, #tpu.memory_space<hbm>> -> memref<10000x96xf32, #tpu.memory_space<hbm>>
      tpu.enqueue_indirect_dma source(%dma_start3A_110 : memref<10000x96xf32, #tpu.memory_space<hbm>>) target(%dma_start3A_104 : memref<128x96xf32, #tpu.memory_space<vmem>>) offsets(%dma_start3A_107 : memref<128xi32, #tpu.memory_space<vmem>>) semaphore(%arg13 : memref<!tpu.dma_semaphore, #tpu.memory_space<semaphore_mem>>)
      %mul3A_111 = arith.constant 2 : i32
      %mul3A_112 = arith.muli %add3A_97, %mul3A_111 : i32
      %add3A_113 = arith.constant 1 : i32
      %add3A_114 = arith.addi %mul3A_112, %add3A_113 : i32
      %dma_start3A_115 = arith.constant 128 : i32
      %dma_start3A_116 = arith.constant 0 : i32
      %dma_start3A_117 = tpu.memref_slice %arg10[%dma_start3A_115, %dma_start3A_116] : memref<256x96xf32, #tpu.memory_space<vmem>> -> memref<128x96xf32, #tpu.memory_space<vmem>>
      %dma_start3A_118 = arith.constant 0 : i32
      %dma_start3A_119 = tpu.memref_slice %arg7[%add3A_114, %dma_start3A_118] : memref<80x128xi32, #tpu.memory_space<vmem>> -> memref<1x128xi32, #tpu.memory_space<vmem>>
      %dma_start3A_120 = tpu.memref_squeeze %dma_start3A_119 : memref<1x128xi32, #tpu.memory_space<vmem>> -> memref<128xi32, #tpu.memory_space<vmem>>
      %dma_start3A_121 = arith.constant 0 : i32
      %dma_start3A_122 = arith.constant 0 : i32
      %dma_start3A_123 = tpu.memref_slice %arg2[%dma_start3A_121, %dma_start3A_122] : memref<10000x96xf32, #tpu.memory_space<hbm>> -> memref<10000x96xf32, #tpu.memory_space<hbm>>
      tpu.enqueue_indirect_dma source(%dma_start3A_123 : memref<10000x96xf32, #tpu.memory_space<hbm>>) target(%dma_start3A_117 : memref<128x96xf32, #tpu.memory_space<vmem>>) offsets(%dma_start3A_120 : memref<128xi32, #tpu.memory_space<vmem>>) semaphore(%arg13 : memref<!tpu.dma_semaphore, #tpu.memory_space<semaphore_mem>>)
      %mul3A_124 = arith.constant 2 : i32
      %mul3A_125 = arith.muli %add3A_95, %mul3A_124 : i32
      %add3A_126 = arith.constant 0 : i32
      %add3A_127 = arith.addi %mul3A_125, %add3A_126 : i32
      %dma_wait3A_128 = arith.constant 0 : i32
      %dma_wait3A_129 = arith.constant 0 : i32
      %dma_wait3A_130 = tpu.memref_slice %arg9[%dma_wait3A_128, %dma_wait3A_129] : memref<256x96xf32, #tpu.memory_space<vmem>> -> memref<128x96xf32, #tpu.memory_space<vmem>>
      %dma_wait3A_131 = arith.constant 0 : i32
      %dma_wait3A_132 = tpu.memref_slice %arg7[%add3A_127, %dma_wait3A_131] : memref<80x128xi32, #tpu.memory_space<vmem>> -> memref<1x128xi32, #tpu.memory_space<vmem>>
      %dma_wait3A_133 = tpu.memref_squeeze %dma_wait3A_132 : memref<1x128xi32, #tpu.memory_space<vmem>> -> memref<128xi32, #tpu.memory_space<vmem>>
      %dma_wait3A_134 = arith.constant 0 : i32
      %dma_wait3A_135 = arith.constant 0 : i32
      %dma_wait3A_136 = tpu.memref_slice %arg2[%dma_wait3A_134, %dma_wait3A_135] : memref<10000x96xf32, #tpu.memory_space<hbm>> -> memref<10000x96xf32, #tpu.memory_space<hbm>>
      tpu.wait_indirect_dma semaphore(%arg12 : memref<!tpu.dma_semaphore, #tpu.memory_space<semaphore_mem>>) src(%dma_wait3A_136 : memref<10000x96xf32, #tpu.memory_space<hbm>>) dst(%dma_wait3A_130 : memref<128x96xf32, #tpu.memory_space<vmem>>)
      %mul3A_137 = arith.constant 2 : i32
      %mul3A_138 = arith.muli %add3A_95, %mul3A_137 : i32
      %add3A_139 = arith.constant 1 : i32
      %add3A_140 = arith.addi %mul3A_138, %add3A_139 : i32
      %dma_wait3A_141 = arith.constant 128 : i32
      %dma_wait3A_142 = arith.constant 0 : i32
      %dma_wait3A_143 = tpu.memref_slice %arg9[%dma_wait3A_141, %dma_wait3A_142] : memref<256x96xf32, #tpu.memory_space<vmem>> -> memref<128x96xf32, #tpu.memory_space<vmem>>
      %dma_wait3A_144 = arith.constant 0 : i32
      %dma_wait3A_145 = tpu.memref_slice %arg7[%add3A_140, %dma_wait3A_144] : memref<80x128xi32, #tpu.memory_space<vmem>> -> memref<1x128xi32, #tpu.memory_space<vmem>>
      %dma_wait3A_146 = tpu.memref_squeeze %dma_wait3A_145 : memref<1x128xi32, #tpu.memory_space<vmem>> -> memref<128xi32, #tpu.memory_space<vmem>>
      %dma_wait3A_147 = arith.constant 0 : i32
      %dma_wait3A_148 = arith.constant 0 : i32
      %dma_wait3A_149 = tpu.memref_slice %arg2[%dma_wait3A_147, %dma_wait3A_148] : memref<10000x96xf32, #tpu.memory_space<hbm>> -> memref<10000x96xf32, #tpu.memory_space<hbm>>
      tpu.wait_indirect_dma semaphore(%arg12 : memref<!tpu.dma_semaphore, #tpu.memory_space<semaphore_mem>>) src(%dma_wait3A_149 : memref<10000x96xf32, #tpu.memory_space<hbm>>) dst(%dma_wait3A_143 : memref<128x96xf32, #tpu.memory_space<vmem>>)
      %mul3A_150 = arith.constant 2 : i32
      %mul3A_151 = arith.muli %add3A_95, %mul3A_150 : i32
      %add3A_152 = arith.constant 0 : i32
      %add3A_153 = arith.addi %mul3A_151, %add3A_152 : i32
      "tpu.region"() ({
        %run_scoped3A_224 = tpu.sem_alloc : memref<!tpu.dma_semaphore, #tpu.memory_space<semaphore_mem>>
        %dma_start3A_225 = arith.constant 0 : i32
        %dma_start3A_226 = arith.constant 0 : i32
        %dma_start3A_227 = tpu.memref_slice %arg9[%dma_start3A_225, %dma_start3A_226] : memref<256x96xf32, #tpu.memory_space<vmem>> -> memref<128x96xf32, #tpu.memory_space<vmem>>
        %dma_start3A_228 = arith.constant 0 : i32
        %dma_start3A_229 = tpu.memref_slice %arg8[%add3A_153, %dma_start3A_228] : memref<80x128xi32, #tpu.memory_space<vmem>> -> memref<1x128xi32, #tpu.memory_space<vmem>>
        %dma_start3A_230 = tpu.memref_squeeze %dma_start3A_229 : memref<1x128xi32, #tpu.memory_space<vmem>> -> memref<128xi32, #tpu.memory_space<vmem>>
        %dma_start3A_231 = arith.constant 0 : i32
        %dma_start3A_232 = arith.constant 0 : i32
        %dma_start3A_233 = tpu.memref_slice %arg11[%dma_start3A_231, %dma_start3A_232] : memref<10112x96xf32, #tpu.memory_space<vmem_shared>> -> memref<10112x96xf32, #tpu.memory_space<vmem_shared>>
        tpu.enqueue_indirect_dma source(%dma_start3A_227 : memref<128x96xf32, #tpu.memory_space<vmem>>) target(%dma_start3A_233 : memref<10112x96xf32, #tpu.memory_space<vmem_shared>>) offsets(%dma_start3A_230 : memref<128xi32, #tpu.memory_space<vmem>>) semaphore(%run_scoped3A_224 : memref<!tpu.dma_semaphore, #tpu.memory_space<semaphore_mem>>) {add = true}
        %dma_wait3A_234 = arith.constant 0 : i32
        %dma_wait3A_235 = arith.constant 0 : i32
        %dma_wait3A_236 = tpu.memref_slice %arg9[%dma_wait3A_234, %dma_wait3A_235] : memref<256x96xf32, #tpu.memory_space<vmem>> -> memref<128x96xf32, #tpu.memory_space<vmem>>
        %dma_wait3A_237 = arith.constant 0 : i32
        %dma_wait3A_238 = tpu.memref_slice %arg8[%add3A_153, %dma_wait3A_237] : memref<80x128xi32, #tpu.memory_space<vmem>> -> memref<1x128xi32, #tpu.memory_space<vmem>>
        %dma_wait3A_239 = tpu.memref_squeeze %dma_wait3A_238 : memref<1x128xi32, #tpu.memory_space<vmem>> -> memref<128xi32, #tpu.memory_space<vmem>>
        %dma_wait3A_240 = arith.constant 0 : i32
        %dma_wait3A_241 = arith.constant 0 : i32
        %dma_wait3A_242 = tpu.memref_slice %arg11[%dma_wait3A_240, %dma_wait3A_241] : memref<10112x96xf32, #tpu.memory_space<vmem_shared>> -> memref<10112x96xf32, #tpu.memory_space<vmem_shared>>
        tpu.wait_indirect_dma semaphore(%run_scoped3A_224 : memref<!tpu.dma_semaphore, #tpu.memory_space<semaphore_mem>>) src(%dma_wait3A_236 : memref<128x96xf32, #tpu.memory_space<vmem>>) dst(%dma_wait3A_242 : memref<10112x96xf32, #tpu.memory_space<vmem_shared>>)
        tpu.yield
      }) : () -> ()
      %mul3A_154 = arith.constant 2 : i32
      %mul3A_155 = arith.muli %add3A_95, %mul3A_154 : i32
      %add3A_156 = arith.constant 1 : i32
      %add3A_157 = arith.addi %mul3A_155, %add3A_156 : i32
      "tpu.region"() ({
        %run_scoped3A_224 = tpu.sem_alloc : memref<!tpu.dma_semaphore, #tpu.memory_space<semaphore_mem>>
        %dma_start3A_225 = arith.constant 128 : i32
        %dma_start3A_226 = arith.constant 0 : i32
        %dma_start3A_227 = tpu.memref_slice %arg9[%dma_start3A_225, %dma_start3A_226] : memref<256x96xf32, #tpu.memory_space<vmem>> -> memref<128x96xf32, #tpu.memory_space<vmem>>
        %dma_start3A_228 = arith.constant 0 : i32
        %dma_start3A_229 = tpu.memref_slice %arg8[%add3A_157, %dma_start3A_228] : memref<80x128xi32, #tpu.memory_space<vmem>> -> memref<1x128xi32, #tpu.memory_space<vmem>>
        %dma_start3A_230 = tpu.memref_squeeze %dma_start3A_229 : memref<1x128xi32, #tpu.memory_space<vmem>> -> memref<128xi32, #tpu.memory_space<vmem>>
        %dma_start3A_231 = arith.constant 0 : i32
        %dma_start3A_232 = arith.constant 0 : i32
        %dma_start3A_233 = tpu.memref_slice %arg11[%dma_start3A_231, %dma_start3A_232] : memref<10112x96xf32, #tpu.memory_space<vmem_shared>> -> memref<10112x96xf32, #tpu.memory_space<vmem_shared>>
        tpu.enqueue_indirect_dma source(%dma_start3A_227 : memref<128x96xf32, #tpu.memory_space<vmem>>) target(%dma_start3A_233 : memref<10112x96xf32, #tpu.memory_space<vmem_shared>>) offsets(%dma_start3A_230 : memref<128xi32, #tpu.memory_space<vmem>>) semaphore(%run_scoped3A_224 : memref<!tpu.dma_semaphore, #tpu.memory_space<semaphore_mem>>) {add = true}
        %dma_wait3A_234 = arith.constant 128 : i32
        %dma_wait3A_235 = arith.constant 0 : i32
        %dma_wait3A_236 = tpu.memref_slice %arg9[%dma_wait3A_234, %dma_wait3A_235] : memref<256x96xf32, #tpu.memory_space<vmem>> -> memref<128x96xf32, #tpu.memory_space<vmem>>
        %dma_wait3A_237 = arith.constant 0 : i32
        %dma_wait3A_238 = tpu.memref_slice %arg8[%add3A_157, %dma_wait3A_237] : memref<80x128xi32, #tpu.memory_space<vmem>> -> memref<1x128xi32, #tpu.memory_space<vmem>>
        %dma_wait3A_239 = tpu.memref_squeeze %dma_wait3A_238 : memref<1x128xi32, #tpu.memory_space<vmem>> -> memref<128xi32, #tpu.memory_space<vmem>>
        %dma_wait3A_240 = arith.constant 0 : i32
        %dma_wait3A_241 = arith.constant 0 : i32
        %dma_wait3A_242 = tpu.memref_slice %arg11[%dma_wait3A_240, %dma_wait3A_241] : memref<10112x96xf32, #tpu.memory_space<vmem_shared>> -> memref<10112x96xf32, #tpu.memory_space<vmem_shared>>
        tpu.wait_indirect_dma semaphore(%run_scoped3A_224 : memref<!tpu.dma_semaphore, #tpu.memory_space<semaphore_mem>>) src(%dma_wait3A_236 : memref<128x96xf32, #tpu.memory_space<vmem>>) dst(%dma_wait3A_242 : memref<10112x96xf32, #tpu.memory_space<vmem_shared>>)
        tpu.yield
      }) : () -> ()
      %add3A_158 = arith.constant 2 : i32
      %add3A_159 = arith.addi %add3A_95, %add3A_158 : i32
      %mul3A_160 = arith.constant 2 : i32
      %mul3A_161 = arith.muli %add3A_159, %mul3A_160 : i32
      %add3A_162 = arith.constant 0 : i32
      %add3A_163 = arith.addi %mul3A_161, %add3A_162 : i32
      %dma_start3A_164 = arith.constant 0 : i32
      %dma_start3A_165 = arith.constant 0 : i32
      %dma_start3A_166 = tpu.memref_slice %arg9[%dma_start3A_164, %dma_start3A_165] : memref<256x96xf32, #tpu.memory_space<vmem>> -> memref<128x96xf32, #tpu.memory_space<vmem>>
      %dma_start3A_167 = arith.constant 0 : i32
      %dma_start3A_168 = tpu.memref_slice %arg7[%add3A_163, %dma_start3A_167] : memref<80x128xi32, #tpu.memory_space<vmem>> -> memref<1x128xi32, #tpu.memory_space<vmem>>
      %dma_start3A_169 = tpu.memref_squeeze %dma_start3A_168 : memref<1x128xi32, #tpu.memory_space<vmem>> -> memref<128xi32, #tpu.memory_space<vmem>>
      %dma_start3A_170 = arith.constant 0 : i32
      %dma_start3A_171 = arith.constant 0 : i32
      %dma_start3A_172 = tpu.memref_slice %arg2[%dma_start3A_170, %dma_start3A_171] : memref<10000x96xf32, #tpu.memory_space<hbm>> -> memref<10000x96xf32, #tpu.memory_space<hbm>>
      tpu.enqueue_indirect_dma source(%dma_start3A_172 : memref<10000x96xf32, #tpu.memory_space<hbm>>) target(%dma_start3A_166 : memref<128x96xf32, #tpu.memory_space<vmem>>) offsets(%dma_start3A_169 : memref<128xi32, #tpu.memory_space<vmem>>) semaphore(%arg12 : memref<!tpu.dma_semaphore, #tpu.memory_space<semaphore_mem>>)
      %mul3A_173 = arith.constant 2 : i32
      %mul3A_174 = arith.muli %add3A_159, %mul3A_173 : i32
      %add3A_175 = arith.constant 1 : i32
      %add3A_176 = arith.addi %mul3A_174, %add3A_175 : i32
      %dma_start3A_177 = arith.constant 128 : i32
      %dma_start3A_178 = arith.constant 0 : i32
      %dma_start3A_179 = tpu.memref_slice %arg9[%dma_start3A_177, %dma_start3A_178] : memref<256x96xf32, #tpu.memory_space<vmem>> -> memref<128x96xf32, #tpu.memory_space<vmem>>
      %dma_start3A_180 = arith.constant 0 : i32
      %dma_start3A_181 = tpu.memref_slice %arg7[%add3A_176, %dma_start3A_180] : memref<80x128xi32, #tpu.memory_space<vmem>> -> memref<1x128xi32, #tpu.memory_space<vmem>>
      %dma_start3A_182 = tpu.memref_squeeze %dma_start3A_181 : memref<1x128xi32, #tpu.memory_space<vmem>> -> memref<128xi32, #tpu.memory_space<vmem>>
      %dma_start3A_183 = arith.constant 0 : i32
      %dma_start3A_184 = arith.constant 0 : i32
      %dma_start3A_185 = tpu.memref_slice %arg2[%dma_start3A_183, %dma_start3A_184] : memref<10000x96xf32, #tpu.memory_space<hbm>> -> memref<10000x96xf32, #tpu.memory_space<hbm>>
      tpu.enqueue_indirect_dma source(%dma_start3A_185 : memref<10000x96xf32, #tpu.memory_space<hbm>>) target(%dma_start3A_179 : memref<128x96xf32, #tpu.memory_space<vmem>>) offsets(%dma_start3A_182 : memref<128xi32, #tpu.memory_space<vmem>>) semaphore(%arg12 : memref<!tpu.dma_semaphore, #tpu.memory_space<semaphore_mem>>)
      %add3A_186 = arith.constant 1 : i32
      %add3A_187 = arith.addi %add3A_95, %add3A_186 : i32
      %mul3A_188 = arith.constant 2 : i32
      %mul3A_189 = arith.muli %add3A_187, %mul3A_188 : i32
      %add3A_190 = arith.constant 0 : i32
      %add3A_191 = arith.addi %mul3A_189, %add3A_190 : i32
      %dma_wait3A_192 = arith.constant 0 : i32
      %dma_wait3A_193 = arith.constant 0 : i32
      %dma_wait3A_194 = tpu.memref_slice %arg10[%dma_wait3A_192, %dma_wait3A_193] : memref<256x96xf32, #tpu.memory_space<vmem>> -> memref<128x96xf32, #tpu.memory_space<vmem>>
      %dma_wait3A_195 = arith.constant 0 : i32
      %dma_wait3A_196 = tpu.memref_slice %arg7[%add3A_191, %dma_wait3A_195] : memref<80x128xi32, #tpu.memory_space<vmem>> -> memref<1x128xi32, #tpu.memory_space<vmem>>
      %dma_wait3A_197 = tpu.memref_squeeze %dma_wait3A_196 : memref<1x128xi32, #tpu.memory_space<vmem>> -> memref<128xi32, #tpu.memory_space<vmem>>
      %dma_wait3A_198 = arith.constant 0 : i32
      %dma_wait3A_199 = arith.constant 0 : i32
      %dma_wait3A_200 = tpu.memref_slice %arg2[%dma_wait3A_198, %dma_wait3A_199] : memref<10000x96xf32, #tpu.memory_space<hbm>> -> memref<10000x96xf32, #tpu.memory_space<hbm>>
      tpu.wait_indirect_dma semaphore(%arg13 : memref<!tpu.dma_semaphore, #tpu.memory_space<semaphore_mem>>) src(%dma_wait3A_200 : memref<10000x96xf32, #tpu.memory_space<hbm>>) dst(%dma_wait3A_194 : memref<128x96xf32, #tpu.memory_space<vmem>>)
      %mul3A_201 = arith.constant 2 : i32
      %mul3A_202 = arith.muli %add3A_187, %mul3A_201 : i32
      %add3A_203 = arith.constant 1 : i32
      %add3A_204 = arith.addi %mul3A_202, %add3A_203 : i32
      %dma_wait3A_205 = arith.constant 128 : i32
      %dma_wait3A_206 = arith.constant 0 : i32
      %dma_wait3A_207 = tpu.memref_slice %arg10[%dma_wait3A_205, %dma_wait3A_206] : memref<256x96xf32, #tpu.memory_space<vmem>> -> memref<128x96xf32, #tpu.memory_space<vmem>>
      %dma_wait3A_208 = arith.constant 0 : i32
      %dma_wait3A_209 = tpu.memref_slice %arg7[%add3A_204, %dma_wait3A_208] : memref<80x128xi32, #tpu.memory_space<vmem>> -> memref<1x128xi32, #tpu.memory_space<vmem>>
      %dma_wait3A_210 = tpu.memref_squeeze %dma_wait3A_209 : memref<1x128xi32, #tpu.memory_space<vmem>> -> memref<128xi32, #tpu.memory_space<vmem>>
      %dma_wait3A_211 = arith.constant 0 : i32
      %dma_wait3A_212 = arith.constant 0 : i32
      %dma_wait3A_213 = tpu.memref_slice %arg2[%dma_wait3A_211, %dma_wait3A_212] : memref<10000x96xf32, #tpu.memory_space<hbm>> -> memref<10000x96xf32, #tpu.memory_space<hbm>>
      tpu.wait_indirect_dma semaphore(%arg13 : memref<!tpu.dma_semaphore, #tpu.memory_space<semaphore_mem>>) src(%dma_wait3A_213 : memref<10000x96xf32, #tpu.memory_space<hbm>>) dst(%dma_wait3A_207 : memref<128x96xf32, #tpu.memory_space<vmem>>)
      %add3A_214 = arith.constant 1 : i32
      %add3A_215 = arith.addi %add3A_95, %add3A_214 : i32
      %mul3A_216 = arith.constant 2 : i32
      %mul3A_217 = arith.muli %add3A_215, %mul3A_216 : i32
      %add3A_218 = arith.constant 0 : i32
      %add3A_219 = arith.addi %mul3A_217, %add3A_218 : i32
      "tpu.region"() ({
        %run_scoped3A_224 = tpu.sem_alloc : memref<!tpu.dma_semaphore, #tpu.memory_space<semaphore_mem>>
        %dma_start3A_225 = arith.constant 0 : i32
        %dma_start3A_226 = arith.constant 0 : i32
        %dma_start3A_227 = tpu.memref_slice %arg10[%dma_start3A_225, %dma_start3A_226] : memref<256x96xf32, #tpu.memory_space<vmem>> -> memref<128x96xf32, #tpu.memory_space<vmem>>
        %dma_start3A_228 = arith.constant 0 : i32
        %dma_start3A_229 = tpu.memref_slice %arg8[%add3A_219, %dma_start3A_228] : memref<80x128xi32, #tpu.memory_space<vmem>> -> memref<1x128xi32, #tpu.memory_space<vmem>>
        %dma_start3A_230 = tpu.memref_squeeze %dma_start3A_229 : memref<1x128xi32, #tpu.memory_space<vmem>> -> memref<128xi32, #tpu.memory_space<vmem>>
        %dma_start3A_231 = arith.constant 0 : i32
        %dma_start3A_232 = arith.constant 0 : i32
        %dma_start3A_233 = tpu.memref_slice %arg11[%dma_start3A_231, %dma_start3A_232] : memref<10112x96xf32, #tpu.memory_space<vmem_shared>> -> memref<10112x96xf32, #tpu.memory_space<vmem_shared>>
        tpu.enqueue_indirect_dma source(%dma_start3A_227 : memref<128x96xf32, #tpu.memory_space<vmem>>) target(%dma_start3A_233 : memref<10112x96xf32, #tpu.memory_space<vmem_shared>>) offsets(%dma_start3A_230 : memref<128xi32, #tpu.memory_space<vmem>>) semaphore(%run_scoped3A_224 : memref<!tpu.dma_semaphore, #tpu.memory_space<semaphore_mem>>) {add = true}
        %dma_wait3A_234 = arith.constant 0 : i32
        %dma_wait3A_235 = arith.constant 0 : i32
        %dma_wait3A_236 = tpu.memref_slice %arg10[%dma_wait3A_234, %dma_wait3A_235] : memref<256x96xf32, #tpu.memory_space<vmem>> -> memref<128x96xf32, #tpu.memory_space<vmem>>
        %dma_wait3A_237 = arith.constant 0 : i32
        %dma_wait3A_238 = tpu.memref_slice %arg8[%add3A_219, %dma_wait3A_237] : memref<80x128xi32, #tpu.memory_space<vmem>> -> memref<1x128xi32, #tpu.memory_space<vmem>>
        %dma_wait3A_239 = tpu.memref_squeeze %dma_wait3A_238 : memref<1x128xi32, #tpu.memory_space<vmem>> -> memref<128xi32, #tpu.memory_space<vmem>>
        %dma_wait3A_240 = arith.constant 0 : i32
        %dma_wait3A_241 = arith.constant 0 : i32
        %dma_wait3A_242 = tpu.memref_slice %arg11[%dma_wait3A_240, %dma_wait3A_241] : memref<10112x96xf32, #tpu.memory_space<vmem_shared>> -> memref<10112x96xf32, #tpu.memory_space<vmem_shared>>
        tpu.wait_indirect_dma semaphore(%run_scoped3A_224 : memref<!tpu.dma_semaphore, #tpu.memory_space<semaphore_mem>>) src(%dma_wait3A_236 : memref<128x96xf32, #tpu.memory_space<vmem>>) dst(%dma_wait3A_242 : memref<10112x96xf32, #tpu.memory_space<vmem_shared>>)
        tpu.yield
      }) : () -> ()
      %mul3A_220 = arith.constant 2 : i32
      %mul3A_221 = arith.muli %add3A_215, %mul3A_220 : i32
      %add3A_222 = arith.constant 1 : i32
      %add3A_223 = arith.addi %mul3A_221, %add3A_222 : i32
      "tpu.region"() ({
        %run_scoped3A_224 = tpu.sem_alloc : memref<!tpu.dma_semaphore, #tpu.memory_space<semaphore_mem>>
        %dma_start3A_225 = arith.constant 128 : i32
        %dma_start3A_226 = arith.constant 0 : i32
        %dma_start3A_227 = tpu.memref_slice %arg10[%dma_start3A_225, %dma_start3A_226] : memref<256x96xf32, #tpu.memory_space<vmem>> -> memref<128x96xf32, #tpu.memory_space<vmem>>
        %dma_start3A_228 = arith.constant 0 : i32
        %dma_start3A_229 = tpu.memref_slice %arg8[%add3A_223, %dma_start3A_228] : memref<80x128xi32, #tpu.memory_space<vmem>> -> memref<1x128xi32, #tpu.memory_space<vmem>>
        %dma_start3A_230 = tpu.memref_squeeze %dma_start3A_229 : memref<1x128xi32, #tpu.memory_space<vmem>> -> memref<128xi32, #tpu.memory_space<vmem>>
        %dma_start3A_231 = arith.constant 0 : i32
        %dma_start3A_232 = arith.constant 0 : i32
        %dma_start3A_233 = tpu.memref_slice %arg11[%dma_start3A_231, %dma_start3A_232] : memref<10112x96xf32, #tpu.memory_space<vmem_shared>> -> memref<10112x96xf32, #tpu.memory_space<vmem_shared>>
        tpu.enqueue_indirect_dma source(%dma_start3A_227 : memref<128x96xf32, #tpu.memory_space<vmem>>) target(%dma_start3A_233 : memref<10112x96xf32, #tpu.memory_space<vmem_shared>>) offsets(%dma_start3A_230 : memref<128xi32, #tpu.memory_space<vmem>>) semaphore(%run_scoped3A_224 : memref<!tpu.dma_semaphore, #tpu.memory_space<semaphore_mem>>) {add = true}
        %dma_wait3A_234 = arith.constant 128 : i32
        %dma_wait3A_235 = arith.constant 0 : i32
        %dma_wait3A_236 = tpu.memref_slice %arg10[%dma_wait3A_234, %dma_wait3A_235] : memref<256x96xf32, #tpu.memory_space<vmem>> -> memref<128x96xf32, #tpu.memory_space<vmem>>
        %dma_wait3A_237 = arith.constant 0 : i32
        %dma_wait3A_238 = tpu.memref_slice %arg8[%add3A_223, %dma_wait3A_237] : memref<80x128xi32, #tpu.memory_space<vmem>> -> memref<1x128xi32, #tpu.memory_space<vmem>>
        %dma_wait3A_239 = tpu.memref_squeeze %dma_wait3A_238 : memref<1x128xi32, #tpu.memory_space<vmem>> -> memref<128xi32, #tpu.memory_space<vmem>>
        %dma_wait3A_240 = arith.constant 0 : i32
        %dma_wait3A_241 = arith.constant 0 : i32
        %dma_wait3A_242 = tpu.memref_slice %arg11[%dma_wait3A_240, %dma_wait3A_241] : memref<10112x96xf32, #tpu.memory_space<vmem_shared>> -> memref<10112x96xf32, #tpu.memory_space<vmem_shared>>
        tpu.wait_indirect_dma semaphore(%run_scoped3A_224 : memref<!tpu.dma_semaphore, #tpu.memory_space<semaphore_mem>>) src(%dma_wait3A_236 : memref<128x96xf32, #tpu.memory_space<vmem>>) dst(%dma_wait3A_242 : memref<10112x96xf32, #tpu.memory_space<vmem_shared>>)
        tpu.yield
      }) : () -> ()
    }
    %scan3A_27 = arith.constant 19 : i32
    %dma_start3A_28 = arith.constant 78 : i32
    %dma_start3A_29 = arith.constant 0 : i32
    %dma_start3A_30 = arith.constant 0 : i32
    %dma_start3A_31 = tpu.memref_slice %arg10[%dma_start3A_29, %dma_start3A_30] : memref<256x96xf32, #tpu.memory_space<vmem>> -> memref<128x96xf32, #tpu.memory_space<vmem>>
    %dma_start3A_32 = arith.constant 0 : i32
    %dma_start3A_33 = tpu.memref_slice %arg7[%dma_start3A_28, %dma_start3A_32] : memref<80x128xi32, #tpu.memory_space<vmem>> -> memref<1x128xi32, #tpu.memory_space<vmem>>
    %dma_start3A_34 = tpu.memref_squeeze %dma_start3A_33 : memref<1x128xi32, #tpu.memory_space<vmem>> -> memref<128xi32, #tpu.memory_space<vmem>>
    %dma_start3A_35 = arith.constant 0 : i32
    %dma_start3A_36 = arith.constant 0 : i32
    %dma_start3A_37 = tpu.memref_slice %arg2[%dma_start3A_35, %dma_start3A_36] : memref<10000x96xf32, #tpu.memory_space<hbm>> -> memref<10000x96xf32, #tpu.memory_space<hbm>>
    tpu.enqueue_indirect_dma source(%dma_start3A_37 : memref<10000x96xf32, #tpu.memory_space<hbm>>) target(%dma_start3A_31 : memref<128x96xf32, #tpu.memory_space<vmem>>) offsets(%dma_start3A_34 : memref<128xi32, #tpu.memory_space<vmem>>) semaphore(%arg13 : memref<!tpu.dma_semaphore, #tpu.memory_space<semaphore_mem>>)
    %dma_start3A_38 = arith.constant 79 : i32
    %dma_start3A_39 = arith.constant 128 : i32
    %dma_start3A_40 = arith.constant 0 : i32
    %dma_start3A_41 = tpu.memref_slice %arg10[%dma_start3A_39, %dma_start3A_40] : memref<256x96xf32, #tpu.memory_space<vmem>> -> memref<128x96xf32, #tpu.memory_space<vmem>>
    %dma_start3A_42 = arith.constant 0 : i32
    %dma_start3A_43 = tpu.memref_slice %arg7[%dma_start3A_38, %dma_start3A_42] : memref<80x128xi32, #tpu.memory_space<vmem>> -> memref<1x128xi32, #tpu.memory_space<vmem>>
    %dma_start3A_44 = tpu.memref_squeeze %dma_start3A_43 : memref<1x128xi32, #tpu.memory_space<vmem>> -> memref<128xi32, #tpu.memory_space<vmem>>
    %dma_start3A_45 = arith.constant 0 : i32
    %dma_start3A_46 = arith.constant 0 : i32
    %dma_start3A_47 = tpu.memref_slice %arg2[%dma_start3A_45, %dma_start3A_46] : memref<10000x96xf32, #tpu.memory_space<hbm>> -> memref<10000x96xf32, #tpu.memory_space<hbm>>
    tpu.enqueue_indirect_dma source(%dma_start3A_47 : memref<10000x96xf32, #tpu.memory_space<hbm>>) target(%dma_start3A_41 : memref<128x96xf32, #tpu.memory_space<vmem>>) offsets(%dma_start3A_44 : memref<128xi32, #tpu.memory_space<vmem>>) semaphore(%arg13 : memref<!tpu.dma_semaphore, #tpu.memory_space<semaphore_mem>>)
    %dma_wait3A = arith.constant 76 : i32
    %dma_wait3A_48 = arith.constant 0 : i32
    %dma_wait3A_49 = arith.constant 0 : i32
    %dma_wait3A_50 = tpu.memref_slice %arg9[%dma_wait3A_48, %dma_wait3A_49] : memref<256x96xf32, #tpu.memory_space<vmem>> -> memref<128x96xf32, #tpu.memory_space<vmem>>
    %dma_wait3A_51 = arith.constant 0 : i32
    %dma_wait3A_52 = tpu.memref_slice %arg7[%dma_wait3A, %dma_wait3A_51] : memref<80x128xi32, #tpu.memory_space<vmem>> -> memref<1x128xi32, #tpu.memory_space<vmem>>
    %dma_wait3A_53 = tpu.memref_squeeze %dma_wait3A_52 : memref<1x128xi32, #tpu.memory_space<vmem>> -> memref<128xi32, #tpu.memory_space<vmem>>
    %dma_wait3A_54 = arith.constant 0 : i32
    %dma_wait3A_55 = arith.constant 0 : i32
    %dma_wait3A_56 = tpu.memref_slice %arg2[%dma_wait3A_54, %dma_wait3A_55] : memref<10000x96xf32, #tpu.memory_space<hbm>> -> memref<10000x96xf32, #tpu.memory_space<hbm>>
    tpu.wait_indirect_dma semaphore(%arg12 : memref<!tpu.dma_semaphore, #tpu.memory_space<semaphore_mem>>) src(%dma_wait3A_56 : memref<10000x96xf32, #tpu.memory_space<hbm>>) dst(%dma_wait3A_50 : memref<128x96xf32, #tpu.memory_space<vmem>>)
    %dma_wait3A_57 = arith.constant 77 : i32
    %dma_wait3A_58 = arith.constant 128 : i32
    %dma_wait3A_59 = arith.constant 0 : i32
    %dma_wait3A_60 = tpu.memref_slice %arg9[%dma_wait3A_58, %dma_wait3A_59] : memref<256x96xf32, #tpu.memory_space<vmem>> -> memref<128x96xf32, #tpu.memory_space<vmem>>
    %dma_wait3A_61 = arith.constant 0 : i32
    %dma_wait3A_62 = tpu.memref_slice %arg7[%dma_wait3A_57, %dma_wait3A_61] : memref<80x128xi32, #tpu.memory_space<vmem>> -> memref<1x128xi32, #tpu.memory_space<vmem>>
    %dma_wait3A_63 = tpu.memref_squeeze %dma_wait3A_62 : memref<1x128xi32, #tpu.memory_space<vmem>> -> memref<128xi32, #tpu.memory_space<vmem>>
    %dma_wait3A_64 = arith.constant 0 : i32
    %dma_wait3A_65 = arith.constant 0 : i32
    %dma_wait3A_66 = tpu.memref_slice %arg2[%dma_wait3A_64, %dma_wait3A_65] : memref<10000x96xf32, #tpu.memory_space<hbm>> -> memref<10000x96xf32, #tpu.memory_space<hbm>>
    tpu.wait_indirect_dma semaphore(%arg12 : memref<!tpu.dma_semaphore, #tpu.memory_space<semaphore_mem>>) src(%dma_wait3A_66 : memref<10000x96xf32, #tpu.memory_space<hbm>>) dst(%dma_wait3A_60 : memref<128x96xf32, #tpu.memory_space<vmem>>)
    %run_scoped3A = arith.constant 76 : i32
    "tpu.region"() ({
      %run_scoped3A_91 = tpu.sem_alloc : memref<!tpu.dma_semaphore, #tpu.memory_space<semaphore_mem>>
      %dma_start3A_92 = arith.constant 0 : i32
      %dma_start3A_93 = arith.constant 0 : i32
      %dma_start3A_94 = tpu.memref_slice %arg9[%dma_start3A_92, %dma_start3A_93] : memref<256x96xf32, #tpu.memory_space<vmem>> -> memref<128x96xf32, #tpu.memory_space<vmem>>
      %dma_start3A_95 = arith.constant 0 : i32
      %dma_start3A_96 = tpu.memref_slice %arg8[%run_scoped3A, %dma_start3A_95] : memref<80x128xi32, #tpu.memory_space<vmem>> -> memref<1x128xi32, #tpu.memory_space<vmem>>
      %dma_start3A_97 = tpu.memref_squeeze %dma_start3A_96 : memref<1x128xi32, #tpu.memory_space<vmem>> -> memref<128xi32, #tpu.memory_space<vmem>>
      %dma_start3A_98 = arith.constant 0 : i32
      %dma_start3A_99 = arith.constant 0 : i32
      %dma_start3A_100 = tpu.memref_slice %arg11[%dma_start3A_98, %dma_start3A_99] : memref<10112x96xf32, #tpu.memory_space<vmem_shared>> -> memref<10112x96xf32, #tpu.memory_space<vmem_shared>>
      tpu.enqueue_indirect_dma source(%dma_start3A_94 : memref<128x96xf32, #tpu.memory_space<vmem>>) target(%dma_start3A_100 : memref<10112x96xf32, #tpu.memory_space<vmem_shared>>) offsets(%dma_start3A_97 : memref<128xi32, #tpu.memory_space<vmem>>) semaphore(%run_scoped3A_91 : memref<!tpu.dma_semaphore, #tpu.memory_space<semaphore_mem>>) {add = true}
      %dma_wait3A_101 = arith.constant 0 : i32
      %dma_wait3A_102 = arith.constant 0 : i32
      %dma_wait3A_103 = tpu.memref_slice %arg9[%dma_wait3A_101, %dma_wait3A_102] : memref<256x96xf32, #tpu.memory_space<vmem>> -> memref<128x96xf32, #tpu.memory_space<vmem>>
      %dma_wait3A_104 = arith.constant 0 : i32
      %dma_wait3A_105 = tpu.memref_slice %arg8[%run_scoped3A, %dma_wait3A_104] : memref<80x128xi32, #tpu.memory_space<vmem>> -> memref<1x128xi32, #tpu.memory_space<vmem>>
      %dma_wait3A_106 = tpu.memref_squeeze %dma_wait3A_105 : memref<1x128xi32, #tpu.memory_space<vmem>> -> memref<128xi32, #tpu.memory_space<vmem>>
      %dma_wait3A_107 = arith.constant 0 : i32
      %dma_wait3A_108 = arith.constant 0 : i32
      %dma_wait3A_109 = tpu.memref_slice %arg11[%dma_wait3A_107, %dma_wait3A_108] : memref<10112x96xf32, #tpu.memory_space<vmem_shared>> -> memref<10112x96xf32, #tpu.memory_space<vmem_shared>>
      tpu.wait_indirect_dma semaphore(%run_scoped3A_91 : memref<!tpu.dma_semaphore, #tpu.memory_space<semaphore_mem>>) src(%dma_wait3A_103 : memref<128x96xf32, #tpu.memory_space<vmem>>) dst(%dma_wait3A_109 : memref<10112x96xf32, #tpu.memory_space<vmem_shared>>)
      tpu.yield
    }) : () -> ()
    %run_scoped3A_67 = arith.constant 77 : i32
    "tpu.region"() ({
      %run_scoped3A_91 = tpu.sem_alloc : memref<!tpu.dma_semaphore, #tpu.memory_space<semaphore_mem>>
      %dma_start3A_92 = arith.constant 128 : i32
      %dma_start3A_93 = arith.constant 0 : i32
      %dma_start3A_94 = tpu.memref_slice %arg9[%dma_start3A_92, %dma_start3A_93] : memref<256x96xf32, #tpu.memory_space<vmem>> -> memref<128x96xf32, #tpu.memory_space<vmem>>
      %dma_start3A_95 = arith.constant 0 : i32
      %dma_start3A_96 = tpu.memref_slice %arg8[%run_scoped3A_67, %dma_start3A_95] : memref<80x128xi32, #tpu.memory_space<vmem>> -> memref<1x128xi32, #tpu.memory_space<vmem>>
      %dma_start3A_97 = tpu.memref_squeeze %dma_start3A_96 : memref<1x128xi32, #tpu.memory_space<vmem>> -> memref<128xi32, #tpu.memory_space<vmem>>
      %dma_start3A_98 = arith.constant 0 : i32
      %dma_start3A_99 = arith.constant 0 : i32
      %dma_start3A_100 = tpu.memref_slice %arg11[%dma_start3A_98, %dma_start3A_99] : memref<10112x96xf32, #tpu.memory_space<vmem_shared>> -> memref<10112x96xf32, #tpu.memory_space<vmem_shared>>
      tpu.enqueue_indirect_dma source(%dma_start3A_94 : memref<128x96xf32, #tpu.memory_space<vmem>>) target(%dma_start3A_100 : memref<10112x96xf32, #tpu.memory_space<vmem_shared>>) offsets(%dma_start3A_97 : memref<128xi32, #tpu.memory_space<vmem>>) semaphore(%run_scoped3A_91 : memref<!tpu.dma_semaphore, #tpu.memory_space<semaphore_mem>>) {add = true}
      %dma_wait3A_101 = arith.constant 128 : i32
      %dma_wait3A_102 = arith.constant 0 : i32
      %dma_wait3A_103 = tpu.memref_slice %arg9[%dma_wait3A_101, %dma_wait3A_102] : memref<256x96xf32, #tpu.memory_space<vmem>> -> memref<128x96xf32, #tpu.memory_space<vmem>>
      %dma_wait3A_104 = arith.constant 0 : i32
      %dma_wait3A_105 = tpu.memref_slice %arg8[%run_scoped3A_67, %dma_wait3A_104] : memref<80x128xi32, #tpu.memory_space<vmem>> -> memref<1x128xi32, #tpu.memory_space<vmem>>
      %dma_wait3A_106 = tpu.memref_squeeze %dma_wait3A_105 : memref<1x128xi32, #tpu.memory_space<vmem>> -> memref<128xi32, #tpu.memory_space<vmem>>
      %dma_wait3A_107 = arith.constant 0 : i32
      %dma_wait3A_108 = arith.constant 0 : i32
      %dma_wait3A_109 = tpu.memref_slice %arg11[%dma_wait3A_107, %dma_wait3A_108] : memref<10112x96xf32, #tpu.memory_space<vmem_shared>> -> memref<10112x96xf32, #tpu.memory_space<vmem_shared>>
      tpu.wait_indirect_dma semaphore(%run_scoped3A_91 : memref<!tpu.dma_semaphore, #tpu.memory_space<semaphore_mem>>) src(%dma_wait3A_103 : memref<128x96xf32, #tpu.memory_space<vmem>>) dst(%dma_wait3A_109 : memref<10112x96xf32, #tpu.memory_space<vmem_shared>>)
      tpu.yield
    }) : () -> ()
    %dma_wait3A_68 = arith.constant 78 : i32
    %dma_wait3A_69 = arith.constant 0 : i32
    %dma_wait3A_70 = arith.constant 0 : i32
    %dma_wait3A_71 = tpu.memref_slice %arg10[%dma_wait3A_69, %dma_wait3A_70] : memref<256x96xf32, #tpu.memory_space<vmem>> -> memref<128x96xf32, #tpu.memory_space<vmem>>
    %dma_wait3A_72 = arith.constant 0 : i32
    %dma_wait3A_73 = tpu.memref_slice %arg7[%dma_wait3A_68, %dma_wait3A_72] : memref<80x128xi32, #tpu.memory_space<vmem>> -> memref<1x128xi32, #tpu.memory_space<vmem>>
    %dma_wait3A_74 = tpu.memref_squeeze %dma_wait3A_73 : memref<1x128xi32, #tpu.memory_space<vmem>> -> memref<128xi32, #tpu.memory_space<vmem>>
    %dma_wait3A_75 = arith.constant 0 : i32
    %dma_wait3A_76 = arith.constant 0 : i32
    %dma_wait3A_77 = tpu.memref_slice %arg2[%dma_wait3A_75, %dma_wait3A_76] : memref<10000x96xf32, #tpu.memory_space<hbm>> -> memref<10000x96xf32, #tpu.memory_space<hbm>>
    tpu.wait_indirect_dma semaphore(%arg13 : memref<!tpu.dma_semaphore, #tpu.memory_space<semaphore_mem>>) src(%dma_wait3A_77 : memref<10000x96xf32, #tpu.memory_space<hbm>>) dst(%dma_wait3A_71 : memref<128x96xf32, #tpu.memory_space<vmem>>)
    %dma_wait3A_78 = arith.constant 79 : i32
    %dma_wait3A_79 = arith.constant 128 : i32
    %dma_wait3A_80 = arith.constant 0 : i32
    %dma_wait3A_81 = tpu.memref_slice %arg10[%dma_wait3A_79, %dma_wait3A_80] : memref<256x96xf32, #tpu.memory_space<vmem>> -> memref<128x96xf32, #tpu.memory_space<vmem>>
    %dma_wait3A_82 = arith.constant 0 : i32
    %dma_wait3A_83 = tpu.memref_slice %arg7[%dma_wait3A_78, %dma_wait3A_82] : memref<80x128xi32, #tpu.memory_space<vmem>> -> memref<1x128xi32, #tpu.memory_space<vmem>>
    %dma_wait3A_84 = tpu.memref_squeeze %dma_wait3A_83 : memref<1x128xi32, #tpu.memory_space<vmem>> -> memref<128xi32, #tpu.memory_space<vmem>>
    %dma_wait3A_85 = arith.constant 0 : i32
    %dma_wait3A_86 = arith.constant 0 : i32
    %dma_wait3A_87 = tpu.memref_slice %arg2[%dma_wait3A_85, %dma_wait3A_86] : memref<10000x96xf32, #tpu.memory_space<hbm>> -> memref<10000x96xf32, #tpu.memory_space<hbm>>
    tpu.wait_indirect_dma semaphore(%arg13 : memref<!tpu.dma_semaphore, #tpu.memory_space<semaphore_mem>>) src(%dma_wait3A_87 : memref<10000x96xf32, #tpu.memory_space<hbm>>) dst(%dma_wait3A_81 : memref<128x96xf32, #tpu.memory_space<vmem>>)
    %run_scoped3A_88 = arith.constant 78 : i32
    "tpu.region"() ({
      %run_scoped3A_91 = tpu.sem_alloc : memref<!tpu.dma_semaphore, #tpu.memory_space<semaphore_mem>>
      %dma_start3A_92 = arith.constant 0 : i32
      %dma_start3A_93 = arith.constant 0 : i32
      %dma_start3A_94 = tpu.memref_slice %arg10[%dma_start3A_92, %dma_start3A_93] : memref<256x96xf32, #tpu.memory_space<vmem>> -> memref<128x96xf32, #tpu.memory_space<vmem>>
      %dma_start3A_95 = arith.constant 0 : i32
      %dma_start3A_96 = tpu.memref_slice %arg8[%run_scoped3A_88, %dma_start3A_95] : memref<80x128xi32, #tpu.memory_space<vmem>> -> memref<1x128xi32, #tpu.memory_space<vmem>>
      %dma_start3A_97 = tpu.memref_squeeze %dma_start3A_96 : memref<1x128xi32, #tpu.memory_space<vmem>> -> memref<128xi32, #tpu.memory_space<vmem>>
      %dma_start3A_98 = arith.constant 0 : i32
      %dma_start3A_99 = arith.constant 0 : i32
      %dma_start3A_100 = tpu.memref_slice %arg11[%dma_start3A_98, %dma_start3A_99] : memref<10112x96xf32, #tpu.memory_space<vmem_shared>> -> memref<10112x96xf32, #tpu.memory_space<vmem_shared>>
      tpu.enqueue_indirect_dma source(%dma_start3A_94 : memref<128x96xf32, #tpu.memory_space<vmem>>) target(%dma_start3A_100 : memref<10112x96xf32, #tpu.memory_space<vmem_shared>>) offsets(%dma_start3A_97 : memref<128xi32, #tpu.memory_space<vmem>>) semaphore(%run_scoped3A_91 : memref<!tpu.dma_semaphore, #tpu.memory_space<semaphore_mem>>) {add = true}
      %dma_wait3A_101 = arith.constant 0 : i32
      %dma_wait3A_102 = arith.constant 0 : i32
      %dma_wait3A_103 = tpu.memref_slice %arg10[%dma_wait3A_101, %dma_wait3A_102] : memref<256x96xf32, #tpu.memory_space<vmem>> -> memref<128x96xf32, #tpu.memory_space<vmem>>
      %dma_wait3A_104 = arith.constant 0 : i32
      %dma_wait3A_105 = tpu.memref_slice %arg8[%run_scoped3A_88, %dma_wait3A_104] : memref<80x128xi32, #tpu.memory_space<vmem>> -> memref<1x128xi32, #tpu.memory_space<vmem>>
      %dma_wait3A_106 = tpu.memref_squeeze %dma_wait3A_105 : memref<1x128xi32, #tpu.memory_space<vmem>> -> memref<128xi32, #tpu.memory_space<vmem>>
      %dma_wait3A_107 = arith.constant 0 : i32
      %dma_wait3A_108 = arith.constant 0 : i32
      %dma_wait3A_109 = tpu.memref_slice %arg11[%dma_wait3A_107, %dma_wait3A_108] : memref<10112x96xf32, #tpu.memory_space<vmem_shared>> -> memref<10112x96xf32, #tpu.memory_space<vmem_shared>>
      tpu.wait_indirect_dma semaphore(%run_scoped3A_91 : memref<!tpu.dma_semaphore, #tpu.memory_space<semaphore_mem>>) src(%dma_wait3A_103 : memref<128x96xf32, #tpu.memory_space<vmem>>) dst(%dma_wait3A_109 : memref<10112x96xf32, #tpu.memory_space<vmem_shared>>)
      tpu.yield
    }) : () -> ()
    %run_scoped3A_89 = arith.constant 79 : i32
    "tpu.region"() ({
      %run_scoped3A_91 = tpu.sem_alloc : memref<!tpu.dma_semaphore, #tpu.memory_space<semaphore_mem>>
      %dma_start3A_92 = arith.constant 128 : i32
      %dma_start3A_93 = arith.constant 0 : i32
      %dma_start3A_94 = tpu.memref_slice %arg10[%dma_start3A_92, %dma_start3A_93] : memref<256x96xf32, #tpu.memory_space<vmem>> -> memref<128x96xf32, #tpu.memory_space<vmem>>
      %dma_start3A_95 = arith.constant 0 : i32
      %dma_start3A_96 = tpu.memref_slice %arg8[%run_scoped3A_89, %dma_start3A_95] : memref<80x128xi32, #tpu.memory_space<vmem>> -> memref<1x128xi32, #tpu.memory_space<vmem>>
      %dma_start3A_97 = tpu.memref_squeeze %dma_start3A_96 : memref<1x128xi32, #tpu.memory_space<vmem>> -> memref<128xi32, #tpu.memory_space<vmem>>
      %dma_start3A_98 = arith.constant 0 : i32
      %dma_start3A_99 = arith.constant 0 : i32
      %dma_start3A_100 = tpu.memref_slice %arg11[%dma_start3A_98, %dma_start3A_99] : memref<10112x96xf32, #tpu.memory_space<vmem_shared>> -> memref<10112x96xf32, #tpu.memory_space<vmem_shared>>
      tpu.enqueue_indirect_dma source(%dma_start3A_94 : memref<128x96xf32, #tpu.memory_space<vmem>>) target(%dma_start3A_100 : memref<10112x96xf32, #tpu.memory_space<vmem_shared>>) offsets(%dma_start3A_97 : memref<128xi32, #tpu.memory_space<vmem>>) semaphore(%run_scoped3A_91 : memref<!tpu.dma_semaphore, #tpu.memory_space<semaphore_mem>>) {add = true}
      %dma_wait3A_101 = arith.constant 128 : i32
      %dma_wait3A_102 = arith.constant 0 : i32
      %dma_wait3A_103 = tpu.memref_slice %arg10[%dma_wait3A_101, %dma_wait3A_102] : memref<256x96xf32, #tpu.memory_space<vmem>> -> memref<128x96xf32, #tpu.memory_space<vmem>>
      %dma_wait3A_104 = arith.constant 0 : i32
      %dma_wait3A_105 = tpu.memref_slice %arg8[%run_scoped3A_89, %dma_wait3A_104] : memref<80x128xi32, #tpu.memory_space<vmem>> -> memref<1x128xi32, #tpu.memory_space<vmem>>
      %dma_wait3A_106 = tpu.memref_squeeze %dma_wait3A_105 : memref<1x128xi32, #tpu.memory_space<vmem>> -> memref<128xi32, #tpu.memory_space<vmem>>
      %dma_wait3A_107 = arith.constant 0 : i32
      %dma_wait3A_108 = arith.constant 0 : i32
      %dma_wait3A_109 = tpu.memref_slice %arg11[%dma_wait3A_107, %dma_wait3A_108] : memref<10112x96xf32, #tpu.memory_space<vmem_shared>> -> memref<10112x96xf32, #tpu.memory_space<vmem_shared>>
      tpu.wait_indirect_dma semaphore(%run_scoped3A_91 : memref<!tpu.dma_semaphore, #tpu.memory_space<semaphore_mem>>) src(%dma_wait3A_103 : memref<128x96xf32, #tpu.memory_space<vmem>>) dst(%dma_wait3A_109 : memref<10112x96xf32, #tpu.memory_space<vmem_shared>>)
      tpu.yield
    }) : () -> ()
    %barrier3A_90 = arith.constant 0 : index
    tpu.barrier barrier_id(%barrier3A_90)
    "tpu.region"() ({
      %run_scoped3A_91 = tpu.sem_alloc : memref<!tpu.dma_semaphore, #tpu.memory_space<semaphore_mem>>
      %dma_start3A_92 = arith.constant 0 : i32
      %dma_start3A_93 = tpu.memref_slice %arg6[%arg0, %mul3A_2, %dma_start3A_92] : memref<2x10112x96xf32, #tpu.memory_space<hbm>> -> memref<1x632x96xf32, #tpu.memory_space<hbm>>
      %dma_start3A_94 = tpu.memref_squeeze %dma_start3A_93 : memref<1x632x96xf32, #tpu.memory_space<hbm>> -> memref<632x96xf32, #tpu.memory_space<hbm>>
      %dma_start3A_95 = arith.constant 0 : i32
      %dma_start3A_96 = tpu.memref_slice %arg11[%mul3A_2, %dma_start3A_95] : memref<10112x96xf32, #tpu.memory_space<vmem_shared>> -> memref<632x96xf32, #tpu.memory_space<vmem_shared>>
      tpu.enqueue_dma source(%dma_start3A_96 : memref<632x96xf32, #tpu.memory_space<vmem_shared>>) target(%dma_start3A_94 : memref<632x96xf32, #tpu.memory_space<hbm>>) target_semaphore(%run_scoped3A_91 : memref<!tpu.dma_semaphore, #tpu.memory_space<semaphore_mem>>)
      %dma_wait3A_97 = arith.constant 0 : i32
      %dma_wait3A_98 = tpu.memref_slice %arg6[%arg0, %mul3A_2, %dma_wait3A_97] : memref<2x10112x96xf32, #tpu.memory_space<hbm>> -> memref<1x632x96xf32, #tpu.memory_space<hbm>>
      %dma_wait3A_99 = tpu.memref_squeeze %dma_wait3A_98 : memref<1x632x96xf32, #tpu.memory_space<hbm>> -> memref<632x96xf32, #tpu.memory_space<hbm>>
      %dma_wait3A_100 = arith.constant 0 : i32
      %dma_wait3A_101 = tpu.memref_slice %arg11[%mul3A_2, %dma_wait3A_100] : memref<10112x96xf32, #tpu.memory_space<vmem_shared>> -> memref<632x96xf32, #tpu.memory_space<vmem_shared>>
      tpu.wait_dma2 semaphore(%run_scoped3A_91 : memref<!tpu.dma_semaphore, #tpu.memory_space<semaphore_mem>>) src(%dma_wait3A_101 : memref<632x96xf32, #tpu.memory_space<vmem_shared>>) dst(%dma_wait3A_99 : memref<632x96xf32, #tpu.memory_space<hbm>>)
      tpu.yield
    }) : () -> ()
    return
  }
}

#map = affine_map<(d0, d1) -> (0, 0)>
#map1 = affine_map<(d0, d1) -> (0, 0, 0)>
module attributes {stable_mosaic.version = 14 : i64} {
  func.func @conv(%arg0: i32, %arg1: i32, %arg2: memref<10000x96xf32, #tpu.memory_space<hbm>>, %arg3: memref<2560x128xi32, #tpu.memory_space<hbm>>, %arg4: memref<2560x128xi32, #tpu.memory_space<hbm>>, %arg5: memref<10112x96xf32, #tpu.memory_space<hbm>>, %arg6: memref<2x10112x96xf32, #tpu.memory_space<hbm>>, %arg7: memref<80x128xi32, #tpu.memory_space<vmem>>, %arg8: memref<80x128xi32, #tpu.memory_space<vmem>>, %arg9: memref<256x96xf32, #tpu.memory_space<vmem>>, %arg10: memref<256x96xf32, #tpu.memory_space<vmem>>, %arg11: memref<10112x96xf32, #tpu.memory_space<vmem_shared>>, %arg12: memref<!tpu.dma_semaphore, #tpu.memory_space<semaphore_mem>>, %arg13: memref<!tpu.dma_semaphore, #tpu.memory_space<semaphore_mem>>) attributes {dimension_semantics = [#tpu.dimension_semantics<core_parallel>, #tpu.dimension_semantics<subcore_parallel>], iteration_bounds = array<i64: 2, 16>, scalar_prefetch = 0 : i64, scratch_operands = 7 : i64, tpu.core_type = #tpu.core_type<sc_vector_subcore>, window_params = [{transform_indices = #map}, {transform_indices = #map}, {transform_indices = #map}, {transform_indices = #map}, {transform_indices = #map1}]} {
    %mul3A = arith.constant 16 : i32
    %mul3A_0 = arith.muli %arg0, %mul3A : i32
    %add3A = arith.addi %mul3A_0, %arg1 : i32
    %mul3A_1 = arith.constant 632 : i32
    %mul3A_2 = arith.muli %arg1, %mul3A_1 : i32
    %mul3A_3 = arith.constant 80 : i32
    %mul3A_4 = arith.muli %add3A, %mul3A_3 : i32
    "tpu.region"() ({
      %run_scoped3A_91 = tpu.sem_alloc : memref<!tpu.dma_semaphore, #tpu.memory_space<semaphore_mem>>
      %dma_start3A_92 = arith.constant 0 : i32
      %dma_start3A_93 = tpu.memref_slice %arg3[%mul3A_4, %dma_start3A_92] : memref<2560x128xi32, #tpu.memory_space<hbm>> -> memref<80x128xi32, #tpu.memory_space<hbm>>
      %dma_start3A_94 = arith.constant 0 : i32
      %dma_start3A_95 = tpu.memref_slice %arg3[%mul3A_4, %dma_start3A_94] : memref<2560x128xi32, #tpu.memory_space<hbm>> -> memref<80x128xi32, #tpu.memory_space<hbm>>
      tpu.enqueue_dma source(%dma_start3A_95 : memref<80x128xi32, #tpu.memory_space<hbm>>) target(%arg7 : memref<80x128xi32, #tpu.memory_space<vmem>>) target_semaphore(%run_scoped3A_91 : memref<!tpu.dma_semaphore, #tpu.memory_space<semaphore_mem>>)
      %dma_wait3A_96 = arith.constant 0 : i32
      %dma_wait3A_97 = tpu.memref_slice %arg3[%mul3A_4, %dma_wait3A_96] : memref<2560x128xi32, #tpu.memory_space<hbm>> -> memref<80x128xi32, #tpu.memory_space<hbm>>
      %dma_wait3A_98 = arith.constant 0 : i32
      %dma_wait3A_99 = tpu.memref_slice %arg3[%mul3A_4, %dma_wait3A_98] : memref<2560x128xi32, #tpu.memory_space<hbm>> -> memref<80x128xi32, #tpu.memory_space<hbm>>
      tpu.wait_dma2 semaphore(%run_scoped3A_91 : memref<!tpu.dma_semaphore, #tpu.memory_space<semaphore_mem>>) src(%dma_wait3A_99 : memref<80x128xi32, #tpu.memory_space<hbm>>) dst(%arg7 : memref<80x128xi32, #tpu.memory_space<vmem>>)
      tpu.yield
    }) : () -> ()
    "tpu.region"() ({
      %run_scoped3A_91 = tpu.sem_alloc : memref<!tpu.dma_semaphore, #tpu.memory_space<semaphore_mem>>
      %dma_start3A_92 = arith.constant 0 : i32
      %dma_start3A_93 = tpu.memref_slice %arg4[%mul3A_4, %dma_start3A_92] : memref<2560x128xi32, #tpu.memory_space<hbm>> -> memref<80x128xi32, #tpu.memory_space<hbm>>
      %dma_start3A_94 = arith.constant 0 : i32
      %dma_start3A_95 = tpu.memref_slice %arg4[%mul3A_4, %dma_start3A_94] : memref<2560x128xi32, #tpu.memory_space<hbm>> -> memref<80x128xi32, #tpu.memory_space<hbm>>
      tpu.enqueue_dma source(%dma_start3A_95 : memref<80x128xi32, #tpu.memory_space<hbm>>) target(%arg8 : memref<80x128xi32, #tpu.memory_space<vmem>>) target_semaphore(%run_scoped3A_91 : memref<!tpu.dma_semaphore, #tpu.memory_space<semaphore_mem>>)
      %dma_wait3A_96 = arith.constant 0 : i32
      %dma_wait3A_97 = tpu.memref_slice %arg4[%mul3A_4, %dma_wait3A_96] : memref<2560x128xi32, #tpu.memory_space<hbm>> -> memref<80x128xi32, #tpu.memory_space<hbm>>
      %dma_wait3A_98 = arith.constant 0 : i32
      %dma_wait3A_99 = tpu.memref_slice %arg4[%mul3A_4, %dma_wait3A_98] : memref<2560x128xi32, #tpu.memory_space<hbm>> -> memref<80x128xi32, #tpu.memory_space<hbm>>
      tpu.wait_dma2 semaphore(%run_scoped3A_91 : memref<!tpu.dma_semaphore, #tpu.memory_space<semaphore_mem>>) src(%dma_wait3A_99 : memref<80x128xi32, #tpu.memory_space<hbm>>) dst(%arg8 : memref<80x128xi32, #tpu.memory_space<vmem>>)
      tpu.yield
    }) : () -> ()
    "tpu.region"() ({
      %run_scoped3A_91 = tpu.sem_alloc : memref<!tpu.dma_semaphore, #tpu.memory_space<semaphore_mem>>
      %dma_start3A_92 = arith.constant 0 : i32
      %dma_start3A_93 = tpu.memref_slice %arg11[%mul3A_2, %dma_start3A_92] : memref<10112x96xf32, #tpu.memory_space<vmem_shared>> -> memref<632x96xf32, #tpu.memory_space<vmem_shared>>
      %dma_start3A_94 = arith.constant 0 : i32
      %dma_start3A_95 = tpu.memref_slice %arg5[%mul3A_2, %dma_start3A_94] : memref<10112x96xf32, #tpu.memory_space<hbm>> -> memref<632x96xf32, #tpu.memory_space<hbm>>
      tpu.enqueue_dma source(%dma_start3A_95 : memref<632x96xf32, #tpu.memory_space<hbm>>) target(%dma_start3A_93 : memref<632x96xf32, #tpu.memory_space<vmem_shared>>) target_semaphore(%run_scoped3A_91 : memref<!tpu.dma_semaphore, #tpu.memory_space<semaphore_mem>>)
      %dma_wait3A_96 = arith.constant 0 : i32
      %dma_wait3A_97 = tpu.memref_slice %arg11[%mul3A_2, %dma_wait3A_96] : memref<10112x96xf32, #tpu.memory_space<vmem_shared>> -> memref<632x96xf32, #tpu.memory_space<vmem_shared>>
      %dma_wait3A_98 = arith.constant 0 : i32
      %dma_wait3A_99 = tpu.memref_slice %arg5[%mul3A_2, %dma_wait3A_98] : memref<10112x96xf32, #tpu.memory_space<hbm>> -> memref<632x96xf32, #tpu.memory_space<hbm>>
      tpu.wait_dma2 semaphore(%run_scoped3A_91 : memref<!tpu.dma_semaphore, #tpu.memory_space<semaphore_mem>>) src(%dma_wait3A_99 : memref<632x96xf32, #tpu.memory_space<hbm>>) dst(%dma_wait3A_97 : memref<632x96xf32, #tpu.memory_space<vmem_shared>>)
      tpu.yield
    }) : () -> ()
    %barrier3A = arith.constant 0 : index
    tpu.barrier barrier_id(%barrier3A)
    %dma_start3A = arith.constant 0 : i32
    %dma_start3A_5 = arith.constant 0 : i32
    %dma_start3A_6 = arith.constant 0 : i32
    %dma_start3A_7 = tpu.memref_slice %arg9[%dma_start3A_5, %dma_start3A_6] : memref<256x96xf32, #tpu.memory_space<vmem>> -> memref<128x96xf32, #tpu.memory_space<vmem>>
    %dma_start3A_8 = arith.constant 0 : i32
    %dma_start3A_9 = tpu.memref_slice %arg7[%dma_start3A, %dma_start3A_8] : memref<80x128xi32, #tpu.memory_space<vmem>> -> memref<1x128xi32, #tpu.memory_space<vmem>>
    %dma_start3A_10 = tpu.memref_squeeze %dma_start3A_9 : memref<1x128xi32, #tpu.memory_space<vmem>> -> memref<128xi32, #tpu.memory_space<vmem>>
    %dma_start3A_11 = arith.constant 0 : i32
    %dma_start3A_12 = arith.constant 0 : i32
    %dma_start3A_13 = tpu.memref_slice %arg2[%dma_start3A_11, %dma_start3A_12] : memref<10000x96xf32, #tpu.memory_space<hbm>> -> memref<10000x96xf32, #tpu.memory_space<hbm>>
    tpu.enqueue_indirect_dma source(%dma_start3A_13 : memref<10000x96xf32, #tpu.memory_space<hbm>>) target(%dma_start3A_7 : memref<128x96xf32, #tpu.memory_space<vmem>>) offsets(%dma_start3A_10 : memref<128xi32, #tpu.memory_space<vmem>>) semaphore(%arg12 : memref<!tpu.dma_semaphore, #tpu.memory_space<semaphore_mem>>)
    %dma_start3A_14 = arith.constant 1 : i32
    %dma_start3A_15 = arith.constant 128 : i32
    %dma_start3A_16 = arith.constant 0 : i32
    %dma_start3A_17 = tpu.memref_slice %arg9[%dma_start3A_15, %dma_start3A_16] : memref<256x96xf32, #tpu.memory_space<vmem>> -> memref<128x96xf32, #tpu.memory_space<vmem>>
    %dma_start3A_18 = arith.constant 0 : i32
    %dma_start3A_19 = tpu.memref_slice %arg7[%dma_start3A_14, %dma_start3A_18] : memref<80x128xi32, #tpu.memory_space<vmem>> -> memref<1x128xi32, #tpu.memory_space<vmem>>
    %dma_start3A_20 = tpu.memref_squeeze %dma_start3A_19 : memref<1x128xi32, #tpu.memory_space<vmem>> -> memref<128xi32, #tpu.memory_space<vmem>>
    %dma_start3A_21 = arith.constant 0 : i32
    %dma_start3A_22 = arith.constant 0 : i32
    %dma_start3A_23 = tpu.memref_slice %arg2[%dma_start3A_21, %dma_start3A_22] : memref<10000x96xf32, #tpu.memory_space<hbm>> -> memref<10000x96xf32, #tpu.memory_space<hbm>>
    tpu.enqueue_indirect_dma source(%dma_start3A_23 : memref<10000x96xf32, #tpu.memory_space<hbm>>) target(%dma_start3A_17 : memref<128x96xf32, #tpu.memory_space<vmem>>) offsets(%dma_start3A_20 : memref<128xi32, #tpu.memory_space<vmem>>) semaphore(%arg12 : memref<!tpu.dma_semaphore, #tpu.memory_space<semaphore_mem>>)
    %scan3A = arith.constant 0 : i32
    %scan3A_24 = arith.constant 19 : i32
    %scan3A_25 = arith.addi %scan3A, %scan3A_24 : i32
    %scan3A_26 = arith.constant 1 : i32
    scf.for %scan3A_91 = %scan3A to %scan3A_25 step %scan3A_26  : i32 {
      %mul3A_92 = arith.constant 2 : i32
      %mul3A_93 = arith.muli %scan3A_91, %mul3A_92 : i32
      %add3A_94 = arith.constant 0 : i32
      %add3A_95 = arith.addi %add3A_94, %mul3A_93 : i32
      %add3A_96 = arith.constant 1 : i32
      %add3A_97 = arith.addi %add3A_95, %add3A_96 : i32
      %mul3A_98 = arith.constant 2 : i32
      %mul3A_99 = arith.muli %add3A_97, %mul3A_98 : i32
      %add3A_100 = arith.constant 0 : i32
      %add3A_101 = arith.addi %mul3A_99, %add3A_100 : i32
      %dma_start3A_102 = arith.constant 0 : i32
      %dma_start3A_103 = arith.constant 0 : i32
      %dma_start3A_104 = tpu.memref_slice %arg10[%dma_start3A_102, %dma_start3A_103] : memref<256x96xf32, #tpu.memory_space<vmem>> -> memref<128x96xf32, #tpu.memory_space<vmem>>
      %dma_start3A_105 = arith.constant 0 : i32
      %dma_start3A_106 = tpu.memref_slice %arg7[%add3A_101, %dma_start3A_105] : memref<80x128xi32, #tpu.memory_space<vmem>> -> memref<1x128xi32, #tpu.memory_space<vmem>>
      %dma_start3A_107 = tpu.memref_squeeze %dma_start3A_106 : memref<1x128xi32, #tpu.memory_space<vmem>> -> memref<128xi32, #tpu.memory_space<vmem>>
      %dma_start3A_108 = arith.constant 0 : i32
      %dma_start3A_109 = arith.constant 0 : i32
      %dma_start3A_110 = tpu.memref_slice %arg2[%dma_start3A_108, %dma_start3A_109] : memref<10000x96xf32, #tpu.memory_space<hbm>> -> memref<10000x96xf32, #tpu.memory_space<hbm>>
      tpu.enqueue_indirect_dma source(%dma_start3A_110 : memref<10000x96xf32, #tpu.memory_space<hbm>>) target(%dma_start3A_104 : memref<128x96xf32, #tpu.memory_space<vmem>>) offsets(%dma_start3A_107 : memref<128xi32, #tpu.memory_space<vmem>>) semaphore(%arg13 : memref<!tpu.dma_semaphore, #tpu.memory_space<semaphore_mem>>)
      %mul3A_111 = arith.constant 2 : i32
      %mul3A_112 = arith.muli %add3A_97, %mul3A_111 : i32
      %add3A_113 = arith.constant 1 : i32
      %add3A_114 = arith.addi %mul3A_112, %add3A_113 : i32
      %dma_start3A_115 = arith.constant 128 : i32
      %dma_start3A_116 = arith.constant 0 : i32
      %dma_start3A_117 = tpu.memref_slice %arg10[%dma_start3A_115, %dma_start3A_116] : memref<256x96xf32, #tpu.memory_space<vmem>> -> memref<128x96xf32, #tpu.memory_space<vmem>>
      %dma_start3A_118 = arith.constant 0 : i32
      %dma_start3A_119 = tpu.memref_slice %arg7[%add3A_114, %dma_start3A_118] : memref<80x128xi32, #tpu.memory_space<vmem>> -> memref<1x128xi32, #tpu.memory_space<vmem>>
      %dma_start3A_120 = tpu.memref_squeeze %dma_start3A_119 : memref<1x128xi32, #tpu.memory_space<vmem>> -> memref<128xi32, #tpu.memory_space<vmem>>
      %dma_start3A_121 = arith.constant 0 : i32
      %dma_start3A_122 = arith.constant 0 : i32
      %dma_start3A_123 = tpu.memref_slice %arg2[%dma_start3A_121, %dma_start3A_122] : memref<10000x96xf32, #tpu.memory_space<hbm>> -> memref<10000x96xf32, #tpu.memory_space<hbm>>
      tpu.enqueue_indirect_dma source(%dma_start3A_123 : memref<10000x96xf32, #tpu.memory_space<hbm>>) target(%dma_start3A_117 : memref<128x96xf32, #tpu.memory_space<vmem>>) offsets(%dma_start3A_120 : memref<128xi32, #tpu.memory_space<vmem>>) semaphore(%arg13 : memref<!tpu.dma_semaphore, #tpu.memory_space<semaphore_mem>>)
      %mul3A_124 = arith.constant 2 : i32
      %mul3A_125 = arith.muli %add3A_95, %mul3A_124 : i32
      %add3A_126 = arith.constant 0 : i32
      %add3A_127 = arith.addi %mul3A_125, %add3A_126 : i32
      %dma_wait3A_128 = arith.constant 0 : i32
      %dma_wait3A_129 = arith.constant 0 : i32
      %dma_wait3A_130 = tpu.memref_slice %arg9[%dma_wait3A_128, %dma_wait3A_129] : memref<256x96xf32, #tpu.memory_space<vmem>> -> memref<128x96xf32, #tpu.memory_space<vmem>>
      %dma_wait3A_131 = arith.constant 0 : i32
      %dma_wait3A_132 = tpu.memref_slice %arg7[%add3A_127, %dma_wait3A_131] : memref<80x128xi32, #tpu.memory_space<vmem>> -> memref<1x128xi32, #tpu.memory_space<vmem>>
      %dma_wait3A_133 = tpu.memref_squeeze %dma_wait3A_132 : memref<1x128xi32, #tpu.memory_space<vmem>> -> memref<128xi32, #tpu.memory_space<vmem>>
      %dma_wait3A_134 = arith.constant 0 : i32
      %dma_wait3A_135 = arith.constant 0 : i32
      %dma_wait3A_136 = tpu.memref_slice %arg2[%dma_wait3A_134, %dma_wait3A_135] : memref<10000x96xf32, #tpu.memory_space<hbm>> -> memref<10000x96xf32, #tpu.memory_space<hbm>>
      tpu.wait_indirect_dma semaphore(%arg12 : memref<!tpu.dma_semaphore, #tpu.memory_space<semaphore_mem>>) src(%dma_wait3A_136 : memref<10000x96xf32, #tpu.memory_space<hbm>>) dst(%dma_wait3A_130 : memref<128x96xf32, #tpu.memory_space<vmem>>)
      %mul3A_137 = arith.constant 2 : i32
      %mul3A_138 = arith.muli %add3A_95, %mul3A_137 : i32
      %add3A_139 = arith.constant 1 : i32
      %add3A_140 = arith.addi %mul3A_138, %add3A_139 : i32
      %dma_wait3A_141 = arith.constant 128 : i32
      %dma_wait3A_142 = arith.constant 0 : i32
      %dma_wait3A_143 = tpu.memref_slice %arg9[%dma_wait3A_141, %dma_wait3A_142] : memref<256x96xf32, #tpu.memory_space<vmem>> -> memref<128x96xf32, #tpu.memory_space<vmem>>
      %dma_wait3A_144 = arith.constant 0 : i32
      %dma_wait3A_145 = tpu.memref_slice %arg7[%add3A_140, %dma_wait3A_144] : memref<80x128xi32, #tpu.memory_space<vmem>> -> memref<1x128xi32, #tpu.memory_space<vmem>>
      %dma_wait3A_146 = tpu.memref_squeeze %dma_wait3A_145 : memref<1x128xi32, #tpu.memory_space<vmem>> -> memref<128xi32, #tpu.memory_space<vmem>>
      %dma_wait3A_147 = arith.constant 0 : i32
      %dma_wait3A_148 = arith.constant 0 : i32
      %dma_wait3A_149 = tpu.memref_slice %arg2[%dma_wait3A_147, %dma_wait3A_148] : memref<10000x96xf32, #tpu.memory_space<hbm>> -> memref<10000x96xf32, #tpu.memory_space<hbm>>
      tpu.wait_indirect_dma semaphore(%arg12 : memref<!tpu.dma_semaphore, #tpu.memory_space<semaphore_mem>>) src(%dma_wait3A_149 : memref<10000x96xf32, #tpu.memory_space<hbm>>) dst(%dma_wait3A_143 : memref<128x96xf32, #tpu.memory_space<vmem>>)
      %mul3A_150 = arith.constant 2 : i32
      %mul3A_151 = arith.muli %add3A_95, %mul3A_150 : i32
      %add3A_152 = arith.constant 0 : i32
      %add3A_153 = arith.addi %mul3A_151, %add3A_152 : i32
      "tpu.region"() ({
        %run_scoped3A_224 = tpu.sem_alloc : memref<!tpu.dma_semaphore, #tpu.memory_space<semaphore_mem>>
        %dma_start3A_225 = arith.constant 0 : i32
        %dma_start3A_226 = arith.constant 0 : i32
        %dma_start3A_227 = tpu.memref_slice %arg9[%dma_start3A_225, %dma_start3A_226] : memref<256x96xf32, #tpu.memory_space<vmem>> -> memref<128x96xf32, #tpu.memory_space<vmem>>
        %dma_start3A_228 = arith.constant 0 : i32
        %dma_start3A_229 = tpu.memref_slice %arg8[%add3A_153, %dma_start3A_228] : memref<80x128xi32, #tpu.memory_space<vmem>> -> memref<1x128xi32, #tpu.memory_space<vmem>>
        %dma_start3A_230 = tpu.memref_squeeze %dma_start3A_229 : memref<1x128xi32, #tpu.memory_space<vmem>> -> memref<128xi32, #tpu.memory_space<vmem>>
        %dma_start3A_231 = arith.constant 0 : i32
        %dma_start3A_232 = arith.constant 0 : i32
        %dma_start3A_233 = tpu.memref_slice %arg11[%dma_start3A_231, %dma_start3A_232] : memref<10112x96xf32, #tpu.memory_space<vmem_shared>> -> memref<10112x96xf32, #tpu.memory_space<vmem_shared>>
        tpu.enqueue_indirect_dma source(%dma_start3A_227 : memref<128x96xf32, #tpu.memory_space<vmem>>) target(%dma_start3A_233 : memref<10112x96xf32, #tpu.memory_space<vmem_shared>>) offsets(%dma_start3A_230 : memref<128xi32, #tpu.memory_space<vmem>>) semaphore(%run_scoped3A_224 : memref<!tpu.dma_semaphore, #tpu.memory_space<semaphore_mem>>) {add = true}
        %dma_wait3A_234 = arith.constant 0 : i32
        %dma_wait3A_235 = arith.constant 0 : i32
        %dma_wait3A_236 = tpu.memref_slice %arg9[%dma_wait3A_234, %dma_wait3A_235] : memref<256x96xf32, #tpu.memory_space<vmem>> -> memref<128x96xf32, #tpu.memory_space<vmem>>
        %dma_wait3A_237 = arith.constant 0 : i32
        %dma_wait3A_238 = tpu.memref_slice %arg8[%add3A_153, %dma_wait3A_237] : memref<80x128xi32, #tpu.memory_space<vmem>> -> memref<1x128xi32, #tpu.memory_space<vmem>>
        %dma_wait3A_239 = tpu.memref_squeeze %dma_wait3A_238 : memref<1x128xi32, #tpu.memory_space<vmem>> -> memref<128xi32, #tpu.memory_space<vmem>>
        %dma_wait3A_240 = arith.constant 0 : i32
        %dma_wait3A_241 = arith.constant 0 : i32
        %dma_wait3A_242 = tpu.memref_slice %arg11[%dma_wait3A_240, %dma_wait3A_241] : memref<10112x96xf32, #tpu.memory_space<vmem_shared>> -> memref<10112x96xf32, #tpu.memory_space<vmem_shared>>
        tpu.wait_indirect_dma semaphore(%run_scoped3A_224 : memref<!tpu.dma_semaphore, #tpu.memory_space<semaphore_mem>>) src(%dma_wait3A_236 : memref<128x96xf32, #tpu.memory_space<vmem>>) dst(%dma_wait3A_242 : memref<10112x96xf32, #tpu.memory_space<vmem_shared>>)
        tpu.yield
      }) : () -> ()
      %mul3A_154 = arith.constant 2 : i32
      %mul3A_155 = arith.muli %add3A_95, %mul3A_154 : i32
      %add3A_156 = arith.constant 1 : i32
      %add3A_157 = arith.addi %mul3A_155, %add3A_156 : i32
      "tpu.region"() ({
        %run_scoped3A_224 = tpu.sem_alloc : memref<!tpu.dma_semaphore, #tpu.memory_space<semaphore_mem>>
        %dma_start3A_225 = arith.constant 128 : i32
        %dma_start3A_226 = arith.constant 0 : i32
        %dma_start3A_227 = tpu.memref_slice %arg9[%dma_start3A_225, %dma_start3A_226] : memref<256x96xf32, #tpu.memory_space<vmem>> -> memref<128x96xf32, #tpu.memory_space<vmem>>
        %dma_start3A_228 = arith.constant 0 : i32
        %dma_start3A_229 = tpu.memref_slice %arg8[%add3A_157, %dma_start3A_228] : memref<80x128xi32, #tpu.memory_space<vmem>> -> memref<1x128xi32, #tpu.memory_space<vmem>>
        %dma_start3A_230 = tpu.memref_squeeze %dma_start3A_229 : memref<1x128xi32, #tpu.memory_space<vmem>> -> memref<128xi32, #tpu.memory_space<vmem>>
        %dma_start3A_231 = arith.constant 0 : i32
        %dma_start3A_232 = arith.constant 0 : i32
        %dma_start3A_233 = tpu.memref_slice %arg11[%dma_start3A_231, %dma_start3A_232] : memref<10112x96xf32, #tpu.memory_space<vmem_shared>> -> memref<10112x96xf32, #tpu.memory_space<vmem_shared>>
        tpu.enqueue_indirect_dma source(%dma_start3A_227 : memref<128x96xf32, #tpu.memory_space<vmem>>) target(%dma_start3A_233 : memref<10112x96xf32, #tpu.memory_space<vmem_shared>>) offsets(%dma_start3A_230 : memref<128xi32, #tpu.memory_space<vmem>>) semaphore(%run_scoped3A_224 : memref<!tpu.dma_semaphore, #tpu.memory_space<semaphore_mem>>) {add = true}
        %dma_wait3A_234 = arith.constant 128 : i32
        %dma_wait3A_235 = arith.constant 0 : i32
        %dma_wait3A_236 = tpu.memref_slice %arg9[%dma_wait3A_234, %dma_wait3A_235] : memref<256x96xf32, #tpu.memory_space<vmem>> -> memref<128x96xf32, #tpu.memory_space<vmem>>
        %dma_wait3A_237 = arith.constant 0 : i32
        %dma_wait3A_238 = tpu.memref_slice %arg8[%add3A_157, %dma_wait3A_237] : memref<80x128xi32, #tpu.memory_space<vmem>> -> memref<1x128xi32, #tpu.memory_space<vmem>>
        %dma_wait3A_239 = tpu.memref_squeeze %dma_wait3A_238 : memref<1x128xi32, #tpu.memory_space<vmem>> -> memref<128xi32, #tpu.memory_space<vmem>>
        %dma_wait3A_240 = arith.constant 0 : i32
        %dma_wait3A_241 = arith.constant 0 : i32
        %dma_wait3A_242 = tpu.memref_slice %arg11[%dma_wait3A_240, %dma_wait3A_241] : memref<10112x96xf32, #tpu.memory_space<vmem_shared>> -> memref<10112x96xf32, #tpu.memory_space<vmem_shared>>
        tpu.wait_indirect_dma semaphore(%run_scoped3A_224 : memref<!tpu.dma_semaphore, #tpu.memory_space<semaphore_mem>>) src(%dma_wait3A_236 : memref<128x96xf32, #tpu.memory_space<vmem>>) dst(%dma_wait3A_242 : memref<10112x96xf32, #tpu.memory_space<vmem_shared>>)
        tpu.yield
      }) : () -> ()
      %add3A_158 = arith.constant 2 : i32
      %add3A_159 = arith.addi %add3A_95, %add3A_158 : i32
      %mul3A_160 = arith.constant 2 : i32
      %mul3A_161 = arith.muli %add3A_159, %mul3A_160 : i32
      %add3A_162 = arith.constant 0 : i32
      %add3A_163 = arith.addi %mul3A_161, %add3A_162 : i32
      %dma_start3A_164 = arith.constant 0 : i32
      %dma_start3A_165 = arith.constant 0 : i32
      %dma_start3A_166 = tpu.memref_slice %arg9[%dma_start3A_164, %dma_start3A_165] : memref<256x96xf32, #tpu.memory_space<vmem>> -> memref<128x96xf32, #tpu.memory_space<vmem>>
      %dma_start3A_167 = arith.constant 0 : i32
      %dma_start3A_168 = tpu.memref_slice %arg7[%add3A_163, %dma_start3A_167] : memref<80x128xi32, #tpu.memory_space<vmem>> -> memref<1x128xi32, #tpu.memory_space<vmem>>
      %dma_start3A_169 = tpu.memref_squeeze %dma_start3A_168 : memref<1x128xi32, #tpu.memory_space<vmem>> -> memref<128xi32, #tpu.memory_space<vmem>>
      %dma_start3A_170 = arith.constant 0 : i32
      %dma_start3A_171 = arith.constant 0 : i32
      %dma_start3A_172 = tpu.memref_slice %arg2[%dma_start3A_170, %dma_start3A_171] : memref<10000x96xf32, #tpu.memory_space<hbm>> -> memref<10000x96xf32, #tpu.memory_space<hbm>>
      tpu.enqueue_indirect_dma source(%dma_start3A_172 : memref<10000x96xf32, #tpu.memory_space<hbm>>) target(%dma_start3A_166 : memref<128x96xf32, #tpu.memory_space<vmem>>) offsets(%dma_start3A_169 : memref<128xi32, #tpu.memory_space<vmem>>) semaphore(%arg12 : memref<!tpu.dma_semaphore, #tpu.memory_space<semaphore_mem>>)
      %mul3A_173 = arith.constant 2 : i32
      %mul3A_174 = arith.muli %add3A_159, %mul3A_173 : i32
      %add3A_175 = arith.constant 1 : i32
      %add3A_176 = arith.addi %mul3A_174, %add3A_175 : i32
      %dma_start3A_177 = arith.constant 128 : i32
      %dma_start3A_178 = arith.constant 0 : i32
      %dma_start3A_179 = tpu.memref_slice %arg9[%dma_start3A_177, %dma_start3A_178] : memref<256x96xf32, #tpu.memory_space<vmem>> -> memref<128x96xf32, #tpu.memory_space<vmem>>
      %dma_start3A_180 = arith.constant 0 : i32
      %dma_start3A_181 = tpu.memref_slice %arg7[%add3A_176, %dma_start3A_180] : memref<80x128xi32, #tpu.memory_space<vmem>> -> memref<1x128xi32, #tpu.memory_space<vmem>>
      %dma_start3A_182 = tpu.memref_squeeze %dma_start3A_181 : memref<1x128xi32, #tpu.memory_space<vmem>> -> memref<128xi32, #tpu.memory_space<vmem>>
      %dma_start3A_183 = arith.constant 0 : i32
      %dma_start3A_184 = arith.constant 0 : i32
      %dma_start3A_185 = tpu.memref_slice %arg2[%dma_start3A_183, %dma_start3A_184] : memref<10000x96xf32, #tpu.memory_space<hbm>> -> memref<10000x96xf32, #tpu.memory_space<hbm>>
      tpu.enqueue_indirect_dma source(%dma_start3A_185 : memref<10000x96xf32, #tpu.memory_space<hbm>>) target(%dma_start3A_179 : memref<128x96xf32, #tpu.memory_space<vmem>>) offsets(%dma_start3A_182 : memref<128xi32, #tpu.memory_space<vmem>>) semaphore(%arg12 : memref<!tpu.dma_semaphore, #tpu.memory_space<semaphore_mem>>)
      %add3A_186 = arith.constant 1 : i32
      %add3A_187 = arith.addi %add3A_95, %add3A_186 : i32
      %mul3A_188 = arith.constant 2 : i32
      %mul3A_189 = arith.muli %add3A_187, %mul3A_188 : i32
      %add3A_190 = arith.constant 0 : i32
      %add3A_191 = arith.addi %mul3A_189, %add3A_190 : i32
      %dma_wait3A_192 = arith.constant 0 : i32
      %dma_wait3A_193 = arith.constant 0 : i32
      %dma_wait3A_194 = tpu.memref_slice %arg10[%dma_wait3A_192, %dma_wait3A_193] : memref<256x96xf32, #tpu.memory_space<vmem>> -> memref<128x96xf32, #tpu.memory_space<vmem>>
      %dma_wait3A_195 = arith.constant 0 : i32
      %dma_wait3A_196 = tpu.memref_slice %arg7[%add3A_191, %dma_wait3A_195] : memref<80x128xi32, #tpu.memory_space<vmem>> -> memref<1x128xi32, #tpu.memory_space<vmem>>
      %dma_wait3A_197 = tpu.memref_squeeze %dma_wait3A_196 : memref<1x128xi32, #tpu.memory_space<vmem>> -> memref<128xi32, #tpu.memory_space<vmem>>
      %dma_wait3A_198 = arith.constant 0 : i32
      %dma_wait3A_199 = arith.constant 0 : i32
      %dma_wait3A_200 = tpu.memref_slice %arg2[%dma_wait3A_198, %dma_wait3A_199] : memref<10000x96xf32, #tpu.memory_space<hbm>> -> memref<10000x96xf32, #tpu.memory_space<hbm>>
      tpu.wait_indirect_dma semaphore(%arg13 : memref<!tpu.dma_semaphore, #tpu.memory_space<semaphore_mem>>) src(%dma_wait3A_200 : memref<10000x96xf32, #tpu.memory_space<hbm>>) dst(%dma_wait3A_194 : memref<128x96xf32, #tpu.memory_space<vmem>>)
      %mul3A_201 = arith.constant 2 : i32
      %mul3A_202 = arith.muli %add3A_187, %mul3A_201 : i32
      %add3A_203 = arith.constant 1 : i32
      %add3A_204 = arith.addi %mul3A_202, %add3A_203 : i32
      %dma_wait3A_205 = arith.constant 128 : i32
      %dma_wait3A_206 = arith.constant 0 : i32
      %dma_wait3A_207 = tpu.memref_slice %arg10[%dma_wait3A_205, %dma_wait3A_206] : memref<256x96xf32, #tpu.memory_space<vmem>> -> memref<128x96xf32, #tpu.memory_space<vmem>>
      %dma_wait3A_208 = arith.constant 0 : i32
      %dma_wait3A_209 = tpu.memref_slice %arg7[%add3A_204, %dma_wait3A_208] : memref<80x128xi32, #tpu.memory_space<vmem>> -> memref<1x128xi32, #tpu.memory_space<vmem>>
      %dma_wait3A_210 = tpu.memref_squeeze %dma_wait3A_209 : memref<1x128xi32, #tpu.memory_space<vmem>> -> memref<128xi32, #tpu.memory_space<vmem>>
      %dma_wait3A_211 = arith.constant 0 : i32
      %dma_wait3A_212 = arith.constant 0 : i32
      %dma_wait3A_213 = tpu.memref_slice %arg2[%dma_wait3A_211, %dma_wait3A_212] : memref<10000x96xf32, #tpu.memory_space<hbm>> -> memref<10000x96xf32, #tpu.memory_space<hbm>>
      tpu.wait_indirect_dma semaphore(%arg13 : memref<!tpu.dma_semaphore, #tpu.memory_space<semaphore_mem>>) src(%dma_wait3A_213 : memref<10000x96xf32, #tpu.memory_space<hbm>>) dst(%dma_wait3A_207 : memref<128x96xf32, #tpu.memory_space<vmem>>)
      %add3A_214 = arith.constant 1 : i32
      %add3A_215 = arith.addi %add3A_95, %add3A_214 : i32
      %mul3A_216 = arith.constant 2 : i32
      %mul3A_217 = arith.muli %add3A_215, %mul3A_216 : i32
      %add3A_218 = arith.constant 0 : i32
      %add3A_219 = arith.addi %mul3A_217, %add3A_218 : i32
      "tpu.region"() ({
        %run_scoped3A_224 = tpu.sem_alloc : memref<!tpu.dma_semaphore, #tpu.memory_space<semaphore_mem>>
        %dma_start3A_225 = arith.constant 0 : i32
        %dma_start3A_226 = arith.constant 0 : i32
        %dma_start3A_227 = tpu.memref_slice %arg10[%dma_start3A_225, %dma_start3A_226] : memref<256x96xf32, #tpu.memory_space<vmem>> -> memref<128x96xf32, #tpu.memory_space<vmem>>
        %dma_start3A_228 = arith.constant 0 : i32
        %dma_start3A_229 = tpu.memref_slice %arg8[%add3A_219, %dma_start3A_228] : memref<80x128xi32, #tpu.memory_space<vmem>> -> memref<1x128xi32, #tpu.memory_space<vmem>>
        %dma_start3A_230 = tpu.memref_squeeze %dma_start3A_229 : memref<1x128xi32, #tpu.memory_space<vmem>> -> memref<128xi32, #tpu.memory_space<vmem>>
        %dma_start3A_231 = arith.constant 0 : i32
        %dma_start3A_232 = arith.constant 0 : i32
        %dma_start3A_233 = tpu.memref_slice %arg11[%dma_start3A_231, %dma_start3A_232] : memref<10112x96xf32, #tpu.memory_space<vmem_shared>> -> memref<10112x96xf32, #tpu.memory_space<vmem_shared>>
        tpu.enqueue_indirect_dma source(%dma_start3A_227 : memref<128x96xf32, #tpu.memory_space<vmem>>) target(%dma_start3A_233 : memref<10112x96xf32, #tpu.memory_space<vmem_shared>>) offsets(%dma_start3A_230 : memref<128xi32, #tpu.memory_space<vmem>>) semaphore(%run_scoped3A_224 : memref<!tpu.dma_semaphore, #tpu.memory_space<semaphore_mem>>) {add = true}
        %dma_wait3A_234 = arith.constant 0 : i32
        %dma_wait3A_235 = arith.constant 0 : i32
        %dma_wait3A_236 = tpu.memref_slice %arg10[%dma_wait3A_234, %dma_wait3A_235] : memref<256x96xf32, #tpu.memory_space<vmem>> -> memref<128x96xf32, #tpu.memory_space<vmem>>
        %dma_wait3A_237 = arith.constant 0 : i32
        %dma_wait3A_238 = tpu.memref_slice %arg8[%add3A_219, %dma_wait3A_237] : memref<80x128xi32, #tpu.memory_space<vmem>> -> memref<1x128xi32, #tpu.memory_space<vmem>>
        %dma_wait3A_239 = tpu.memref_squeeze %dma_wait3A_238 : memref<1x128xi32, #tpu.memory_space<vmem>> -> memref<128xi32, #tpu.memory_space<vmem>>
        %dma_wait3A_240 = arith.constant 0 : i32
        %dma_wait3A_241 = arith.constant 0 : i32
        %dma_wait3A_242 = tpu.memref_slice %arg11[%dma_wait3A_240, %dma_wait3A_241] : memref<10112x96xf32, #tpu.memory_space<vmem_shared>> -> memref<10112x96xf32, #tpu.memory_space<vmem_shared>>
        tpu.wait_indirect_dma semaphore(%run_scoped3A_224 : memref<!tpu.dma_semaphore, #tpu.memory_space<semaphore_mem>>) src(%dma_wait3A_236 : memref<128x96xf32, #tpu.memory_space<vmem>>) dst(%dma_wait3A_242 : memref<10112x96xf32, #tpu.memory_space<vmem_shared>>)
        tpu.yield
      }) : () -> ()
      %mul3A_220 = arith.constant 2 : i32
      %mul3A_221 = arith.muli %add3A_215, %mul3A_220 : i32
      %add3A_222 = arith.constant 1 : i32
      %add3A_223 = arith.addi %mul3A_221, %add3A_222 : i32
      "tpu.region"() ({
        %run_scoped3A_224 = tpu.sem_alloc : memref<!tpu.dma_semaphore, #tpu.memory_space<semaphore_mem>>
        %dma_start3A_225 = arith.constant 128 : i32
        %dma_start3A_226 = arith.constant 0 : i32
        %dma_start3A_227 = tpu.memref_slice %arg10[%dma_start3A_225, %dma_start3A_226] : memref<256x96xf32, #tpu.memory_space<vmem>> -> memref<128x96xf32, #tpu.memory_space<vmem>>
        %dma_start3A_228 = arith.constant 0 : i32
        %dma_start3A_229 = tpu.memref_slice %arg8[%add3A_223, %dma_start3A_228] : memref<80x128xi32, #tpu.memory_space<vmem>> -> memref<1x128xi32, #tpu.memory_space<vmem>>
        %dma_start3A_230 = tpu.memref_squeeze %dma_start3A_229 : memref<1x128xi32, #tpu.memory_space<vmem>> -> memref<128xi32, #tpu.memory_space<vmem>>
        %dma_start3A_231 = arith.constant 0 : i32
        %dma_start3A_232 = arith.constant 0 : i32
        %dma_start3A_233 = tpu.memref_slice %arg11[%dma_start3A_231, %dma_start3A_232] : memref<10112x96xf32, #tpu.memory_space<vmem_shared>> -> memref<10112x96xf32, #tpu.memory_space<vmem_shared>>
        tpu.enqueue_indirect_dma source(%dma_start3A_227 : memref<128x96xf32, #tpu.memory_space<vmem>>) target(%dma_start3A_233 : memref<10112x96xf32, #tpu.memory_space<vmem_shared>>) offsets(%dma_start3A_230 : memref<128xi32, #tpu.memory_space<vmem>>) semaphore(%run_scoped3A_224 : memref<!tpu.dma_semaphore, #tpu.memory_space<semaphore_mem>>) {add = true}
        %dma_wait3A_234 = arith.constant 128 : i32
        %dma_wait3A_235 = arith.constant 0 : i32
        %dma_wait3A_236 = tpu.memref_slice %arg10[%dma_wait3A_234, %dma_wait3A_235] : memref<256x96xf32, #tpu.memory_space<vmem>> -> memref<128x96xf32, #tpu.memory_space<vmem>>
        %dma_wait3A_237 = arith.constant 0 : i32
        %dma_wait3A_238 = tpu.memref_slice %arg8[%add3A_223, %dma_wait3A_237] : memref<80x128xi32, #tpu.memory_space<vmem>> -> memref<1x128xi32, #tpu.memory_space<vmem>>
        %dma_wait3A_239 = tpu.memref_squeeze %dma_wait3A_238 : memref<1x128xi32, #tpu.memory_space<vmem>> -> memref<128xi32, #tpu.memory_space<vmem>>
        %dma_wait3A_240 = arith.constant 0 : i32
        %dma_wait3A_241 = arith.constant 0 : i32
        %dma_wait3A_242 = tpu.memref_slice %arg11[%dma_wait3A_240, %dma_wait3A_241] : memref<10112x96xf32, #tpu.memory_space<vmem_shared>> -> memref<10112x96xf32, #tpu.memory_space<vmem_shared>>
        tpu.wait_indirect_dma semaphore(%run_scoped3A_224 : memref<!tpu.dma_semaphore, #tpu.memory_space<semaphore_mem>>) src(%dma_wait3A_236 : memref<128x96xf32, #tpu.memory_space<vmem>>) dst(%dma_wait3A_242 : memref<10112x96xf32, #tpu.memory_space<vmem_shared>>)
        tpu.yield
      }) : () -> ()
    }
    %scan3A_27 = arith.constant 19 : i32
    %dma_start3A_28 = arith.constant 78 : i32
    %dma_start3A_29 = arith.constant 0 : i32
    %dma_start3A_30 = arith.constant 0 : i32
    %dma_start3A_31 = tpu.memref_slice %arg10[%dma_start3A_29, %dma_start3A_30] : memref<256x96xf32, #tpu.memory_space<vmem>> -> memref<128x96xf32, #tpu.memory_space<vmem>>
    %dma_start3A_32 = arith.constant 0 : i32
    %dma_start3A_33 = tpu.memref_slice %arg7[%dma_start3A_28, %dma_start3A_32] : memref<80x128xi32, #tpu.memory_space<vmem>> -> memref<1x128xi32, #tpu.memory_space<vmem>>
    %dma_start3A_34 = tpu.memref_squeeze %dma_start3A_33 : memref<1x128xi32, #tpu.memory_space<vmem>> -> memref<128xi32, #tpu.memory_space<vmem>>
    %dma_start3A_35 = arith.constant 0 : i32
    %dma_start3A_36 = arith.constant 0 : i32
    %dma_start3A_37 = tpu.memref_slice %arg2[%dma_start3A_35, %dma_start3A_36] : memref<10000x96xf32, #tpu.memory_space<hbm>> -> memref<10000x96xf32, #tpu.memory_space<hbm>>
    tpu.enqueue_indirect_dma source(%dma_start3A_37 : memref<10000x96xf32, #tpu.memory_space<hbm>>) target(%dma_start3A_31 : memref<128x96xf32, #tpu.memory_space<vmem>>) offsets(%dma_start3A_34 : memref<128xi32, #tpu.memory_space<vmem>>) semaphore(%arg13 : memref<!tpu.dma_semaphore, #tpu.memory_space<semaphore_mem>>)
    %dma_start3A_38 = arith.constant 79 : i32
    %dma_start3A_39 = arith.constant 128 : i32
    %dma_start3A_40 = arith.constant 0 : i32
    %dma_start3A_41 = tpu.memref_slice %arg10[%dma_start3A_39, %dma_start3A_40] : memref<256x96xf32, #tpu.memory_space<vmem>> -> memref<128x96xf32, #tpu.memory_space<vmem>>
    %dma_start3A_42 = arith.constant 0 : i32
    %dma_start3A_43 = tpu.memref_slice %arg7[%dma_start3A_38, %dma_start3A_42] : memref<80x128xi32, #tpu.memory_space<vmem>> -> memref<1x128xi32, #tpu.memory_space<vmem>>
    %dma_start3A_44 = tpu.memref_squeeze %dma_start3A_43 : memref<1x128xi32, #tpu.memory_space<vmem>> -> memref<128xi32, #tpu.memory_space<vmem>>
    %dma_start3A_45 = arith.constant 0 : i32
    %dma_start3A_46 = arith.constant 0 : i32
    %dma_start3A_47 = tpu.memref_slice %arg2[%dma_start3A_45, %dma_start3A_46] : memref<10000x96xf32, #tpu.memory_space<hbm>> -> memref<10000x96xf32, #tpu.memory_space<hbm>>
    tpu.enqueue_indirect_dma source(%dma_start3A_47 : memref<10000x96xf32, #tpu.memory_space<hbm>>) target(%dma_start3A_41 : memref<128x96xf32, #tpu.memory_space<vmem>>) offsets(%dma_start3A_44 : memref<128xi32, #tpu.memory_space<vmem>>) semaphore(%arg13 : memref<!tpu.dma_semaphore, #tpu.memory_space<semaphore_mem>>)
    %dma_wait3A = arith.constant 76 : i32
    %dma_wait3A_48 = arith.constant 0 : i32
    %dma_wait3A_49 = arith.constant 0 : i32
    %dma_wait3A_50 = tpu.memref_slice %arg9[%dma_wait3A_48, %dma_wait3A_49] : memref<256x96xf32, #tpu.memory_space<vmem>> -> memref<128x96xf32, #tpu.memory_space<vmem>>
    %dma_wait3A_51 = arith.constant 0 : i32
    %dma_wait3A_52 = tpu.memref_slice %arg7[%dma_wait3A, %dma_wait3A_51] : memref<80x128xi32, #tpu.memory_space<vmem>> -> memref<1x128xi32, #tpu.memory_space<vmem>>
    %dma_wait3A_53 = tpu.memref_squeeze %dma_wait3A_52 : memref<1x128xi32, #tpu.memory_space<vmem>> -> memref<128xi32, #tpu.memory_space<vmem>>
    %dma_wait3A_54 = arith.constant 0 : i32
    %dma_wait3A_55 = arith.constant 0 : i32
    %dma_wait3A_56 = tpu.memref_slice %arg2[%dma_wait3A_54, %dma_wait3A_55] : memref<10000x96xf32, #tpu.memory_space<hbm>> -> memref<10000x96xf32, #tpu.memory_space<hbm>>
    tpu.wait_indirect_dma semaphore(%arg12 : memref<!tpu.dma_semaphore, #tpu.memory_space<semaphore_mem>>) src(%dma_wait3A_56 : memref<10000x96xf32, #tpu.memory_space<hbm>>) dst(%dma_wait3A_50 : memref<128x96xf32, #tpu.memory_space<vmem>>)
    %dma_wait3A_57 = arith.constant 77 : i32
    %dma_wait3A_58 = arith.constant 128 : i32
    %dma_wait3A_59 = arith.constant 0 : i32
    %dma_wait3A_60 = tpu.memref_slice %arg9[%dma_wait3A_58, %dma_wait3A_59] : memref<256x96xf32, #tpu.memory_space<vmem>> -> memref<128x96xf32, #tpu.memory_space<vmem>>
    %dma_wait3A_61 = arith.constant 0 : i32
    %dma_wait3A_62 = tpu.memref_slice %arg7[%dma_wait3A_57, %dma_wait3A_61] : memref<80x128xi32, #tpu.memory_space<vmem>> -> memref<1x128xi32, #tpu.memory_space<vmem>>
    %dma_wait3A_63 = tpu.memref_squeeze %dma_wait3A_62 : memref<1x128xi32, #tpu.memory_space<vmem>> -> memref<128xi32, #tpu.memory_space<vmem>>
    %dma_wait3A_64 = arith.constant 0 : i32
    %dma_wait3A_65 = arith.constant 0 : i32
    %dma_wait3A_66 = tpu.memref_slice %arg2[%dma_wait3A_64, %dma_wait3A_65] : memref<10000x96xf32, #tpu.memory_space<hbm>> -> memref<10000x96xf32, #tpu.memory_space<hbm>>
    tpu.wait_indirect_dma semaphore(%arg12 : memref<!tpu.dma_semaphore, #tpu.memory_space<semaphore_mem>>) src(%dma_wait3A_66 : memref<10000x96xf32, #tpu.memory_space<hbm>>) dst(%dma_wait3A_60 : memref<128x96xf32, #tpu.memory_space<vmem>>)
    %run_scoped3A = arith.constant 76 : i32
    "tpu.region"() ({
      %run_scoped3A_91 = tpu.sem_alloc : memref<!tpu.dma_semaphore, #tpu.memory_space<semaphore_mem>>
      %dma_start3A_92 = arith.constant 0 : i32
      %dma_start3A_93 = arith.constant 0 : i32
      %dma_start3A_94 = tpu.memref_slice %arg9[%dma_start3A_92, %dma_start3A_93] : memref<256x96xf32, #tpu.memory_space<vmem>> -> memref<128x96xf32, #tpu.memory_space<vmem>>
      %dma_start3A_95 = arith.constant 0 : i32
      %dma_start3A_96 = tpu.memref_slice %arg8[%run_scoped3A, %dma_start3A_95] : memref<80x128xi32, #tpu.memory_space<vmem>> -> memref<1x128xi32, #tpu.memory_space<vmem>>
      %dma_start3A_97 = tpu.memref_squeeze %dma_start3A_96 : memref<1x128xi32, #tpu.memory_space<vmem>> -> memref<128xi32, #tpu.memory_space<vmem>>
      %dma_start3A_98 = arith.constant 0 : i32
      %dma_start3A_99 = arith.constant 0 : i32
      %dma_start3A_100 = tpu.memref_slice %arg11[%dma_start3A_98, %dma_start3A_99] : memref<10112x96xf32, #tpu.memory_space<vmem_shared>> -> memref<10112x96xf32, #tpu.memory_space<vmem_shared>>
      tpu.enqueue_indirect_dma source(%dma_start3A_94 : memref<128x96xf32, #tpu.memory_space<vmem>>) target(%dma_start3A_100 : memref<10112x96xf32, #tpu.memory_space<vmem_shared>>) offsets(%dma_start3A_97 : memref<128xi32, #tpu.memory_space<vmem>>) semaphore(%run_scoped3A_91 : memref<!tpu.dma_semaphore, #tpu.memory_space<semaphore_mem>>) {add = true}
      %dma_wait3A_101 = arith.constant 0 : i32
      %dma_wait3A_102 = arith.constant 0 : i32
      %dma_wait3A_103 = tpu.memref_slice %arg9[%dma_wait3A_101, %dma_wait3A_102] : memref<256x96xf32, #tpu.memory_space<vmem>> -> memref<128x96xf32, #tpu.memory_space<vmem>>
      %dma_wait3A_104 = arith.constant 0 : i32
      %dma_wait3A_105 = tpu.memref_slice %arg8[%run_scoped3A, %dma_wait3A_104] : memref<80x128xi32, #tpu.memory_space<vmem>> -> memref<1x128xi32, #tpu.memory_space<vmem>>
      %dma_wait3A_106 = tpu.memref_squeeze %dma_wait3A_105 : memref<1x128xi32, #tpu.memory_space<vmem>> -> memref<128xi32, #tpu.memory_space<vmem>>
      %dma_wait3A_107 = arith.constant 0 : i32
      %dma_wait3A_108 = arith.constant 0 : i32
      %dma_wait3A_109 = tpu.memref_slice %arg11[%dma_wait3A_107, %dma_wait3A_108] : memref<10112x96xf32, #tpu.memory_space<vmem_shared>> -> memref<10112x96xf32, #tpu.memory_space<vmem_shared>>
      tpu.wait_indirect_dma semaphore(%run_scoped3A_91 : memref<!tpu.dma_semaphore, #tpu.memory_space<semaphore_mem>>) src(%dma_wait3A_103 : memref<128x96xf32, #tpu.memory_space<vmem>>) dst(%dma_wait3A_109 : memref<10112x96xf32, #tpu.memory_space<vmem_shared>>)
      tpu.yield
    }) : () -> ()
    %run_scoped3A_67 = arith.constant 77 : i32
    "tpu.region"() ({
      %run_scoped3A_91 = tpu.sem_alloc : memref<!tpu.dma_semaphore, #tpu.memory_space<semaphore_mem>>
      %dma_start3A_92 = arith.constant 128 : i32
      %dma_start3A_93 = arith.constant 0 : i32
      %dma_start3A_94 = tpu.memref_slice %arg9[%dma_start3A_92, %dma_start3A_93] : memref<256x96xf32, #tpu.memory_space<vmem>> -> memref<128x96xf32, #tpu.memory_space<vmem>>
      %dma_start3A_95 = arith.constant 0 : i32
      %dma_start3A_96 = tpu.memref_slice %arg8[%run_scoped3A_67, %dma_start3A_95] : memref<80x128xi32, #tpu.memory_space<vmem>> -> memref<1x128xi32, #tpu.memory_space<vmem>>
      %dma_start3A_97 = tpu.memref_squeeze %dma_start3A_96 : memref<1x128xi32, #tpu.memory_space<vmem>> -> memref<128xi32, #tpu.memory_space<vmem>>
      %dma_start3A_98 = arith.constant 0 : i32
      %dma_start3A_99 = arith.constant 0 : i32
      %dma_start3A_100 = tpu.memref_slice %arg11[%dma_start3A_98, %dma_start3A_99] : memref<10112x96xf32, #tpu.memory_space<vmem_shared>> -> memref<10112x96xf32, #tpu.memory_space<vmem_shared>>
      tpu.enqueue_indirect_dma source(%dma_start3A_94 : memref<128x96xf32, #tpu.memory_space<vmem>>) target(%dma_start3A_100 : memref<10112x96xf32, #tpu.memory_space<vmem_shared>>) offsets(%dma_start3A_97 : memref<128xi32, #tpu.memory_space<vmem>>) semaphore(%run_scoped3A_91 : memref<!tpu.dma_semaphore, #tpu.memory_space<semaphore_mem>>) {add = true}
      %dma_wait3A_101 = arith.constant 128 : i32
      %dma_wait3A_102 = arith.constant 0 : i32
      %dma_wait3A_103 = tpu.memref_slice %arg9[%dma_wait3A_101, %dma_wait3A_102] : memref<256x96xf32, #tpu.memory_space<vmem>> -> memref<128x96xf32, #tpu.memory_space<vmem>>
      %dma_wait3A_104 = arith.constant 0 : i32
      %dma_wait3A_105 = tpu.memref_slice %arg8[%run_scoped3A_67, %dma_wait3A_104] : memref<80x128xi32, #tpu.memory_space<vmem>> -> memref<1x128xi32, #tpu.memory_space<vmem>>
      %dma_wait3A_106 = tpu.memref_squeeze %dma_wait3A_105 : memref<1x128xi32, #tpu.memory_space<vmem>> -> memref<128xi32, #tpu.memory_space<vmem>>
      %dma_wait3A_107 = arith.constant 0 : i32
      %dma_wait3A_108 = arith.constant 0 : i32
      %dma_wait3A_109 = tpu.memref_slice %arg11[%dma_wait3A_107, %dma_wait3A_108] : memref<10112x96xf32, #tpu.memory_space<vmem_shared>> -> memref<10112x96xf32, #tpu.memory_space<vmem_shared>>
      tpu.wait_indirect_dma semaphore(%run_scoped3A_91 : memref<!tpu.dma_semaphore, #tpu.memory_space<semaphore_mem>>) src(%dma_wait3A_103 : memref<128x96xf32, #tpu.memory_space<vmem>>) dst(%dma_wait3A_109 : memref<10112x96xf32, #tpu.memory_space<vmem_shared>>)
      tpu.yield
    }) : () -> ()
    %dma_wait3A_68 = arith.constant 78 : i32
    %dma_wait3A_69 = arith.constant 0 : i32
    %dma_wait3A_70 = arith.constant 0 : i32
    %dma_wait3A_71 = tpu.memref_slice %arg10[%dma_wait3A_69, %dma_wait3A_70] : memref<256x96xf32, #tpu.memory_space<vmem>> -> memref<128x96xf32, #tpu.memory_space<vmem>>
    %dma_wait3A_72 = arith.constant 0 : i32
    %dma_wait3A_73 = tpu.memref_slice %arg7[%dma_wait3A_68, %dma_wait3A_72] : memref<80x128xi32, #tpu.memory_space<vmem>> -> memref<1x128xi32, #tpu.memory_space<vmem>>
    %dma_wait3A_74 = tpu.memref_squeeze %dma_wait3A_73 : memref<1x128xi32, #tpu.memory_space<vmem>> -> memref<128xi32, #tpu.memory_space<vmem>>
    %dma_wait3A_75 = arith.constant 0 : i32
    %dma_wait3A_76 = arith.constant 0 : i32
    %dma_wait3A_77 = tpu.memref_slice %arg2[%dma_wait3A_75, %dma_wait3A_76] : memref<10000x96xf32, #tpu.memory_space<hbm>> -> memref<10000x96xf32, #tpu.memory_space<hbm>>
    tpu.wait_indirect_dma semaphore(%arg13 : memref<!tpu.dma_semaphore, #tpu.memory_space<semaphore_mem>>) src(%dma_wait3A_77 : memref<10000x96xf32, #tpu.memory_space<hbm>>) dst(%dma_wait3A_71 : memref<128x96xf32, #tpu.memory_space<vmem>>)
    %dma_wait3A_78 = arith.constant 79 : i32
    %dma_wait3A_79 = arith.constant 128 : i32
    %dma_wait3A_80 = arith.constant 0 : i32
    %dma_wait3A_81 = tpu.memref_slice %arg10[%dma_wait3A_79, %dma_wait3A_80] : memref<256x96xf32, #tpu.memory_space<vmem>> -> memref<128x96xf32, #tpu.memory_space<vmem>>
    %dma_wait3A_82 = arith.constant 0 : i32
    %dma_wait3A_83 = tpu.memref_slice %arg7[%dma_wait3A_78, %dma_wait3A_82] : memref<80x128xi32, #tpu.memory_space<vmem>> -> memref<1x128xi32, #tpu.memory_space<vmem>>
    %dma_wait3A_84 = tpu.memref_squeeze %dma_wait3A_83 : memref<1x128xi32, #tpu.memory_space<vmem>> -> memref<128xi32, #tpu.memory_space<vmem>>
    %dma_wait3A_85 = arith.constant 0 : i32
    %dma_wait3A_86 = arith.constant 0 : i32
    %dma_wait3A_87 = tpu.memref_slice %arg2[%dma_wait3A_85, %dma_wait3A_86] : memref<10000x96xf32, #tpu.memory_space<hbm>> -> memref<10000x96xf32, #tpu.memory_space<hbm>>
    tpu.wait_indirect_dma semaphore(%arg13 : memref<!tpu.dma_semaphore, #tpu.memory_space<semaphore_mem>>) src(%dma_wait3A_87 : memref<10000x96xf32, #tpu.memory_space<hbm>>) dst(%dma_wait3A_81 : memref<128x96xf32, #tpu.memory_space<vmem>>)
    %run_scoped3A_88 = arith.constant 78 : i32
    "tpu.region"() ({
      %run_scoped3A_91 = tpu.sem_alloc : memref<!tpu.dma_semaphore, #tpu.memory_space<semaphore_mem>>
      %dma_start3A_92 = arith.constant 0 : i32
      %dma_start3A_93 = arith.constant 0 : i32
      %dma_start3A_94 = tpu.memref_slice %arg10[%dma_start3A_92, %dma_start3A_93] : memref<256x96xf32, #tpu.memory_space<vmem>> -> memref<128x96xf32, #tpu.memory_space<vmem>>
      %dma_start3A_95 = arith.constant 0 : i32
      %dma_start3A_96 = tpu.memref_slice %arg8[%run_scoped3A_88, %dma_start3A_95] : memref<80x128xi32, #tpu.memory_space<vmem>> -> memref<1x128xi32, #tpu.memory_space<vmem>>
      %dma_start3A_97 = tpu.memref_squeeze %dma_start3A_96 : memref<1x128xi32, #tpu.memory_space<vmem>> -> memref<128xi32, #tpu.memory_space<vmem>>
      %dma_start3A_98 = arith.constant 0 : i32
      %dma_start3A_99 = arith.constant 0 : i32
      %dma_start3A_100 = tpu.memref_slice %arg11[%dma_start3A_98, %dma_start3A_99] : memref<10112x96xf32, #tpu.memory_space<vmem_shared>> -> memref<10112x96xf32, #tpu.memory_space<vmem_shared>>
      tpu.enqueue_indirect_dma source(%dma_start3A_94 : memref<128x96xf32, #tpu.memory_space<vmem>>) target(%dma_start3A_100 : memref<10112x96xf32, #tpu.memory_space<vmem_shared>>) offsets(%dma_start3A_97 : memref<128xi32, #tpu.memory_space<vmem>>) semaphore(%run_scoped3A_91 : memref<!tpu.dma_semaphore, #tpu.memory_space<semaphore_mem>>) {add = true}
      %dma_wait3A_101 = arith.constant 0 : i32
      %dma_wait3A_102 = arith.constant 0 : i32
      %dma_wait3A_103 = tpu.memref_slice %arg10[%dma_wait3A_101, %dma_wait3A_102] : memref<256x96xf32, #tpu.memory_space<vmem>> -> memref<128x96xf32, #tpu.memory_space<vmem>>
      %dma_wait3A_104 = arith.constant 0 : i32
      %dma_wait3A_105 = tpu.memref_slice %arg8[%run_scoped3A_88, %dma_wait3A_104] : memref<80x128xi32, #tpu.memory_space<vmem>> -> memref<1x128xi32, #tpu.memory_space<vmem>>
      %dma_wait3A_106 = tpu.memref_squeeze %dma_wait3A_105 : memref<1x128xi32, #tpu.memory_space<vmem>> -> memref<128xi32, #tpu.memory_space<vmem>>
      %dma_wait3A_107 = arith.constant 0 : i32
      %dma_wait3A_108 = arith.constant 0 : i32
      %dma_wait3A_109 = tpu.memref_slice %arg11[%dma_wait3A_107, %dma_wait3A_108] : memref<10112x96xf32, #tpu.memory_space<vmem_shared>> -> memref<10112x96xf32, #tpu.memory_space<vmem_shared>>
      tpu.wait_indirect_dma semaphore(%run_scoped3A_91 : memref<!tpu.dma_semaphore, #tpu.memory_space<semaphore_mem>>) src(%dma_wait3A_103 : memref<128x96xf32, #tpu.memory_space<vmem>>) dst(%dma_wait3A_109 : memref<10112x96xf32, #tpu.memory_space<vmem_shared>>)
      tpu.yield
    }) : () -> ()
    %run_scoped3A_89 = arith.constant 79 : i32
    "tpu.region"() ({
      %run_scoped3A_91 = tpu.sem_alloc : memref<!tpu.dma_semaphore, #tpu.memory_space<semaphore_mem>>
      %dma_start3A_92 = arith.constant 128 : i32
      %dma_start3A_93 = arith.constant 0 : i32
      %dma_start3A_94 = tpu.memref_slice %arg10[%dma_start3A_92, %dma_start3A_93] : memref<256x96xf32, #tpu.memory_space<vmem>> -> memref<128x96xf32, #tpu.memory_space<vmem>>
      %dma_start3A_95 = arith.constant 0 : i32
      %dma_start3A_96 = tpu.memref_slice %arg8[%run_scoped3A_89, %dma_start3A_95] : memref<80x128xi32, #tpu.memory_space<vmem>> -> memref<1x128xi32, #tpu.memory_space<vmem>>
      %dma_start3A_97 = tpu.memref_squeeze %dma_start3A_96 : memref<1x128xi32, #tpu.memory_space<vmem>> -> memref<128xi32, #tpu.memory_space<vmem>>
      %dma_start3A_98 = arith.constant 0 : i32
      %dma_start3A_99 = arith.constant 0 : i32
      %dma_start3A_100 = tpu.memref_slice %arg11[%dma_start3A_98, %dma_start3A_99] : memref<10112x96xf32, #tpu.memory_space<vmem_shared>> -> memref<10112x96xf32, #tpu.memory_space<vmem_shared>>
      tpu.enqueue_indirect_dma source(%dma_start3A_94 : memref<128x96xf32, #tpu.memory_space<vmem>>) target(%dma_start3A_100 : memref<10112x96xf32, #tpu.memory_space<vmem_shared>>) offsets(%dma_start3A_97 : memref<128xi32, #tpu.memory_space<vmem>>) semaphore(%run_scoped3A_91 : memref<!tpu.dma_semaphore, #tpu.memory_space<semaphore_mem>>) {add = true}
      %dma_wait3A_101 = arith.constant 128 : i32
      %dma_wait3A_102 = arith.constant 0 : i32
      %dma_wait3A_103 = tpu.memref_slice %arg10[%dma_wait3A_101, %dma_wait3A_102] : memref<256x96xf32, #tpu.memory_space<vmem>> -> memref<128x96xf32, #tpu.memory_space<vmem>>
      %dma_wait3A_104 = arith.constant 0 : i32
      %dma_wait3A_105 = tpu.memref_slice %arg8[%run_scoped3A_89, %dma_wait3A_104] : memref<80x128xi32, #tpu.memory_space<vmem>> -> memref<1x128xi32, #tpu.memory_space<vmem>>
      %dma_wait3A_106 = tpu.memref_squeeze %dma_wait3A_105 : memref<1x128xi32, #tpu.memory_space<vmem>> -> memref<128xi32, #tpu.memory_space<vmem>>
      %dma_wait3A_107 = arith.constant 0 : i32
      %dma_wait3A_108 = arith.constant 0 : i32
      %dma_wait3A_109 = tpu.memref_slice %arg11[%dma_wait3A_107, %dma_wait3A_108] : memref<10112x96xf32, #tpu.memory_space<vmem_shared>> -> memref<10112x96xf32, #tpu.memory_space<vmem_shared>>
      tpu.wait_indirect_dma semaphore(%run_scoped3A_91 : memref<!tpu.dma_semaphore, #tpu.memory_space<semaphore_mem>>) src(%dma_wait3A_103 : memref<128x96xf32, #tpu.memory_space<vmem>>) dst(%dma_wait3A_109 : memref<10112x96xf32, #tpu.memory_space<vmem_shared>>)
      tpu.yield
    }) : () -> ()
    %barrier3A_90 = arith.constant 0 : index
    tpu.barrier barrier_id(%barrier3A_90)
    "tpu.region"() ({
      %run_scoped3A_91 = tpu.sem_alloc : memref<!tpu.dma_semaphore, #tpu.memory_space<semaphore_mem>>
      %dma_start3A_92 = arith.constant 0 : i32
      %dma_start3A_93 = tpu.memref_slice %arg6[%arg0, %mul3A_2, %dma_start3A_92] : memref<2x10112x96xf32, #tpu.memory_space<hbm>> -> memref<1x632x96xf32, #tpu.memory_space<hbm>>
      %dma_start3A_94 = tpu.memref_squeeze %dma_start3A_93 : memref<1x632x96xf32, #tpu.memory_space<hbm>> -> memref<632x96xf32, #tpu.memory_space<hbm>>
      %dma_start3A_95 = arith.constant 0 : i32
      %dma_start3A_96 = tpu.memref_slice %arg11[%mul3A_2, %dma_start3A_95] : memref<10112x96xf32, #tpu.memory_space<vmem_shared>> -> memref<632x96xf32, #tpu.memory_space<vmem_shared>>
      tpu.enqueue_dma source(%dma_start3A_96 : memref<632x96xf32, #tpu.memory_space<vmem_shared>>) target(%dma_start3A_94 : memref<632x96xf32, #tpu.memory_space<hbm>>) target_semaphore(%run_scoped3A_91 : memref<!tpu.dma_semaphore, #tpu.memory_space<semaphore_mem>>)
      %dma_wait3A_97 = arith.constant 0 : i32
      %dma_wait3A_98 = tpu.memref_slice %arg6[%arg0, %mul3A_2, %dma_wait3A_97] : memref<2x10112x96xf32, #tpu.memory_space<hbm>> -> memref<1x632x96xf32, #tpu.memory_space<hbm>>
      %dma_wait3A_99 = tpu.memref_squeeze %dma_wait3A_98 : memref<1x632x96xf32, #tpu.memory_space<hbm>> -> memref<632x96xf32, #tpu.memory_space<hbm>>
      %dma_wait3A_100 = arith.constant 0 : i32
      %dma_wait3A_101 = tpu.memref_slice %arg11[%mul3A_2, %dma_wait3A_100] : memref<10112x96xf32, #tpu.memory_space<vmem_shared>> -> memref<632x96xf32, #tpu.memory_space<vmem_shared>>
      tpu.wait_dma2 semaphore(%run_scoped3A_91 : memref<!tpu.dma_semaphore, #tpu.memory_space<semaphore_mem>>) src(%dma_wait3A_101 : memref<632x96xf32, #tpu.memory_space<vmem_shared>>) dst(%dma_wait3A_99 : memref<632x96xf32, #tpu.memory_space<hbm>>)
      tpu.yield
    }) : () -> ()
    return
  }
}

module attributes {stable_mosaic.version = 14 : i64} {
  func.func @stageb_body(%arg0: i32, %arg1: memref<1000x128xf32, #tpu.memory_space<vmem>>, %arg2: memref<2x1000x16xf32, #tpu.memory_space<vmem>>, %arg3: memref<128x96xf32, #tpu.memory_space<vmem>>, %arg4: memref<1000x96xf32, #tpu.memory_space<vmem>>, %arg5: memref<1000x1xf32, #tpu.memory_space<vmem>>) attributes {dimension_semantics = [#tpu.dimension_semantics<arbitrary>], iteration_bounds = array<i64: 10>, scalar_prefetch = 0 : i64, scratch_operands = 0 : i64, tpu.core_type = #tpu.core_type<tc>, window_params = [{transform_indices = @transform_0, window_bounds = array<i64: 1000, 128>}, {transform_indices = @transform_1, window_bounds = array<i64: 2, 1000, 16>}, {pipeline_mode = #tpu.pipeline_mode<synchronous>, transform_indices = @transform_2, window_bounds = array<i64: 128, 96>}, {transform_indices = @transform_3, window_bounds = array<i64: 1000, 96>}, {transform_indices = @transform_4, window_bounds = array<i64: 1000, 1>}]} {
    %get3A = arith.constant 0 : index
    %get3A_0 = arith.constant 0 : index
    %get3A_1 = arith.constant 0 : index
    %get3A_2 = vector.load %arg2[%get3A, %get3A_0, %get3A_1] : memref<2x1000x16xf32, #tpu.memory_space<vmem>>, vector<1x1000x16xf32>
    %get3A_3 = vector.shape_cast %get3A_2 : vector<1x1000x16xf32> to vector<1000x16xf32>
    %get3A_4 = arith.constant 1 : index
    %get3A_5 = arith.constant 0 : index
    %get3A_6 = arith.constant 0 : index
    %get3A_7 = vector.load %arg2[%get3A_4, %get3A_5, %get3A_6] : memref<2x1000x16xf32, #tpu.memory_space<vmem>>, vector<1x1000x16xf32>
    %get3A_8 = vector.shape_cast %get3A_7 : vector<1x1000x16xf32> to vector<1000x16xf32>
    %add3A = arith.addf %get3A_3, %get3A_8 : vector<1000x16xf32>
    %slice3A = vector.extract_strided_slice %add3A {offsets = [0, 0], sizes = [1000, 1], strides = [1, 1]} : vector<1000x16xf32> to vector<1000x1xf32>
    %add3A_9 = arith.constant 1.000000e+00 : f32
    %add3A_10 = vector.broadcast %add3A_9 : f32 to vector<1000x1xf32>
    %add3A_11 = arith.addf %slice3A, %add3A_10 : vector<1000x1xf32>
    %rsqrt3A = math.rsqrt %add3A_11 : vector<1000x1xf32>
    %get3A_12 = arith.constant 0 : index
    %get3A_13 = arith.constant 0 : index
    %get3A_14 = vector.load %arg1[%get3A_12, %get3A_13] : memref<1000x128xf32, #tpu.memory_space<vmem>>, vector<1000x128xf32>
    %get3A_15 = arith.constant 0 : index
    %get3A_16 = arith.constant 0 : index
    %get3A_17 = vector.load %arg3[%get3A_15, %get3A_16] : memref<128x96xf32, #tpu.memory_space<vmem>>, vector<128x96xf32>
    %dot_general3A = arith.constant dense<0.000000e+00> : vector<1000x96xf32>
    %dot_general3A_18 = tpu.matmul %get3A_14, %get3A_17, %dot_general3A {dimension_numbers = #tpu.dot_dimension_numbers<[1], [0], [0], [1], [0, 0, 1, 1], [], []>, transpose_lhs_hint = false} : vector<1000x128xf32>, vector<128x96xf32>, vector<1000x96xf32> -> vector<1000x96xf32>
    %mul3A = vector.broadcast %rsqrt3A : vector<1000x1xf32> to vector<1000x96xf32>
    %mul3A_19 = arith.mulf %dot_general3A_18, %mul3A : vector<1000x96xf32>
    %swap3A = arith.constant 0 : index
    %swap3A_20 = arith.constant 0 : index
    %swap3A_21 = vector.load %arg4[%swap3A, %swap3A_20] : memref<1000x96xf32, #tpu.memory_space<vmem>>, vector<1000x96xf32>
    tpu.vector_store %arg4[%swap3A, %swap3A_20], %mul3A_19 {strides = array<i32>} : memref<1000x96xf32, #tpu.memory_space<vmem>>, vector<1000x96xf32>,
    %swap3A_22 = arith.constant 0 : index
    %swap3A_23 = arith.constant 0 : index
    %swap3A_24 = vector.load %arg5[%swap3A_22, %swap3A_23] : memref<1000x1xf32, #tpu.memory_space<vmem>>, vector<1000x1xf32>
    tpu.vector_store %arg5[%swap3A_22, %swap3A_23], %rsqrt3A {strides = array<i32>} : memref<1000x1xf32, #tpu.memory_space<vmem>>, vector<1000x1xf32>,
    return
  }
  func.func @transform_0(%arg0: i32) -> (i32, i32) {
    %c0_i32 = arith.constant 0 : i32
    %c0_i32_0 = arith.constant 0 : i32
    return %arg0, %c0_i32 : i32, i32
  }
  func.func @transform_1(%arg0: i32) -> (i32, i32, i32) {
    %c0_i32 = arith.constant 0 : i32
    %c0_i32_0 = arith.constant 0 : i32
    %c0_i32_1 = arith.constant 0 : i32
    return %c0_i32, %arg0, %c0_i32_0 : i32, i32, i32
  }
  func.func @transform_2(%arg0: i32) -> (i32, i32) {
    %c0_i32 = arith.constant 0 : i32
    %c0_i32_0 = arith.constant 0 : i32
    %c0_i32_1 = arith.constant 0 : i32
    return %c0_i32, %c0_i32_0 : i32, i32
  }
  func.func @transform_3(%arg0: i32) -> (i32, i32) {
    %c0_i32 = arith.constant 0 : i32
    %c0_i32_0 = arith.constant 0 : i32
    return %arg0, %c0_i32 : i32, i32
  }
  func.func @transform_4(%arg0: i32) -> (i32, i32) {
    %c0_i32 = arith.constant 0 : i32
    %c0_i32_0 = arith.constant 0 : i32
    return %arg0, %c0_i32 : i32, i32
  }
}

module attributes {stable_mosaic.version = 14 : i64} {
  func.func @staged_body(%arg0: i32, %arg1: memref<2x1000x96xf32, #tpu.memory_space<vmem>>, %arg2: memref<1000x96xf32, #tpu.memory_space<vmem>>, %arg3: memref<1000x1xf32, #tpu.memory_space<vmem>>, %arg4: memref<1x96xf32, #tpu.memory_space<vmem>>, %arg5: memref<96x96xf32, #tpu.memory_space<vmem>>, %arg6: memref<1000x96xf32, #tpu.memory_space<vmem>>, %arg7: memref<1000x96xf32, #tpu.memory_space<vmem>>) attributes {dimension_semantics = [#tpu.dimension_semantics<arbitrary>], iteration_bounds = array<i64: 10>, scalar_prefetch = 0 : i64, scratch_operands = 0 : i64, tpu.core_type = #tpu.core_type<tc>, window_params = [{transform_indices = @transform_0, window_bounds = array<i64: 2, 1000, 96>}, {transform_indices = @transform_1, window_bounds = array<i64: 1000, 96>}, {transform_indices = @transform_2, window_bounds = array<i64: 1000, 1>}, {pipeline_mode = #tpu.pipeline_mode<synchronous>, transform_indices = @transform_3, window_bounds = array<i64: 1, 96>}, {pipeline_mode = #tpu.pipeline_mode<synchronous>, transform_indices = @transform_4, window_bounds = array<i64: 96, 96>}, {transform_indices = @transform_5, window_bounds = array<i64: 1000, 96>}, {transform_indices = @transform_6, window_bounds = array<i64: 1000, 96>}]} {
    %get3A = arith.constant 0 : index
    %get3A_0 = arith.constant 0 : index
    %get3A_1 = vector.load %arg3[%get3A, %get3A_0] : memref<1000x1xf32, #tpu.memory_space<vmem>>, vector<1000x1xf32>
    %get3A_2 = arith.constant 0 : index
    %get3A_3 = arith.constant 0 : index
    %get3A_4 = arith.constant 0 : index
    %get3A_5 = vector.load %arg1[%get3A_2, %get3A_3, %get3A_4] : memref<2x1000x96xf32, #tpu.memory_space<vmem>>, vector<1x1000x96xf32>
    %get3A_6 = vector.shape_cast %get3A_5 : vector<1x1000x96xf32> to vector<1000x96xf32>
    %get3A_7 = arith.constant 1 : index
    %get3A_8 = arith.constant 0 : index
    %get3A_9 = arith.constant 0 : index
    %get3A_10 = vector.load %arg1[%get3A_7, %get3A_8, %get3A_9] : memref<2x1000x96xf32, #tpu.memory_space<vmem>>, vector<1x1000x96xf32>
    %get3A_11 = vector.shape_cast %get3A_10 : vector<1x1000x96xf32> to vector<1000x96xf32>
    %add3A = arith.addf %get3A_6, %get3A_11 : vector<1000x96xf32>
    %get3A_12 = arith.constant 0 : index
    %get3A_13 = arith.constant 0 : index
    %get3A_14 = vector.load %arg2[%get3A_12, %get3A_13] : memref<1000x96xf32, #tpu.memory_space<vmem>>, vector<1000x96xf32>
    %add3A_15 = arith.addf %add3A, %get3A_14 : vector<1000x96xf32>
    %mul3A = vector.broadcast %get3A_1 : vector<1000x1xf32> to vector<1000x96xf32>
    %mul3A_16 = arith.mulf %add3A_15, %mul3A : vector<1000x96xf32>
    %get3A_17 = arith.constant 0 : index
    %get3A_18 = arith.constant 0 : index
    %get3A_19 = vector.load %arg4[%get3A_17, %get3A_18] : memref<1x96xf32, #tpu.memory_space<vmem>>, vector<1x96xf32>
    %add3A_20 = vector.broadcast %get3A_19 : vector<1x96xf32> to vector<1000x96xf32>
    %add3A_21 = arith.addf %mul3A_16, %add3A_20 : vector<1000x96xf32>
    %max3A = arith.constant 0.000000e+00 : f32
    %max3A_22 = vector.broadcast %max3A : f32 to vector<1000x96xf32>
    %max3A_23 = arith.maximumf %add3A_21, %max3A_22 : vector<1000x96xf32>
    %swap3A = arith.constant 0 : index
    %swap3A_24 = arith.constant 0 : index
    %swap3A_25 = vector.load %arg6[%swap3A, %swap3A_24] : memref<1000x96xf32, #tpu.memory_space<vmem>>, vector<1000x96xf32>
    tpu.vector_store %arg6[%swap3A, %swap3A_24], %max3A_23 {strides = array<i32>} : memref<1000x96xf32, #tpu.memory_space<vmem>>, vector<1000x96xf32>,
    %get3A_26 = arith.constant 0 : index
    %get3A_27 = arith.constant 0 : index
    %get3A_28 = vector.load %arg5[%get3A_26, %get3A_27] : memref<96x96xf32, #tpu.memory_space<vmem>>, vector<96x96xf32>
    %dot_general3A = arith.constant dense<0.000000e+00> : vector<1000x96xf32>
    %dot_general3A_29 = tpu.matmul %max3A_23, %get3A_28, %dot_general3A {dimension_numbers = #tpu.dot_dimension_numbers<[1], [0], [0], [1], [0, 0, 1, 1], [], []>, transpose_lhs_hint = false} : vector<1000x96xf32>, vector<96x96xf32>, vector<1000x96xf32> -> vector<1000x96xf32>
    %mul3A_30 = vector.broadcast %get3A_1 : vector<1000x1xf32> to vector<1000x96xf32>
    %mul3A_31 = arith.mulf %dot_general3A_29, %mul3A_30 : vector<1000x96xf32>
    %swap3A_32 = arith.constant 0 : index
    %swap3A_33 = arith.constant 0 : index
    %swap3A_34 = vector.load %arg7[%swap3A_32, %swap3A_33] : memref<1000x96xf32, #tpu.memory_space<vmem>>, vector<1000x96xf32>
    tpu.vector_store %arg7[%swap3A_32, %swap3A_33], %mul3A_31 {strides = array<i32>} : memref<1000x96xf32, #tpu.memory_space<vmem>>, vector<1000x96xf32>,
    return
  }
  func.func @transform_0(%arg0: i32) -> (i32, i32, i32) {
    %c0_i32 = arith.constant 0 : i32
    %c0_i32_0 = arith.constant 0 : i32
    %c0_i32_1 = arith.constant 0 : i32
    return %c0_i32, %arg0, %c0_i32_0 : i32, i32, i32
  }
  func.func @transform_1(%arg0: i32) -> (i32, i32) {
    %c0_i32 = arith.constant 0 : i32
    %c0_i32_0 = arith.constant 0 : i32
    return %arg0, %c0_i32 : i32, i32
  }
  func.func @transform_2(%arg0: i32) -> (i32, i32) {
    %c0_i32 = arith.constant 0 : i32
    %c0_i32_0 = arith.constant 0 : i32
    return %arg0, %c0_i32 : i32, i32
  }
  func.func @transform_3(%arg0: i32) -> (i32, i32) {
    %c0_i32 = arith.constant 0 : i32
    %c0_i32_0 = arith.constant 0 : i32
    %c0_i32_1 = arith.constant 0 : i32
    return %c0_i32, %c0_i32_0 : i32, i32
  }
  func.func @transform_4(%arg0: i32) -> (i32, i32) {
    %c0_i32 = arith.constant 0 : i32
    %c0_i32_0 = arith.constant 0 : i32
    %c0_i32_1 = arith.constant 0 : i32
    return %c0_i32, %c0_i32_0 : i32, i32
  }
  func.func @transform_5(%arg0: i32) -> (i32, i32) {
    %c0_i32 = arith.constant 0 : i32
    %c0_i32_0 = arith.constant 0 : i32
    return %arg0, %c0_i32 : i32, i32
  }
  func.func @transform_6(%arg0: i32) -> (i32, i32) {
    %c0_i32 = arith.constant 0 : i32
    %c0_i32_0 = arith.constant 0 : i32
    return %arg0, %c0_i32 : i32, i32
  }
}

module attributes {stable_mosaic.version = 14 : i64} {
  func.func @stagef_body(%arg0: i32, %arg1: memref<2x1000x96xf32, #tpu.memory_space<vmem>>, %arg2: memref<1000x96xf32, #tpu.memory_space<vmem>>, %arg3: memref<1000x1xf32, #tpu.memory_space<vmem>>, %arg4: memref<1x96xf32, #tpu.memory_space<vmem>>, %arg5: memref<1000x96xf32, #tpu.memory_space<vmem>>, %arg6: memref<1x1x1000xi32, #tpu.memory_space<vmem>>, %arg7: memref<192x1xf32, #tpu.memory_space<vmem>>, %arg8: memref<1x1xf32, #tpu.memory_space<vmem>>, %arg9: memref<384x1xf32, #tpu.memory_space<vmem>>, %arg10: memref<1x1xf32, #tpu.memory_space<vmem>>, %arg11: memref<1000x1xf32, #tpu.memory_space<vmem>>, %arg12: memref<16x1xf32, #tpu.memory_space<vmem>>, %arg13: memref<16x192xf32, #tpu.memory_space<vmem>>, %arg14: memref<16x1xf32, #tpu.memory_space<vmem>>, %arg15: memref<16x192xf32, #tpu.memory_space<vmem>>) attributes {dimension_semantics = [#tpu.dimension_semantics<arbitrary>], iteration_bounds = array<i64: 10>, scalar_prefetch = 0 : i64, scratch_operands = 3 : i64, tpu.core_type = #tpu.core_type<tc>, window_params = [{transform_indices = @transform_0, window_bounds = array<i64: 2, 1000, 96>}, {transform_indices = @transform_1, window_bounds = array<i64: 1000, 96>}, {transform_indices = @transform_2, window_bounds = array<i64: 1000, 1>}, {pipeline_mode = #tpu.pipeline_mode<synchronous>, transform_indices = @transform_3, window_bounds = array<i64: 1, 96>}, {transform_indices = @transform_4, window_bounds = array<i64: 1000, 96>}, {transform_indices = @transform_5, window_bounds = array<i64: 1, 1, 1000>}, {pipeline_mode = #tpu.pipeline_mode<synchronous>, transform_indices = @transform_6, window_bounds = array<i64: 192, 1>}, {pipeline_mode = #tpu.pipeline_mode<synchronous>, transform_indices = @transform_7, window_bounds = array<i64: 1, 1>}, {pipeline_mode = #tpu.pipeline_mode<synchronous>, transform_indices = @transform_8, window_bounds = array<i64: 384, 1>}, {pipeline_mode = #tpu.pipeline_mode<synchronous>, transform_indices = @transform_9, window_bounds = array<i64: 1, 1>}, {transform_indices = @transform_10, window_bounds = array<i64: 1000, 1>}, {pipeline_mode = #tpu.pipeline_mode<synchronous>, transform_indices = @transform_11, window_bounds = array<i64: 16, 1>}]} {
    %get3A = arith.constant 0 : index
    %get3A_0 = arith.constant 0 : index
    %get3A_1 = vector.load %arg3[%get3A, %get3A_0] : memref<1000x1xf32, #tpu.memory_space<vmem>>, vector<1000x1xf32>
    %get3A_2 = arith.constant 0 : index
    %get3A_3 = arith.constant 0 : index
    %get3A_4 = arith.constant 0 : index
    %get3A_5 = vector.load %arg1[%get3A_2, %get3A_3, %get3A_4] : memref<2x1000x96xf32, #tpu.memory_space<vmem>>, vector<1x1000x96xf32>
    %get3A_6 = vector.shape_cast %get3A_5 : vector<1x1000x96xf32> to vector<1000x96xf32>
    %get3A_7 = arith.constant 1 : index
    %get3A_8 = arith.constant 0 : index
    %get3A_9 = arith.constant 0 : index
    %get3A_10 = vector.load %arg1[%get3A_7, %get3A_8, %get3A_9] : memref<2x1000x96xf32, #tpu.memory_space<vmem>>, vector<1x1000x96xf32>
    %get3A_11 = vector.shape_cast %get3A_10 : vector<1x1000x96xf32> to vector<1000x96xf32>
    %add3A = arith.addf %get3A_6, %get3A_11 : vector<1000x96xf32>
    %get3A_12 = arith.constant 0 : index
    %get3A_13 = arith.constant 0 : index
    %get3A_14 = vector.load %arg2[%get3A_12, %get3A_13] : memref<1000x96xf32, #tpu.memory_space<vmem>>, vector<1000x96xf32>
    %add3A_15 = arith.addf %add3A, %get3A_14 : vector<1000x96xf32>
    %mul3A = vector.broadcast %get3A_1 : vector<1000x1xf32> to vector<1000x96xf32>
    %mul3A_16 = arith.mulf %add3A_15, %mul3A : vector<1000x96xf32>
    %get3A_17 = arith.constant 0 : index
    %get3A_18 = arith.constant 0 : index
    %get3A_19 = vector.load %arg4[%get3A_17, %get3A_18] : memref<1x96xf32, #tpu.memory_space<vmem>>, vector<1x96xf32>
    %add3A_20 = vector.broadcast %get3A_19 : vector<1x96xf32> to vector<1000x96xf32>
    %add3A_21 = arith.addf %mul3A_16, %add3A_20 : vector<1000x96xf32>
    %max3A = arith.constant 0.000000e+00 : f32
    %max3A_22 = vector.broadcast %max3A : f32 to vector<1000x96xf32>
    %max3A_23 = arith.maximumf %add3A_21, %max3A_22 : vector<1000x96xf32>
    %get3A_24 = arith.constant 0 : index
    %get3A_25 = arith.constant 0 : index
    %get3A_26 = vector.load %arg5[%get3A_24, %get3A_25] : memref<1000x96xf32, #tpu.memory_space<vmem>>, vector<1000x96xf32>
    %concatenate3A = tpu.concatenate %get3A_26, %max3A_23 in 1 : vector<1000x96xf32>, vector<1000x96xf32> -> vector<1000x192xf32>
    %get3A_27 = arith.constant 0 : index
    %get3A_28 = arith.constant 0 : index
    %get3A_29 = vector.load %arg7[%get3A_27, %get3A_28] : memref<192x1xf32, #tpu.memory_space<vmem>>, vector<192x1xf32>
    %dot_general3A = arith.constant dense<0.000000e+00> : vector<1000x1xf32>
    %dot_general3A_30 = tpu.matmul %concatenate3A, %get3A_29, %dot_general3A {dimension_numbers = #tpu.dot_dimension_numbers<[1], [0], [0], [1], [0, 0, 1, 1], [], []>, transpose_lhs_hint = false} : vector<1000x192xf32>, vector<192x1xf32>, vector<1000x1xf32> -> vector<1000x1xf32>
    %get3A_31 = arith.constant 0 : index
    %get3A_32 = arith.constant 0 : index
    %get3A_33 = vector.load %arg8[%get3A_31, %get3A_32] : memref<1x1xf32, #tpu.memory_space<vmem>>, vector<1x1xf32>
    %add3A_34 = vector.broadcast %get3A_33 : vector<1x1xf32> to vector<1000x1xf32>
    %add3A_35 = arith.addf %dot_general3A_30, %add3A_34 : vector<1000x1xf32>
    %swap3A = arith.constant 0 : index
    %swap3A_36 = arith.constant 0 : index
    %swap3A_37 = vector.load %arg11[%swap3A, %swap3A_36] : memref<1000x1xf32, #tpu.memory_space<vmem>>, vector<1000x1xf32>
    tpu.vector_store %arg11[%swap3A, %swap3A_36], %add3A_35 {strides = array<i32>} : memref<1000x1xf32, #tpu.memory_space<vmem>>, vector<1000x1xf32>,
    %eq3A = arith.constant 0 : i32
    %eq3A_38 = arith.cmpi eq, %arg0, %eq3A : i32
    %convert_element_type3A = arith.extui %eq3A_38 : i1 to i32
    %cond3A = arith.constant 0 : i32
    %cond3A_39 = arith.cmpi ne, %convert_element_type3A, %cond3A : i32
    scf.if %cond3A_39 {
      %broadcast_in_dim3A_225 = arith.constant 0.000000e+00 : f32
      %broadcast_in_dim3A_226 = vector.broadcast %broadcast_in_dim3A_225 : f32 to vector<16x192xf32>
      %swap3A_227 = arith.constant 0 : index
      %swap3A_228 = arith.constant 0 : index
      %swap3A_229 = vector.load %arg13[%swap3A_227, %swap3A_228] : memref<16x192xf32, #tpu.memory_space<vmem>>, vector<16x192xf32>
      tpu.vector_store %arg13[%swap3A_227, %swap3A_228], %broadcast_in_dim3A_226 {strides = array<i32>} : memref<16x192xf32, #tpu.memory_space<vmem>>, vector<16x192xf32>,
      %broadcast_in_dim3A_230 = arith.constant 0.000000e+00 : f32
      %broadcast_in_dim3A_231 = vector.broadcast %broadcast_in_dim3A_230 : f32 to vector<16x1xf32>
      %swap3A_232 = arith.constant 0 : index
      %swap3A_233 = arith.constant 0 : index
      %swap3A_234 = vector.load %arg14[%swap3A_232, %swap3A_233] : memref<16x1xf32, #tpu.memory_space<vmem>>, vector<16x1xf32>
      tpu.vector_store %arg14[%swap3A_232, %swap3A_233], %broadcast_in_dim3A_231 {strides = array<i32>} : memref<16x1xf32, #tpu.memory_space<vmem>>, vector<16x1xf32>,
      %broadcast_in_dim3A_235 = arith.constant 0xFF800000 : f32
      %broadcast_in_dim3A_236 = vector.broadcast %broadcast_in_dim3A_235 : f32 to vector<16x192xf32>
      %swap3A_237 = arith.constant 0 : index
      %swap3A_238 = arith.constant 0 : index
      %swap3A_239 = vector.load %arg15[%swap3A_237, %swap3A_238] : memref<16x192xf32, #tpu.memory_space<vmem>>, vector<16x192xf32>
      tpu.vector_store %arg15[%swap3A_237, %swap3A_238], %broadcast_in_dim3A_236 {strides = array<i32>} : memref<16x192xf32, #tpu.memory_space<vmem>>, vector<16x192xf32>,
    } else {
    }
    %get3A_40 = arith.constant 0 : index
    %get3A_41 = arith.constant 0 : index
    %get3A_42 = arith.constant 0 : index
    %get3A_43 = vector.load %arg6[%get3A_40, %get3A_41, %get3A_42] : memref<1x1x1000xi32, #tpu.memory_space<vmem>>, vector<1x1x1000xi32>
    %get3A_44 = vector.shape_cast %get3A_43 : vector<1x1x1000xi32> to vector<1x1000xi32>
    %iota3A = tpu.iota {dimensions = array<i32: 0>} : vector<16x1000xi32>
    %eq3A_45 = vector.broadcast %get3A_44 : vector<1x1000xi32> to vector<16x1000xi32>
    %eq3A_46 = arith.cmpi eq, %eq3A_45, %iota3A : vector<16x1000xi32>
    %convert_element_type3A_47 = arith.extui %eq3A_46 : vector<16x1000xi1> to vector<16x1000xi32>
    %convert_element_type3A_48 = arith.sitofp %convert_element_type3A_47 : vector<16x1000xi32> to vector<16x1000xf32>
    %get3A_49 = arith.constant 0 : index
    %get3A_50 = arith.constant 0 : index
    %get3A_51 = vector.load %arg13[%get3A_49, %get3A_50] : memref<16x192xf32, #tpu.memory_space<vmem>>, vector<16x192xf32>
    %dot_general3A_52 = arith.constant dense<0.000000e+00> : vector<16x192xf32>
    %dot_general3A_53 = tpu.matmul %convert_element_type3A_48, %concatenate3A, %dot_general3A_52 {dimension_numbers = #tpu.dot_dimension_numbers<[1], [0], [0], [1], [0, 0, 1, 1], [], []>, transpose_lhs_hint = false} : vector<16x1000xf32>, vector<1000x192xf32>, vector<16x192xf32> -> vector<16x192xf32>
    %add3A_54 = arith.addf %get3A_51, %dot_general3A_53 : vector<16x192xf32>
    %swap3A_55 = arith.constant 0 : index
    %swap3A_56 = arith.constant 0 : index
    %swap3A_57 = vector.load %arg13[%swap3A_55, %swap3A_56] : memref<16x192xf32, #tpu.memory_space<vmem>>, vector<16x192xf32>
    tpu.vector_store %arg13[%swap3A_55, %swap3A_56], %add3A_54 {strides = array<i32>} : memref<16x192xf32, #tpu.memory_space<vmem>>, vector<16x192xf32>,
    %get3A_58 = arith.constant 0 : index
    %get3A_59 = arith.constant 0 : index
    %get3A_60 = vector.load %arg14[%get3A_58, %get3A_59] : memref<16x1xf32, #tpu.memory_space<vmem>>, vector<16x1xf32>
    %reduce_sum3A = arith.constant dense<0.000000e+00> : vector<16xf32>
    %reduce_sum3A_61 = vector.multi_reduction <add>, %convert_element_type3A_48, %reduce_sum3A [1] : vector<16x1000xf32> to vector<16xf32>
    %broadcast_in_dim3A = vector.shape_cast %reduce_sum3A_61 : vector<16xf32> to vector<16x1xf32>
    %add3A_62 = arith.addf %get3A_60, %broadcast_in_dim3A : vector<16x1xf32>
    %swap3A_63 = arith.constant 0 : index
    %swap3A_64 = arith.constant 0 : index
    %swap3A_65 = vector.load %arg14[%swap3A_63, %swap3A_64] : memref<16x1xf32, #tpu.memory_space<vmem>>, vector<16x1xf32>
    tpu.vector_store %arg14[%swap3A_63, %swap3A_64], %add3A_62 {strides = array<i32>} : memref<16x1xf32, #tpu.memory_space<vmem>>, vector<16x1xf32>,
    %reshape3A = vector.shape_cast %get3A_44 : vector<1x1000xi32> to vector<1000x1xi32>
    %slice3A = vector.extract_strided_slice %get3A_44 {offsets = [0, 0], sizes = [1, 1], strides = [1, 1]} : vector<1x1000xi32> to vector<1x1xi32>
    %squeeze3A = vector.extract %slice3A[0, 0] : i32 from vector<1x1xi32>
    %slice3A_66 = vector.extract_strided_slice %get3A_44 {offsets = [0, 999], sizes = [1, 1], strides = [1, 1]} : vector<1x1000xi32> to vector<1x1xi32>
    %squeeze3A_67 = vector.extract %slice3A_66[0, 0] : i32 from vector<1x1xi32>
    %le3A = arith.constant 0 : i32
    %le3A_68 = arith.cmpi sle, %squeeze3A, %le3A : i32
    %ge3A = arith.constant 0 : i32
    %ge3A_69 = arith.cmpi sge, %squeeze3A_67, %ge3A : i32
    %and3A = arith.andi %le3A_68, %ge3A_69 : i1
    %convert_element_type3A_70 = arith.extui %and3A : i1 to i32
    %cond3A_71 = arith.constant 0 : i32
    %cond3A_72 = arith.cmpi ne, %convert_element_type3A_70, %cond3A_71 : i32
    scf.if %cond3A_72 {
      %eq3A_225 = arith.constant 0 : i32
      %eq3A_226 = vector.broadcast %eq3A_225 : i32 to vector<1000x1xi32>
      %eq3A_227 = arith.cmpi eq, %reshape3A, %eq3A_226 : vector<1000x1xi32>
      %jit3A_228 = arith.constant 0xFF800000 : f32
      %broadcast_in_dim3A_229 = vector.shape_cast %eq3A_227 : vector<1000x1xi1> to vector<1000x1xi1>
      %broadcast_in_dim3A_230 = vector.broadcast %broadcast_in_dim3A_229 : vector<1000x1xi1> to vector<1000x192xi1>
      %broadcast_in_dim3A_231 = vector.broadcast %jit3A_228 : f32 to vector<1000x192xf32>
      %select_n3A_232 = arith.select %broadcast_in_dim3A_230, %concatenate3A, %broadcast_in_dim3A_231 : vector<1000x192xi1>, vector<1000x192xf32>
      %reduce_max3A = arith.constant dense<0xFF800000> : vector<192xf32>
      %reduce_max3A_233 = vector.multi_reduction <maximumf>, %select_n3A_232, %reduce_max3A [0] : vector<1000x192xf32> to vector<192xf32>
      %broadcast_in_dim3A_234 = vector.shape_cast %reduce_max3A_233 : vector<192xf32> to vector<1x192xf32>
      %get3A_235 = arith.constant 0 : index
      %get3A_236 = arith.constant 0 : index
      %get3A_237 = vector.load %arg15[%get3A_235, %get3A_236] : memref<16x192xf32, #tpu.memory_space<vmem>>, vector<1x192xf32>
      %max3A_238 = arith.maximumf %get3A_237, %broadcast_in_dim3A_234 : vector<1x192xf32>
      %swap3A_239 = arith.constant 0 : index
      %swap3A_240 = arith.constant 0 : index
      %swap3A_241 = vector.load %arg15[%swap3A_239, %swap3A_240] : memref<16x192xf32, #tpu.memory_space<vmem>>, vector<1x192xf32>
      tpu.vector_store %arg15[%swap3A_239, %swap3A_240], %max3A_238 {strides = array<i32>} : memref<16x192xf32, #tpu.memory_space<vmem>>, vector<1x192xf32>,
    } else {
    }
    %le3A_73 = arith.constant 1 : i32
    %le3A_74 = arith.cmpi sle, %squeeze3A, %le3A_73 : i32
    %ge3A_75 = arith.constant 1 : i32
    %ge3A_76 = arith.cmpi sge, %squeeze3A_67, %ge3A_75 : i32
    %and3A_77 = arith.andi %le3A_74, %ge3A_76 : i1
    %convert_element_type3A_78 = arith.extui %and3A_77 : i1 to i32
    %cond3A_79 = arith.constant 0 : i32
    %cond3A_80 = arith.cmpi ne, %convert_element_type3A_78, %cond3A_79 : i32
    scf.if %cond3A_80 {
      %eq3A_225 = arith.constant 1 : i32
      %eq3A_226 = vector.broadcast %eq3A_225 : i32 to vector<1000x1xi32>
      %eq3A_227 = arith.cmpi eq, %reshape3A, %eq3A_226 : vector<1000x1xi32>
      %jit3A_228 = arith.constant 0xFF800000 : f32
      %broadcast_in_dim3A_229 = vector.shape_cast %eq3A_227 : vector<1000x1xi1> to vector<1000x1xi1>
      %broadcast_in_dim3A_230 = vector.broadcast %broadcast_in_dim3A_229 : vector<1000x1xi1> to vector<1000x192xi1>
      %broadcast_in_dim3A_231 = vector.broadcast %jit3A_228 : f32 to vector<1000x192xf32>
      %select_n3A_232 = arith.select %broadcast_in_dim3A_230, %concatenate3A, %broadcast_in_dim3A_231 : vector<1000x192xi1>, vector<1000x192xf32>
      %reduce_max3A = arith.constant dense<0xFF800000> : vector<192xf32>
      %reduce_max3A_233 = vector.multi_reduction <maximumf>, %select_n3A_232, %reduce_max3A [0] : vector<1000x192xf32> to vector<192xf32>
      %broadcast_in_dim3A_234 = vector.shape_cast %reduce_max3A_233 : vector<192xf32> to vector<1x192xf32>
      %get3A_235 = arith.constant 1 : index
      %get3A_236 = arith.constant 0 : index
      %get3A_237 = vector.load %arg15[%get3A_235, %get3A_236] : memref<16x192xf32, #tpu.memory_space<vmem>>, vector<1x192xf32>
      %max3A_238 = arith.maximumf %get3A_237, %broadcast_in_dim3A_234 : vector<1x192xf32>
      %swap3A_239 = arith.constant 1 : index
      %swap3A_240 = arith.constant 0 : index
      %swap3A_241 = vector.load %arg15[%swap3A_239, %swap3A_240] : memref<16x192xf32, #tpu.memory_space<vmem>>, vector<1x192xf32>
      tpu.vector_store %arg15[%swap3A_239, %swap3A_240], %max3A_238 {strides = array<i32>} : memref<16x192xf32, #tpu.memory_space<vmem>>, vector<1x192xf32>,
    } else {
    }
    %le3A_81 = arith.constant 2 : i32
    %le3A_82 = arith.cmpi sle, %squeeze3A, %le3A_81 : i32
    %ge3A_83 = arith.constant 2 : i32
    %ge3A_84 = arith.cmpi sge, %squeeze3A_67, %ge3A_83 : i32
    %and3A_85 = arith.andi %le3A_82, %ge3A_84 : i1
    %convert_element_type3A_86 = arith.extui %and3A_85 : i1 to i32
    %cond3A_87 = arith.constant 0 : i32
    %cond3A_88 = arith.cmpi ne, %convert_element_type3A_86, %cond3A_87 : i32
    scf.if %cond3A_88 {
      %eq3A_225 = arith.constant 2 : i32
      %eq3A_226 = vector.broadcast %eq3A_225 : i32 to vector<1000x1xi32>
      %eq3A_227 = arith.cmpi eq, %reshape3A, %eq3A_226 : vector<1000x1xi32>
      %jit3A_228 = arith.constant 0xFF800000 : f32
      %broadcast_in_dim3A_229 = vector.shape_cast %eq3A_227 : vector<1000x1xi1> to vector<1000x1xi1>
      %broadcast_in_dim3A_230 = vector.broadcast %broadcast_in_dim3A_229 : vector<1000x1xi1> to vector<1000x192xi1>
      %broadcast_in_dim3A_231 = vector.broadcast %jit3A_228 : f32 to vector<1000x192xf32>
      %select_n3A_232 = arith.select %broadcast_in_dim3A_230, %concatenate3A, %broadcast_in_dim3A_231 : vector<1000x192xi1>, vector<1000x192xf32>
      %reduce_max3A = arith.constant dense<0xFF800000> : vector<192xf32>
      %reduce_max3A_233 = vector.multi_reduction <maximumf>, %select_n3A_232, %reduce_max3A [0] : vector<1000x192xf32> to vector<192xf32>
      %broadcast_in_dim3A_234 = vector.shape_cast %reduce_max3A_233 : vector<192xf32> to vector<1x192xf32>
      %get3A_235 = arith.constant 2 : index
      %get3A_236 = arith.constant 0 : index
      %get3A_237 = vector.load %arg15[%get3A_235, %get3A_236] : memref<16x192xf32, #tpu.memory_space<vmem>>, vector<1x192xf32>
      %max3A_238 = arith.maximumf %get3A_237, %broadcast_in_dim3A_234 : vector<1x192xf32>
      %swap3A_239 = arith.constant 2 : index
      %swap3A_240 = arith.constant 0 : index
      %swap3A_241 = vector.load %arg15[%swap3A_239, %swap3A_240] : memref<16x192xf32, #tpu.memory_space<vmem>>, vector<1x192xf32>
      tpu.vector_store %arg15[%swap3A_239, %swap3A_240], %max3A_238 {strides = array<i32>} : memref<16x192xf32, #tpu.memory_space<vmem>>, vector<1x192xf32>,
    } else {
    }
    %le3A_89 = arith.constant 3 : i32
    %le3A_90 = arith.cmpi sle, %squeeze3A, %le3A_89 : i32
    %ge3A_91 = arith.constant 3 : i32
    %ge3A_92 = arith.cmpi sge, %squeeze3A_67, %ge3A_91 : i32
    %and3A_93 = arith.andi %le3A_90, %ge3A_92 : i1
    %convert_element_type3A_94 = arith.extui %and3A_93 : i1 to i32
    %cond3A_95 = arith.constant 0 : i32
    %cond3A_96 = arith.cmpi ne, %convert_element_type3A_94, %cond3A_95 : i32
    scf.if %cond3A_96 {
      %eq3A_225 = arith.constant 3 : i32
      %eq3A_226 = vector.broadcast %eq3A_225 : i32 to vector<1000x1xi32>
      %eq3A_227 = arith.cmpi eq, %reshape3A, %eq3A_226 : vector<1000x1xi32>
      %jit3A_228 = arith.constant 0xFF800000 : f32
      %broadcast_in_dim3A_229 = vector.shape_cast %eq3A_227 : vector<1000x1xi1> to vector<1000x1xi1>
      %broadcast_in_dim3A_230 = vector.broadcast %broadcast_in_dim3A_229 : vector<1000x1xi1> to vector<1000x192xi1>
      %broadcast_in_dim3A_231 = vector.broadcast %jit3A_228 : f32 to vector<1000x192xf32>
      %select_n3A_232 = arith.select %broadcast_in_dim3A_230, %concatenate3A, %broadcast_in_dim3A_231 : vector<1000x192xi1>, vector<1000x192xf32>
      %reduce_max3A = arith.constant dense<0xFF800000> : vector<192xf32>
      %reduce_max3A_233 = vector.multi_reduction <maximumf>, %select_n3A_232, %reduce_max3A [0] : vector<1000x192xf32> to vector<192xf32>
      %broadcast_in_dim3A_234 = vector.shape_cast %reduce_max3A_233 : vector<192xf32> to vector<1x192xf32>
      %get3A_235 = arith.constant 3 : index
      %get3A_236 = arith.constant 0 : index
      %get3A_237 = vector.load %arg15[%get3A_235, %get3A_236] : memref<16x192xf32, #tpu.memory_space<vmem>>, vector<1x192xf32>
      %max3A_238 = arith.maximumf %get3A_237, %broadcast_in_dim3A_234 : vector<1x192xf32>
      %swap3A_239 = arith.constant 3 : index
      %swap3A_240 = arith.constant 0 : index
      %swap3A_241 = vector.load %arg15[%swap3A_239, %swap3A_240] : memref<16x192xf32, #tpu.memory_space<vmem>>, vector<1x192xf32>
      tpu.vector_store %arg15[%swap3A_239, %swap3A_240], %max3A_238 {strides = array<i32>} : memref<16x192xf32, #tpu.memory_space<vmem>>, vector<1x192xf32>,
    } else {
    }
    %le3A_97 = arith.constant 4 : i32
    %le3A_98 = arith.cmpi sle, %squeeze3A, %le3A_97 : i32
    %ge3A_99 = arith.constant 4 : i32
    %ge3A_100 = arith.cmpi sge, %squeeze3A_67, %ge3A_99 : i32
    %and3A_101 = arith.andi %le3A_98, %ge3A_100 : i1
    %convert_element_type3A_102 = arith.extui %and3A_101 : i1 to i32
    %cond3A_103 = arith.constant 0 : i32
    %cond3A_104 = arith.cmpi ne, %convert_element_type3A_102, %cond3A_103 : i32
    scf.if %cond3A_104 {
      %eq3A_225 = arith.constant 4 : i32
      %eq3A_226 = vector.broadcast %eq3A_225 : i32 to vector<1000x1xi32>
      %eq3A_227 = arith.cmpi eq, %reshape3A, %eq3A_226 : vector<1000x1xi32>
      %jit3A_228 = arith.constant 0xFF800000 : f32
      %broadcast_in_dim3A_229 = vector.shape_cast %eq3A_227 : vector<1000x1xi1> to vector<1000x1xi1>
      %broadcast_in_dim3A_230 = vector.broadcast %broadcast_in_dim3A_229 : vector<1000x1xi1> to vector<1000x192xi1>
      %broadcast_in_dim3A_231 = vector.broadcast %jit3A_228 : f32 to vector<1000x192xf32>
      %select_n3A_232 = arith.select %broadcast_in_dim3A_230, %concatenate3A, %broadcast_in_dim3A_231 : vector<1000x192xi1>, vector<1000x192xf32>
      %reduce_max3A = arith.constant dense<0xFF800000> : vector<192xf32>
      %reduce_max3A_233 = vector.multi_reduction <maximumf>, %select_n3A_232, %reduce_max3A [0] : vector<1000x192xf32> to vector<192xf32>
      %broadcast_in_dim3A_234 = vector.shape_cast %reduce_max3A_233 : vector<192xf32> to vector<1x192xf32>
      %get3A_235 = arith.constant 4 : index
      %get3A_236 = arith.constant 0 : index
      %get3A_237 = vector.load %arg15[%get3A_235, %get3A_236] : memref<16x192xf32, #tpu.memory_space<vmem>>, vector<1x192xf32>
      %max3A_238 = arith.maximumf %get3A_237, %broadcast_in_dim3A_234 : vector<1x192xf32>
      %swap3A_239 = arith.constant 4 : index
      %swap3A_240 = arith.constant 0 : index
      %swap3A_241 = vector.load %arg15[%swap3A_239, %swap3A_240] : memref<16x192xf32, #tpu.memory_space<vmem>>, vector<1x192xf32>
      tpu.vector_store %arg15[%swap3A_239, %swap3A_240], %max3A_238 {strides = array<i32>} : memref<16x192xf32, #tpu.memory_space<vmem>>, vector<1x192xf32>,
    } else {
    }
    %le3A_105 = arith.constant 5 : i32
    %le3A_106 = arith.cmpi sle, %squeeze3A, %le3A_105 : i32
    %ge3A_107 = arith.constant 5 : i32
    %ge3A_108 = arith.cmpi sge, %squeeze3A_67, %ge3A_107 : i32
    %and3A_109 = arith.andi %le3A_106, %ge3A_108 : i1
    %convert_element_type3A_110 = arith.extui %and3A_109 : i1 to i32
    %cond3A_111 = arith.constant 0 : i32
    %cond3A_112 = arith.cmpi ne, %convert_element_type3A_110, %cond3A_111 : i32
    scf.if %cond3A_112 {
      %eq3A_225 = arith.constant 5 : i32
      %eq3A_226 = vector.broadcast %eq3A_225 : i32 to vector<1000x1xi32>
      %eq3A_227 = arith.cmpi eq, %reshape3A, %eq3A_226 : vector<1000x1xi32>
      %jit3A_228 = arith.constant 0xFF800000 : f32
      %broadcast_in_dim3A_229 = vector.shape_cast %eq3A_227 : vector<1000x1xi1> to vector<1000x1xi1>
      %broadcast_in_dim3A_230 = vector.broadcast %broadcast_in_dim3A_229 : vector<1000x1xi1> to vector<1000x192xi1>
      %broadcast_in_dim3A_231 = vector.broadcast %jit3A_228 : f32 to vector<1000x192xf32>
      %select_n3A_232 = arith.select %broadcast_in_dim3A_230, %concatenate3A, %broadcast_in_dim3A_231 : vector<1000x192xi1>, vector<1000x192xf32>
      %reduce_max3A = arith.constant dense<0xFF800000> : vector<192xf32>
      %reduce_max3A_233 = vector.multi_reduction <maximumf>, %select_n3A_232, %reduce_max3A [0] : vector<1000x192xf32> to vector<192xf32>
      %broadcast_in_dim3A_234 = vector.shape_cast %reduce_max3A_233 : vector<192xf32> to vector<1x192xf32>
      %get3A_235 = arith.constant 5 : index
      %get3A_236 = arith.constant 0 : index
      %get3A_237 = vector.load %arg15[%get3A_235, %get3A_236] : memref<16x192xf32, #tpu.memory_space<vmem>>, vector<1x192xf32>
      %max3A_238 = arith.maximumf %get3A_237, %broadcast_in_dim3A_234 : vector<1x192xf32>
      %swap3A_239 = arith.constant 5 : index
      %swap3A_240 = arith.constant 0 : index
      %swap3A_241 = vector.load %arg15[%swap3A_239, %swap3A_240] : memref<16x192xf32, #tpu.memory_space<vmem>>, vector<1x192xf32>
      tpu.vector_store %arg15[%swap3A_239, %swap3A_240], %max3A_238 {strides = array<i32>} : memref<16x192xf32, #tpu.memory_space<vmem>>, vector<1x192xf32>,
    } else {
    }
    %le3A_113 = arith.constant 6 : i32
    %le3A_114 = arith.cmpi sle, %squeeze3A, %le3A_113 : i32
    %ge3A_115 = arith.constant 6 : i32
    %ge3A_116 = arith.cmpi sge, %squeeze3A_67, %ge3A_115 : i32
    %and3A_117 = arith.andi %le3A_114, %ge3A_116 : i1
    %convert_element_type3A_118 = arith.extui %and3A_117 : i1 to i32
    %cond3A_119 = arith.constant 0 : i32
    %cond3A_120 = arith.cmpi ne, %convert_element_type3A_118, %cond3A_119 : i32
    scf.if %cond3A_120 {
      %eq3A_225 = arith.constant 6 : i32
      %eq3A_226 = vector.broadcast %eq3A_225 : i32 to vector<1000x1xi32>
      %eq3A_227 = arith.cmpi eq, %reshape3A, %eq3A_226 : vector<1000x1xi32>
      %jit3A_228 = arith.constant 0xFF800000 : f32
      %broadcast_in_dim3A_229 = vector.shape_cast %eq3A_227 : vector<1000x1xi1> to vector<1000x1xi1>
      %broadcast_in_dim3A_230 = vector.broadcast %broadcast_in_dim3A_229 : vector<1000x1xi1> to vector<1000x192xi1>
      %broadcast_in_dim3A_231 = vector.broadcast %jit3A_228 : f32 to vector<1000x192xf32>
      %select_n3A_232 = arith.select %broadcast_in_dim3A_230, %concatenate3A, %broadcast_in_dim3A_231 : vector<1000x192xi1>, vector<1000x192xf32>
      %reduce_max3A = arith.constant dense<0xFF800000> : vector<192xf32>
      %reduce_max3A_233 = vector.multi_reduction <maximumf>, %select_n3A_232, %reduce_max3A [0] : vector<1000x192xf32> to vector<192xf32>
      %broadcast_in_dim3A_234 = vector.shape_cast %reduce_max3A_233 : vector<192xf32> to vector<1x192xf32>
      %get3A_235 = arith.constant 6 : index
      %get3A_236 = arith.constant 0 : index
      %get3A_237 = vector.load %arg15[%get3A_235, %get3A_236] : memref<16x192xf32, #tpu.memory_space<vmem>>, vector<1x192xf32>
      %max3A_238 = arith.maximumf %get3A_237, %broadcast_in_dim3A_234 : vector<1x192xf32>
      %swap3A_239 = arith.constant 6 : index
      %swap3A_240 = arith.constant 0 : index
      %swap3A_241 = vector.load %arg15[%swap3A_239, %swap3A_240] : memref<16x192xf32, #tpu.memory_space<vmem>>, vector<1x192xf32>
      tpu.vector_store %arg15[%swap3A_239, %swap3A_240], %max3A_238 {strides = array<i32>} : memref<16x192xf32, #tpu.memory_space<vmem>>, vector<1x192xf32>,
    } else {
    }
    %le3A_121 = arith.constant 7 : i32
    %le3A_122 = arith.cmpi sle, %squeeze3A, %le3A_121 : i32
    %ge3A_123 = arith.constant 7 : i32
    %ge3A_124 = arith.cmpi sge, %squeeze3A_67, %ge3A_123 : i32
    %and3A_125 = arith.andi %le3A_122, %ge3A_124 : i1
    %convert_element_type3A_126 = arith.extui %and3A_125 : i1 to i32
    %cond3A_127 = arith.constant 0 : i32
    %cond3A_128 = arith.cmpi ne, %convert_element_type3A_126, %cond3A_127 : i32
    scf.if %cond3A_128 {
      %eq3A_225 = arith.constant 7 : i32
      %eq3A_226 = vector.broadcast %eq3A_225 : i32 to vector<1000x1xi32>
      %eq3A_227 = arith.cmpi eq, %reshape3A, %eq3A_226 : vector<1000x1xi32>
      %jit3A_228 = arith.constant 0xFF800000 : f32
      %broadcast_in_dim3A_229 = vector.shape_cast %eq3A_227 : vector<1000x1xi1> to vector<1000x1xi1>
      %broadcast_in_dim3A_230 = vector.broadcast %broadcast_in_dim3A_229 : vector<1000x1xi1> to vector<1000x192xi1>
      %broadcast_in_dim3A_231 = vector.broadcast %jit3A_228 : f32 to vector<1000x192xf32>
      %select_n3A_232 = arith.select %broadcast_in_dim3A_230, %concatenate3A, %broadcast_in_dim3A_231 : vector<1000x192xi1>, vector<1000x192xf32>
      %reduce_max3A = arith.constant dense<0xFF800000> : vector<192xf32>
      %reduce_max3A_233 = vector.multi_reduction <maximumf>, %select_n3A_232, %reduce_max3A [0] : vector<1000x192xf32> to vector<192xf32>
      %broadcast_in_dim3A_234 = vector.shape_cast %reduce_max3A_233 : vector<192xf32> to vector<1x192xf32>
      %get3A_235 = arith.constant 7 : index
      %get3A_236 = arith.constant 0 : index
      %get3A_237 = vector.load %arg15[%get3A_235, %get3A_236] : memref<16x192xf32, #tpu.memory_space<vmem>>, vector<1x192xf32>
      %max3A_238 = arith.maximumf %get3A_237, %broadcast_in_dim3A_234 : vector<1x192xf32>
      %swap3A_239 = arith.constant 7 : index
      %swap3A_240 = arith.constant 0 : index
      %swap3A_241 = vector.load %arg15[%swap3A_239, %swap3A_240] : memref<16x192xf32, #tpu.memory_space<vmem>>, vector<1x192xf32>
      tpu.vector_store %arg15[%swap3A_239, %swap3A_240], %max3A_238 {strides = array<i32>} : memref<16x192xf32, #tpu.memory_space<vmem>>, vector<1x192xf32>,
    } else {
    }
    %le3A_129 = arith.constant 8 : i32
    %le3A_130 = arith.cmpi sle, %squeeze3A, %le3A_129 : i32
    %ge3A_131 = arith.constant 8 : i32
    %ge3A_132 = arith.cmpi sge, %squeeze3A_67, %ge3A_131 : i32
    %and3A_133 = arith.andi %le3A_130, %ge3A_132 : i1
    %convert_element_type3A_134 = arith.extui %and3A_133 : i1 to i32
    %cond3A_135 = arith.constant 0 : i32
    %cond3A_136 = arith.cmpi ne, %convert_element_type3A_134, %cond3A_135 : i32
    scf.if %cond3A_136 {
      %eq3A_225 = arith.constant 8 : i32
      %eq3A_226 = vector.broadcast %eq3A_225 : i32 to vector<1000x1xi32>
      %eq3A_227 = arith.cmpi eq, %reshape3A, %eq3A_226 : vector<1000x1xi32>
      %jit3A_228 = arith.constant 0xFF800000 : f32
      %broadcast_in_dim3A_229 = vector.shape_cast %eq3A_227 : vector<1000x1xi1> to vector<1000x1xi1>
      %broadcast_in_dim3A_230 = vector.broadcast %broadcast_in_dim3A_229 : vector<1000x1xi1> to vector<1000x192xi1>
      %broadcast_in_dim3A_231 = vector.broadcast %jit3A_228 : f32 to vector<1000x192xf32>
      %select_n3A_232 = arith.select %broadcast_in_dim3A_230, %concatenate3A, %broadcast_in_dim3A_231 : vector<1000x192xi1>, vector<1000x192xf32>
      %reduce_max3A = arith.constant dense<0xFF800000> : vector<192xf32>
      %reduce_max3A_233 = vector.multi_reduction <maximumf>, %select_n3A_232, %reduce_max3A [0] : vector<1000x192xf32> to vector<192xf32>
      %broadcast_in_dim3A_234 = vector.shape_cast %reduce_max3A_233 : vector<192xf32> to vector<1x192xf32>
      %get3A_235 = arith.constant 8 : index
      %get3A_236 = arith.constant 0 : index
      %get3A_237 = vector.load %arg15[%get3A_235, %get3A_236] : memref<16x192xf32, #tpu.memory_space<vmem>>, vector<1x192xf32>
      %max3A_238 = arith.maximumf %get3A_237, %broadcast_in_dim3A_234 : vector<1x192xf32>
      %swap3A_239 = arith.constant 8 : index
      %swap3A_240 = arith.constant 0 : index
      %swap3A_241 = vector.load %arg15[%swap3A_239, %swap3A_240] : memref<16x192xf32, #tpu.memory_space<vmem>>, vector<1x192xf32>
      tpu.vector_store %arg15[%swap3A_239, %swap3A_240], %max3A_238 {strides = array<i32>} : memref<16x192xf32, #tpu.memory_space<vmem>>, vector<1x192xf32>,
    } else {
    }
    %le3A_137 = arith.constant 9 : i32
    %le3A_138 = arith.cmpi sle, %squeeze3A, %le3A_137 : i32
    %ge3A_139 = arith.constant 9 : i32
    %ge3A_140 = arith.cmpi sge, %squeeze3A_67, %ge3A_139 : i32
    %and3A_141 = arith.andi %le3A_138, %ge3A_140 : i1
    %convert_element_type3A_142 = arith.extui %and3A_141 : i1 to i32
    %cond3A_143 = arith.constant 0 : i32
    %cond3A_144 = arith.cmpi ne, %convert_element_type3A_142, %cond3A_143 : i32
    scf.if %cond3A_144 {
      %eq3A_225 = arith.constant 9 : i32
      %eq3A_226 = vector.broadcast %eq3A_225 : i32 to vector<1000x1xi32>
      %eq3A_227 = arith.cmpi eq, %reshape3A, %eq3A_226 : vector<1000x1xi32>
      %jit3A_228 = arith.constant 0xFF800000 : f32
      %broadcast_in_dim3A_229 = vector.shape_cast %eq3A_227 : vector<1000x1xi1> to vector<1000x1xi1>
      %broadcast_in_dim3A_230 = vector.broadcast %broadcast_in_dim3A_229 : vector<1000x1xi1> to vector<1000x192xi1>
      %broadcast_in_dim3A_231 = vector.broadcast %jit3A_228 : f32 to vector<1000x192xf32>
      %select_n3A_232 = arith.select %broadcast_in_dim3A_230, %concatenate3A, %broadcast_in_dim3A_231 : vector<1000x192xi1>, vector<1000x192xf32>
      %reduce_max3A = arith.constant dense<0xFF800000> : vector<192xf32>
      %reduce_max3A_233 = vector.multi_reduction <maximumf>, %select_n3A_232, %reduce_max3A [0] : vector<1000x192xf32> to vector<192xf32>
      %broadcast_in_dim3A_234 = vector.shape_cast %reduce_max3A_233 : vector<192xf32> to vector<1x192xf32>
      %get3A_235 = arith.constant 9 : index
      %get3A_236 = arith.constant 0 : index
      %get3A_237 = vector.load %arg15[%get3A_235, %get3A_236] : memref<16x192xf32, #tpu.memory_space<vmem>>, vector<1x192xf32>
      %max3A_238 = arith.maximumf %get3A_237, %broadcast_in_dim3A_234 : vector<1x192xf32>
      %swap3A_239 = arith.constant 9 : index
      %swap3A_240 = arith.constant 0 : index
      %swap3A_241 = vector.load %arg15[%swap3A_239, %swap3A_240] : memref<16x192xf32, #tpu.memory_space<vmem>>, vector<1x192xf32>
      tpu.vector_store %arg15[%swap3A_239, %swap3A_240], %max3A_238 {strides = array<i32>} : memref<16x192xf32, #tpu.memory_space<vmem>>, vector<1x192xf32>,
    } else {
    }
    %le3A_145 = arith.constant 10 : i32
    %le3A_146 = arith.cmpi sle, %squeeze3A, %le3A_145 : i32
    %ge3A_147 = arith.constant 10 : i32
    %ge3A_148 = arith.cmpi sge, %squeeze3A_67, %ge3A_147 : i32
    %and3A_149 = arith.andi %le3A_146, %ge3A_148 : i1
    %convert_element_type3A_150 = arith.extui %and3A_149 : i1 to i32
    %cond3A_151 = arith.constant 0 : i32
    %cond3A_152 = arith.cmpi ne, %convert_element_type3A_150, %cond3A_151 : i32
    scf.if %cond3A_152 {
      %eq3A_225 = arith.constant 10 : i32
      %eq3A_226 = vector.broadcast %eq3A_225 : i32 to vector<1000x1xi32>
      %eq3A_227 = arith.cmpi eq, %reshape3A, %eq3A_226 : vector<1000x1xi32>
      %jit3A_228 = arith.constant 0xFF800000 : f32
      %broadcast_in_dim3A_229 = vector.shape_cast %eq3A_227 : vector<1000x1xi1> to vector<1000x1xi1>
      %broadcast_in_dim3A_230 = vector.broadcast %broadcast_in_dim3A_229 : vector<1000x1xi1> to vector<1000x192xi1>
      %broadcast_in_dim3A_231 = vector.broadcast %jit3A_228 : f32 to vector<1000x192xf32>
      %select_n3A_232 = arith.select %broadcast_in_dim3A_230, %concatenate3A, %broadcast_in_dim3A_231 : vector<1000x192xi1>, vector<1000x192xf32>
      %reduce_max3A = arith.constant dense<0xFF800000> : vector<192xf32>
      %reduce_max3A_233 = vector.multi_reduction <maximumf>, %select_n3A_232, %reduce_max3A [0] : vector<1000x192xf32> to vector<192xf32>
      %broadcast_in_dim3A_234 = vector.shape_cast %reduce_max3A_233 : vector<192xf32> to vector<1x192xf32>
      %get3A_235 = arith.constant 10 : index
      %get3A_236 = arith.constant 0 : index
      %get3A_237 = vector.load %arg15[%get3A_235, %get3A_236] : memref<16x192xf32, #tpu.memory_space<vmem>>, vector<1x192xf32>
      %max3A_238 = arith.maximumf %get3A_237, %broadcast_in_dim3A_234 : vector<1x192xf32>
      %swap3A_239 = arith.constant 10 : index
      %swap3A_240 = arith.constant 0 : index
      %swap3A_241 = vector.load %arg15[%swap3A_239, %swap3A_240] : memref<16x192xf32, #tpu.memory_space<vmem>>, vector<1x192xf32>
      tpu.vector_store %arg15[%swap3A_239, %swap3A_240], %max3A_238 {strides = array<i32>} : memref<16x192xf32, #tpu.memory_space<vmem>>, vector<1x192xf32>,
    } else {
    }
    %le3A_153 = arith.constant 11 : i32
    %le3A_154 = arith.cmpi sle, %squeeze3A, %le3A_153 : i32
    %ge3A_155 = arith.constant 11 : i32
    %ge3A_156 = arith.cmpi sge, %squeeze3A_67, %ge3A_155 : i32
    %and3A_157 = arith.andi %le3A_154, %ge3A_156 : i1
    %convert_element_type3A_158 = arith.extui %and3A_157 : i1 to i32
    %cond3A_159 = arith.constant 0 : i32
    %cond3A_160 = arith.cmpi ne, %convert_element_type3A_158, %cond3A_159 : i32
    scf.if %cond3A_160 {
      %eq3A_225 = arith.constant 11 : i32
      %eq3A_226 = vector.broadcast %eq3A_225 : i32 to vector<1000x1xi32>
      %eq3A_227 = arith.cmpi eq, %reshape3A, %eq3A_226 : vector<1000x1xi32>
      %jit3A_228 = arith.constant 0xFF800000 : f32
      %broadcast_in_dim3A_229 = vector.shape_cast %eq3A_227 : vector<1000x1xi1> to vector<1000x1xi1>
      %broadcast_in_dim3A_230 = vector.broadcast %broadcast_in_dim3A_229 : vector<1000x1xi1> to vector<1000x192xi1>
      %broadcast_in_dim3A_231 = vector.broadcast %jit3A_228 : f32 to vector<1000x192xf32>
      %select_n3A_232 = arith.select %broadcast_in_dim3A_230, %concatenate3A, %broadcast_in_dim3A_231 : vector<1000x192xi1>, vector<1000x192xf32>
      %reduce_max3A = arith.constant dense<0xFF800000> : vector<192xf32>
      %reduce_max3A_233 = vector.multi_reduction <maximumf>, %select_n3A_232, %reduce_max3A [0] : vector<1000x192xf32> to vector<192xf32>
      %broadcast_in_dim3A_234 = vector.shape_cast %reduce_max3A_233 : vector<192xf32> to vector<1x192xf32>
      %get3A_235 = arith.constant 11 : index
      %get3A_236 = arith.constant 0 : index
      %get3A_237 = vector.load %arg15[%get3A_235, %get3A_236] : memref<16x192xf32, #tpu.memory_space<vmem>>, vector<1x192xf32>
      %max3A_238 = arith.maximumf %get3A_237, %broadcast_in_dim3A_234 : vector<1x192xf32>
      %swap3A_239 = arith.constant 11 : index
      %swap3A_240 = arith.constant 0 : index
      %swap3A_241 = vector.load %arg15[%swap3A_239, %swap3A_240] : memref<16x192xf32, #tpu.memory_space<vmem>>, vector<1x192xf32>
      tpu.vector_store %arg15[%swap3A_239, %swap3A_240], %max3A_238 {strides = array<i32>} : memref<16x192xf32, #tpu.memory_space<vmem>>, vector<1x192xf32>,
    } else {
    }
    %le3A_161 = arith.constant 12 : i32
    %le3A_162 = arith.cmpi sle, %squeeze3A, %le3A_161 : i32
    %ge3A_163 = arith.constant 12 : i32
    %ge3A_164 = arith.cmpi sge, %squeeze3A_67, %ge3A_163 : i32
    %and3A_165 = arith.andi %le3A_162, %ge3A_164 : i1
    %convert_element_type3A_166 = arith.extui %and3A_165 : i1 to i32
    %cond3A_167 = arith.constant 0 : i32
    %cond3A_168 = arith.cmpi ne, %convert_element_type3A_166, %cond3A_167 : i32
    scf.if %cond3A_168 {
      %eq3A_225 = arith.constant 12 : i32
      %eq3A_226 = vector.broadcast %eq3A_225 : i32 to vector<1000x1xi32>
      %eq3A_227 = arith.cmpi eq, %reshape3A, %eq3A_226 : vector<1000x1xi32>
      %jit3A_228 = arith.constant 0xFF800000 : f32
      %broadcast_in_dim3A_229 = vector.shape_cast %eq3A_227 : vector<1000x1xi1> to vector<1000x1xi1>
      %broadcast_in_dim3A_230 = vector.broadcast %broadcast_in_dim3A_229 : vector<1000x1xi1> to vector<1000x192xi1>
      %broadcast_in_dim3A_231 = vector.broadcast %jit3A_228 : f32 to vector<1000x192xf32>
      %select_n3A_232 = arith.select %broadcast_in_dim3A_230, %concatenate3A, %broadcast_in_dim3A_231 : vector<1000x192xi1>, vector<1000x192xf32>
      %reduce_max3A = arith.constant dense<0xFF800000> : vector<192xf32>
      %reduce_max3A_233 = vector.multi_reduction <maximumf>, %select_n3A_232, %reduce_max3A [0] : vector<1000x192xf32> to vector<192xf32>
      %broadcast_in_dim3A_234 = vector.shape_cast %reduce_max3A_233 : vector<192xf32> to vector<1x192xf32>
      %get3A_235 = arith.constant 12 : index
      %get3A_236 = arith.constant 0 : index
      %get3A_237 = vector.load %arg15[%get3A_235, %get3A_236] : memref<16x192xf32, #tpu.memory_space<vmem>>, vector<1x192xf32>
      %max3A_238 = arith.maximumf %get3A_237, %broadcast_in_dim3A_234 : vector<1x192xf32>
      %swap3A_239 = arith.constant 12 : index
      %swap3A_240 = arith.constant 0 : index
      %swap3A_241 = vector.load %arg15[%swap3A_239, %swap3A_240] : memref<16x192xf32, #tpu.memory_space<vmem>>, vector<1x192xf32>
      tpu.vector_store %arg15[%swap3A_239, %swap3A_240], %max3A_238 {strides = array<i32>} : memref<16x192xf32, #tpu.memory_space<vmem>>, vector<1x192xf32>,
    } else {
    }
    %le3A_169 = arith.constant 13 : i32
    %le3A_170 = arith.cmpi sle, %squeeze3A, %le3A_169 : i32
    %ge3A_171 = arith.constant 13 : i32
    %ge3A_172 = arith.cmpi sge, %squeeze3A_67, %ge3A_171 : i32
    %and3A_173 = arith.andi %le3A_170, %ge3A_172 : i1
    %convert_element_type3A_174 = arith.extui %and3A_173 : i1 to i32
    %cond3A_175 = arith.constant 0 : i32
    %cond3A_176 = arith.cmpi ne, %convert_element_type3A_174, %cond3A_175 : i32
    scf.if %cond3A_176 {
      %eq3A_225 = arith.constant 13 : i32
      %eq3A_226 = vector.broadcast %eq3A_225 : i32 to vector<1000x1xi32>
      %eq3A_227 = arith.cmpi eq, %reshape3A, %eq3A_226 : vector<1000x1xi32>
      %jit3A_228 = arith.constant 0xFF800000 : f32
      %broadcast_in_dim3A_229 = vector.shape_cast %eq3A_227 : vector<1000x1xi1> to vector<1000x1xi1>
      %broadcast_in_dim3A_230 = vector.broadcast %broadcast_in_dim3A_229 : vector<1000x1xi1> to vector<1000x192xi1>
      %broadcast_in_dim3A_231 = vector.broadcast %jit3A_228 : f32 to vector<1000x192xf32>
      %select_n3A_232 = arith.select %broadcast_in_dim3A_230, %concatenate3A, %broadcast_in_dim3A_231 : vector<1000x192xi1>, vector<1000x192xf32>
      %reduce_max3A = arith.constant dense<0xFF800000> : vector<192xf32>
      %reduce_max3A_233 = vector.multi_reduction <maximumf>, %select_n3A_232, %reduce_max3A [0] : vector<1000x192xf32> to vector<192xf32>
      %broadcast_in_dim3A_234 = vector.shape_cast %reduce_max3A_233 : vector<192xf32> to vector<1x192xf32>
      %get3A_235 = arith.constant 13 : index
      %get3A_236 = arith.constant 0 : index
      %get3A_237 = vector.load %arg15[%get3A_235, %get3A_236] : memref<16x192xf32, #tpu.memory_space<vmem>>, vector<1x192xf32>
      %max3A_238 = arith.maximumf %get3A_237, %broadcast_in_dim3A_234 : vector<1x192xf32>
      %swap3A_239 = arith.constant 13 : index
      %swap3A_240 = arith.constant 0 : index
      %swap3A_241 = vector.load %arg15[%swap3A_239, %swap3A_240] : memref<16x192xf32, #tpu.memory_space<vmem>>, vector<1x192xf32>
      tpu.vector_store %arg15[%swap3A_239, %swap3A_240], %max3A_238 {strides = array<i32>} : memref<16x192xf32, #tpu.memory_space<vmem>>, vector<1x192xf32>,
    } else {
    }
    %le3A_177 = arith.constant 14 : i32
    %le3A_178 = arith.cmpi sle, %squeeze3A, %le3A_177 : i32
    %ge3A_179 = arith.constant 14 : i32
    %ge3A_180 = arith.cmpi sge, %squeeze3A_67, %ge3A_179 : i32
    %and3A_181 = arith.andi %le3A_178, %ge3A_180 : i1
    %convert_element_type3A_182 = arith.extui %and3A_181 : i1 to i32
    %cond3A_183 = arith.constant 0 : i32
    %cond3A_184 = arith.cmpi ne, %convert_element_type3A_182, %cond3A_183 : i32
    scf.if %cond3A_184 {
      %eq3A_225 = arith.constant 14 : i32
      %eq3A_226 = vector.broadcast %eq3A_225 : i32 to vector<1000x1xi32>
      %eq3A_227 = arith.cmpi eq, %reshape3A, %eq3A_226 : vector<1000x1xi32>
      %jit3A_228 = arith.constant 0xFF800000 : f32
      %broadcast_in_dim3A_229 = vector.shape_cast %eq3A_227 : vector<1000x1xi1> to vector<1000x1xi1>
      %broadcast_in_dim3A_230 = vector.broadcast %broadcast_in_dim3A_229 : vector<1000x1xi1> to vector<1000x192xi1>
      %broadcast_in_dim3A_231 = vector.broadcast %jit3A_228 : f32 to vector<1000x192xf32>
      %select_n3A_232 = arith.select %broadcast_in_dim3A_230, %concatenate3A, %broadcast_in_dim3A_231 : vector<1000x192xi1>, vector<1000x192xf32>
      %reduce_max3A = arith.constant dense<0xFF800000> : vector<192xf32>
      %reduce_max3A_233 = vector.multi_reduction <maximumf>, %select_n3A_232, %reduce_max3A [0] : vector<1000x192xf32> to vector<192xf32>
      %broadcast_in_dim3A_234 = vector.shape_cast %reduce_max3A_233 : vector<192xf32> to vector<1x192xf32>
      %get3A_235 = arith.constant 14 : index
      %get3A_236 = arith.constant 0 : index
      %get3A_237 = vector.load %arg15[%get3A_235, %get3A_236] : memref<16x192xf32, #tpu.memory_space<vmem>>, vector<1x192xf32>
      %max3A_238 = arith.maximumf %get3A_237, %broadcast_in_dim3A_234 : vector<1x192xf32>
      %swap3A_239 = arith.constant 14 : index
      %swap3A_240 = arith.constant 0 : index
      %swap3A_241 = vector.load %arg15[%swap3A_239, %swap3A_240] : memref<16x192xf32, #tpu.memory_space<vmem>>, vector<1x192xf32>
      tpu.vector_store %arg15[%swap3A_239, %swap3A_240], %max3A_238 {strides = array<i32>} : memref<16x192xf32, #tpu.memory_space<vmem>>, vector<1x192xf32>,
    } else {
    }
    %le3A_185 = arith.constant 15 : i32
    %le3A_186 = arith.cmpi sle, %squeeze3A, %le3A_185 : i32
    %ge3A_187 = arith.constant 15 : i32
    %ge3A_188 = arith.cmpi sge, %squeeze3A_67, %ge3A_187 : i32
    %and3A_189 = arith.andi %le3A_186, %ge3A_188 : i1
    %convert_element_type3A_190 = arith.extui %and3A_189 : i1 to i32
    %cond3A_191 = arith.constant 0 : i32
    %cond3A_192 = arith.cmpi ne, %convert_element_type3A_190, %cond3A_191 : i32
    scf.if %cond3A_192 {
      %eq3A_225 = arith.constant 15 : i32
      %eq3A_226 = vector.broadcast %eq3A_225 : i32 to vector<1000x1xi32>
      %eq3A_227 = arith.cmpi eq, %reshape3A, %eq3A_226 : vector<1000x1xi32>
      %jit3A_228 = arith.constant 0xFF800000 : f32
      %broadcast_in_dim3A_229 = vector.shape_cast %eq3A_227 : vector<1000x1xi1> to vector<1000x1xi1>
      %broadcast_in_dim3A_230 = vector.broadcast %broadcast_in_dim3A_229 : vector<1000x1xi1> to vector<1000x192xi1>
      %broadcast_in_dim3A_231 = vector.broadcast %jit3A_228 : f32 to vector<1000x192xf32>
      %select_n3A_232 = arith.select %broadcast_in_dim3A_230, %concatenate3A, %broadcast_in_dim3A_231 : vector<1000x192xi1>, vector<1000x192xf32>
      %reduce_max3A = arith.constant dense<0xFF800000> : vector<192xf32>
      %reduce_max3A_233 = vector.multi_reduction <maximumf>, %select_n3A_232, %reduce_max3A [0] : vector<1000x192xf32> to vector<192xf32>
      %broadcast_in_dim3A_234 = vector.shape_cast %reduce_max3A_233 : vector<192xf32> to vector<1x192xf32>
      %get3A_235 = arith.constant 15 : index
      %get3A_236 = arith.constant 0 : index
      %get3A_237 = vector.load %arg15[%get3A_235, %get3A_236] : memref<16x192xf32, #tpu.memory_space<vmem>>, vector<1x192xf32>
      %max3A_238 = arith.maximumf %get3A_237, %broadcast_in_dim3A_234 : vector<1x192xf32>
      %swap3A_239 = arith.constant 15 : index
      %swap3A_240 = arith.constant 0 : index
      %swap3A_241 = vector.load %arg15[%swap3A_239, %swap3A_240] : memref<16x192xf32, #tpu.memory_space<vmem>>, vector<1x192xf32>
      tpu.vector_store %arg15[%swap3A_239, %swap3A_240], %max3A_238 {strides = array<i32>} : memref<16x192xf32, #tpu.memory_space<vmem>>, vector<1x192xf32>,
    } else {
    }
    %get3A_193 = arith.constant 0 : index
    %get3A_194 = arith.constant 0 : index
    %get3A_195 = vector.load %arg14[%get3A_193, %get3A_194] : memref<16x1xf32, #tpu.memory_space<vmem>>, vector<16x1xf32>
    %get3A_196 = arith.constant 0 : index
    %get3A_197 = arith.constant 0 : index
    %get3A_198 = vector.load %arg13[%get3A_196, %get3A_197] : memref<16x192xf32, #tpu.memory_space<vmem>>, vector<16x192xf32>
    %max3A_199 = arith.constant 1.000000e+00 : f32
    %max3A_200 = vector.broadcast %max3A_199 : f32 to vector<16x1xf32>
    %max3A_201 = arith.maximumf %get3A_195, %max3A_200 : vector<16x1xf32>
    %div3A = vector.broadcast %max3A_201 : vector<16x1xf32> to vector<16x192xf32>
    %div3A_202 = arith.divf %get3A_198, %div3A : vector<16x192xf32>
    %gt3A = arith.constant 0.000000e+00 : f32
    %gt3A_203 = vector.broadcast %gt3A : f32 to vector<16x1xf32>
    %gt3A_204 = arith.cmpf ogt, %get3A_195, %gt3A_203 : vector<16x1xf32>
    %get3A_205 = arith.constant 0 : index
    %get3A_206 = arith.constant 0 : index
    %get3A_207 = vector.load %arg15[%get3A_205, %get3A_206] : memref<16x192xf32, #tpu.memory_space<vmem>>, vector<16x192xf32>
    %jit3A = arith.constant 0.000000e+00 : f32
    %broadcast_in_dim3A_208 = vector.shape_cast %gt3A_204 : vector<16x1xi1> to vector<16x1xi1>
    %broadcast_in_dim3A_209 = vector.broadcast %broadcast_in_dim3A_208 : vector<16x1xi1> to vector<16x192xi1>
    %broadcast_in_dim3A_210 = vector.broadcast %jit3A : f32 to vector<16x192xf32>
    %select_n3A = arith.select %broadcast_in_dim3A_209, %get3A_207, %broadcast_in_dim3A_210 : vector<16x192xi1>, vector<16x192xf32>
    %concatenate3A_211 = tpu.concatenate %div3A_202, %select_n3A in 1 : vector<16x192xf32>, vector<16x192xf32> -> vector<16x384xf32>
    %get3A_212 = arith.constant 0 : index
    %get3A_213 = arith.constant 0 : index
    %get3A_214 = vector.load %arg9[%get3A_212, %get3A_213] : memref<384x1xf32, #tpu.memory_space<vmem>>, vector<384x1xf32>
    %dot_general3A_215 = arith.constant dense<0.000000e+00> : vector<16x1xf32>
    %dot_general3A_216 = tpu.matmul %concatenate3A_211, %get3A_214, %dot_general3A_215 {dimension_numbers = #tpu.dot_dimension_numbers<[1], [0], [0], [1], [0, 0, 1, 1], [], []>, transpose_lhs_hint = false} : vector<16x384xf32>, vector<384x1xf32>, vector<16x1xf32> -> vector<16x1xf32>
    %get3A_217 = arith.constant 0 : index
    %get3A_218 = arith.constant 0 : index
    %get3A_219 = vector.load %arg10[%get3A_217, %get3A_218] : memref<1x1xf32, #tpu.memory_space<vmem>>, vector<1x1xf32>
    %add3A_220 = vector.broadcast %get3A_219 : vector<1x1xf32> to vector<16x1xf32>
    %add3A_221 = arith.addf %dot_general3A_216, %add3A_220 : vector<16x1xf32>
    %swap3A_222 = arith.constant 0 : index
    %swap3A_223 = arith.constant 0 : index
    %swap3A_224 = vector.load %arg12[%swap3A_222, %swap3A_223] : memref<16x1xf32, #tpu.memory_space<vmem>>, vector<16x1xf32>
    tpu.vector_store %arg12[%swap3A_222, %swap3A_223], %add3A_221 {strides = array<i32>} : memref<16x1xf32, #tpu.memory_space<vmem>>, vector<16x1xf32>,
    return
  }
  func.func @transform_0(%arg0: i32) -> (i32, i32, i32) {
    %c0_i32 = arith.constant 0 : i32
    %c0_i32_0 = arith.constant 0 : i32
    %c0_i32_1 = arith.constant 0 : i32
    return %c0_i32, %arg0, %c0_i32_0 : i32, i32, i32
  }
  func.func @transform_1(%arg0: i32) -> (i32, i32) {
    %c0_i32 = arith.constant 0 : i32
    %c0_i32_0 = arith.constant 0 : i32
    return %arg0, %c0_i32 : i32, i32
  }
  func.func @transform_2(%arg0: i32) -> (i32, i32) {
    %c0_i32 = arith.constant 0 : i32
    %c0_i32_0 = arith.constant 0 : i32
    return %arg0, %c0_i32 : i32, i32
  }
  func.func @transform_3(%arg0: i32) -> (i32, i32) {
    %c0_i32 = arith.constant 0 : i32
    %c0_i32_0 = arith.constant 0 : i32
    %c0_i32_1 = arith.constant 0 : i32
    return %c0_i32, %c0_i32_0 : i32, i32
  }
  func.func @transform_4(%arg0: i32) -> (i32, i32) {
    %c0_i32 = arith.constant 0 : i32
    %c0_i32_0 = arith.constant 0 : i32
    return %arg0, %c0_i32 : i32, i32
  }
  func.func @transform_5(%arg0: i32) -> (i32, i32, i32) {
    %c0_i32 = arith.constant 0 : i32
    %c0_i32_0 = arith.constant 0 : i32
    %c0_i32_1 = arith.constant 0 : i32
    return %arg0, %c0_i32, %c0_i32_0 : i32, i32, i32
  }
  func.func @transform_6(%arg0: i32) -> (i32, i32) {
    %c0_i32 = arith.constant 0 : i32
    %c0_i32_0 = arith.constant 0 : i32
    %c0_i32_1 = arith.constant 0 : i32
    return %c0_i32, %c0_i32_0 : i32, i32
  }
  func.func @transform_7(%arg0: i32) -> (i32, i32) {
    %c0_i32 = arith.constant 0 : i32
    %c0_i32_0 = arith.constant 0 : i32
    %c0_i32_1 = arith.constant 0 : i32
    return %c0_i32, %c0_i32_0 : i32, i32
  }
  func.func @transform_8(%arg0: i32) -> (i32, i32) {
    %c0_i32 = arith.constant 0 : i32
    %c0_i32_0 = arith.constant 0 : i32
    %c0_i32_1 = arith.constant 0 : i32
    return %c0_i32, %c0_i32_0 : i32, i32
  }
  func.func @transform_9(%arg0: i32) -> (i32, i32) {
    %c0_i32 = arith.constant 0 : i32
    %c0_i32_0 = arith.constant 0 : i32
    %c0_i32_1 = arith.constant 0 : i32
    return %c0_i32, %c0_i32_0 : i32, i32
  }
  func.func @transform_10(%arg0: i32) -> (i32, i32) {
    %c0_i32 = arith.constant 0 : i32
    %c0_i32_0 = arith.constant 0 : i32
    return %arg0, %c0_i32 : i32, i32
  }
  func.func @transform_11(%arg0: i32) -> (i32, i32) {
    %c0_i32 = arith.constant 0 : i32
    %c0_i32_0 = arith.constant 0 : i32
    %c0_i32_1 = arith.constant 0 : i32
    return %c0_i32, %c0_i32_0 : i32, i32
  }
}

</mosaic_0001>

<sc_bundles>
// kernel: kernel.11.cloned.1.call-start
scs
__scs_entry_jumppad:
0x0: {  	(pc) =	sbr.rel $0x88, $3  }
0x1: {  	(tag) =	ssettag $0x0;
	lr =	simm.s32 $0x1  }
0x2: {  	[smem:$0x3F96] =	sst lr;
	_ =	strace $0xD0000000  }
0x3: {  	_ = 	snop  }
0x4: {  	_ = 	snop  }
0x5: {  	_ = 	snop  }
0x6: {  	_ = 	snop  }
0x7: {  	_ = 	snop  }
__scs_overlays_trampoline_lowered:
0x8: {  	[smem:$0x3FA5] =	sst s0  }
0x9: {  	[smem:$0x3FA6] =	sst s1  }
0xa: {  	[smem:$0x3FA7] =	sst s2  }
0xb: {  	[smem:$0x3FA8] =	sst s3  }
0xc: {  	[smem:$0x3FA9] =	sst s4  }
0xd: {  	[smem:$0x3FAA] =	sst s5  }
0xe: {  	[smem:$0x3FAB] =	sst s6  }
0xf: {  	[smem:$0x3FAC] =	sst s7  }
0x10: {  	[smem:$0x3FAD] =	sst s8  }
0x11: {  	[smem:$0x3FAE] =	sst s9;
	s0 =	simm.s32 @!p0 $0x0  }
0x12: {  	s1 =	sld [smem:$0x3F94];
	s0 =	simm.s32 @p0 $0x1  }
0x13: {  	[smem:$0x3FAF] =	sst s0;
	s0 =	simm.s32 @!p1 $0x0  }
0x14: {  	s2 =	sld [smem:$0x3F93];
	s0 =	simm.s32 @p1 $0x1  }
0x15: {  	[smem:$0x3FB0] =	sst s0;
	s0 =	simm.s32 @!p2 $0x0  }
0x16: {  	s3 =	sld [smem:$0x3FDB];
	s0 =	simm.s32 @p2 $0x1  }
0x17: {  	s4 =	simm.s32 $0x1BF5;
	[smem:$0x3FB2] =	sst s0  }
0x18: {  	s0 =	sld [smem:$0x3F95];
	_ =	swait.ge [sflag:s4], $0x0  }
0x19: {  	s7 =	sld [smem:$0x3F96]  }
0x1a: {  	s8 =	sadd.s32 $0xFFFFE003, lr  }
0x1b: {  	s9 =	sadd.s32 $0xFFFFFEF7, lr;
	s5 =	simm.s32 $0xFFFFFFFF;
	p2 =	slt.u32 s8, $0xFFFFF086  }
0x1c: {  	p1 =	slt.u32 s9, $0xF7A;
	s5 =	simm.s32 @!p2 $0x0  }
0x1d: {  	s5 =	simm.s32 @p1 $0x1;
	p0 =	seq.s32 s7, s2  }
0x1e: {  	s7 =	smul.u32 @!p0 $0xF7A, s2;
	p2 =	seq.s32 @!p0 s5, $0x0  }
0x1f: {  	s9 =	smul.u32 $0xF7A, s1;
	s8 =	simm.s32 @!p0 $0x1BF5;
	p2 =	por !p2, p0  }
0x20: {  	[sflag:s8] =	ssyncset.s32 @!p0 $0xFFFFF086;
	s6 =	sadd.s32 @!p0 s3, s7;
	s7 =	simm.s32 @!p0 $0x108  }
0x21: {  	s3 =	sadd.s32 s3, s9;
	s6 =	sadd.s32 @!p0 $0x88, s6;
	s7 =	simm.s32 @p2 $0x1082  }
0x22: {  	[simem:s7], [sflag:s8] =	dma.local @!p0 [hbm:s6], $0xF7A  }
0x23: {  	s9 =	sor.u32 $0xD0000000, s2;
	s6 =	simm.s32 $0x108;
	_ =	swait.ge @!p0 [sflag:s8], $0x0  }
0x24: {  	s3 =	sadd.s32 $0x88, s3;
	s6 =	simm.s32 @!p1 $0x1082;
	[sflag:s4] =	ssyncset.s32 $0xFFFFF086  }
0x25: {  	[simem:s6], [sflag:s4] =	dma.local [hbm:s3], $0xF7A  }
0x26: {  	[smem:$0x3F96] =	sst s1;
	(tag) =	ssettag s2;
	_ =	strace s9  }
0x27: {  	s1 =	sld [smem:$0x3FA6]  }
0x28: {  	s2 =	sld [smem:$0x3FA7]  }
0x29: {  	s4 =	sld [smem:$0x3FA9]  }
0x2a: {  	p0 =	seq.s32 s5, $0x0;
	s5 =	sld [smem:$0x3FAA]  }
0x2b: {  	s6 =	sld [smem:$0x3FAB]  }
0x2c: {  	s7 =	sld [smem:$0x3FAC]  }
0x2d: {  	s3 =	simm.s32 $0x108;
	s8 =	sld [smem:$0x3FAD]  }
0x2e: {  	s3 =	simm.s32 @!p0 $0x1082;
	s9 =	sld [smem:$0x3FAE]  }
0x2f: {  	lr =	sadd.s32 s0, s3;
	s0 =	sld [smem:$0x3FA5]  }
0x30: {  	s3 =	sld [smem:$0x3FA8]  }
0x31: {  	[smem:$0x3FB1] =	sst s10  }
0x32: {  	s10 =	sld [smem:$0x3FAF];
	_ =	sdelay $0x3  }
0x33: {  	p0 =	seq.s32 s10, $0x1;
	s10 =	sld [smem:$0x3FB1];
	_ =	sdelay $0x3  }
0x34: {  	[smem:$0x3FB1] =	sst s10  }
0x35: {  	s10 =	sld [smem:$0x3FB0];
	_ =	sdelay $0x3  }
0x36: {  	p1 =	seq.s32 s10, $0x1;
	s10 =	sld [smem:$0x3FB1];
	_ =	sdelay $0x3  }
0x37: {  	[smem:$0x3FB1] =	sst s10  }
0x38: {  	s10 =	sld [smem:$0x3FB2]  }
0x39: {  	_ = 	snop;
	(pc) =	sbr.ind lr, $3  }
0x3a: {  	_ = 	snop  }
0x3b: {  	_ = 	snop  }
0x3c: {  	p2 =	seq.s32 s10, $0x1;
	s10 =	sld [smem:$0x3FB1]  }
0x3d: {  	_ =	shalt  }
0x3e: {  	_ =	shalt  }
0x3f: {  	_ =	shalt  }
0x40: {  	_ =	shalt  }
0x41: {  	_ =	shalt  }
0x42: {  	_ =	shalt  }
0x43: {  	_ =	shalt  }
0x44: {  	_ =	shalt  }
0x45: {  	_ =	shalt  }
0x46: {  	_ =	shalt  }
0x47: {  	_ =	shalt  }
0x48: {  	_ =	shalt  }
0x49: {  	_ =	shalt  }
0x4a: {  	_ =	shalt  }
0x4b: {  	_ =	shalt  }
0x4c: {  	_ =	shalt  }
0x4d: {  	_ =	shalt  }
0x4e: {  	_ =	shalt  }
0x4f: {  	_ =	shalt  }
0x50: {  	_ =	shalt  }
0x51: {  	_ =	shalt  }
0x52: {  	_ =	shalt  }
0x53: {  	_ =	shalt  }
0x54: {  	_ =	shalt  }
0x55: {  	_ =	shalt  }
0x56: {  	_ =	shalt  }
0x57: {  	_ =	shalt  }
0x58: {  	_ =	shalt  }
0x59: {  	_ =	shalt  }
0x5a: {  	_ =	shalt  }
0x5b: {  	_ =	shalt  }
0x5c: {  	_ =	shalt  }
0x5d: {  	_ =	shalt  }
0x5e: {  	_ =	shalt  }
0x5f: {  	_ =	shalt  }
0x60: {  	_ =	shalt  }
0x61: {  	_ =	shalt  }
0x62: {  	_ =	shalt  }
0x63: {  	_ =	shalt  }
0x64: {  	_ =	shalt  }
0x65: {  	_ =	shalt  }
0x66: {  	_ =	shalt  }
0x67: {  	_ =	shalt  }
0x68: {  	_ =	shalt  }
0x69: {  	_ =	shalt  }
0x6a: {  	_ =	shalt  }
0x6b: {  	_ =	shalt  }
0x6c: {  	_ =	shalt  }
0x6d: {  	_ =	shalt  }
0x6e: {  	_ =	shalt  }
0x6f: {  	_ =	shalt  }
0x70: {  	_ =	shalt  }
0x71: {  	_ =	shalt  }
0x72: {  	_ =	shalt  }
0x73: {  	_ =	shalt  }
0x74: {  	_ =	shalt  }
0x75: {  	_ =	shalt  }
0x76: {  	_ =	shalt  }
0x77: {  	_ =	shalt  }
0x78: {  	_ =	shalt  }
0x79: {  	_ =	shalt  }
0x7a: {  	_ =	shalt  }
0x7b: {  	_ =	shalt  }
0x7c: {  	_ =	shalt  }
0x7d: {  	_ =	shalt  }
0x7e: {  	_ =	shalt  }
0x7f: {  	_ =	shalt  }
0x80: {  	_ =	shalt  }
0x81: {  	_ =	shalt  }
0x82: {  	_ =	shalt  }
0x83: {  	_ =	shalt  }
0x84: {  	_ =	shalt  }
0x85: {  	_ =	shalt  }
0x86: {  	_ =	shalt  }
0x87: {  	_ =	shalt  }
.Lfunc_end0:
.L_simem_size_0:
called_computation.1_lowered:
.L_overlay_start_0:
0x88: {  	s2 =	sld [smem:$0x3FD9]  }
0x89: {  	s3 =	sld [smem:$0x3FFE];
	_ =	sdelay $0x1  }
0x8a: {  	s1 =	srdreg.scid  }
0x8b: {  	s0 =	sand.u32 $0x1, s1  }
0x8c: {  	s16 =	sshll.u32 s0, $0xA;
	s2 =	sadd.s32 s3, s2  }
0x8d: {  	s2 =	sadd.s32 s2, s16  }
0x8e: {  	[smem:$0x3FBD] =	sst s2  }
0x8f: {  	_ = 	snop  }
0x90: {  	(tm) =	ssettm $0x1  }
0x91: {  	s17 =	sld [smem:$0x3FFB];
	_ =	sdelay $0x3  }
0x92: {  	_ =	strace s17  }
0x93: {  	s2 =	sld [smem:$0x3FFC];
	_ =	sdelay $0x3  }
0x94: {  	_ =	strace s2  }
0x95: {  	s2 =	sld [smem:$0x3FFD];
	_ =	sdelay $0x3  }
0x96: {  	_ =	strace s2  }
0x97: {  	_ =	strace $0x8FFFFFFF  }
0x98: {  	s18 =	sld [smem:$0x3FDB];
	_ =	sdelay $0x1  }
0x99: {  	s19 =	simm.s32 $_scs_section_size  }
0x9a: {  	s4 =	simm.s32 $_size__tile_overlayer_lowered;
	s5 =	simm.s32 $_tile_overlayer_lowered  }
0x9b: {  	s22 =	simm.s32 $0x1BFF;
	s21 =	sshll.u32 s5, $0x1;
	s2 =	sadd.s32 s19, s18  }
0x9c: {  	s6 =	simm.s32 $0x0;
	s20 =	sshll.u32 s4, $0x1;
	s4 =	sadd.s32 s21, s2  }
0x9d: {  	[timem:s6], [sflag:s22] =	dma.local [hbm:s4], s20  }
0x9e: {  	_ =	swait.ge [sflag:s22], s20  }
0x9f: {  	s3 =	ssub.s32 $0x0, s20;
	[sflag:s22] =	ssyncset.done $0x0  }
0xa0: {  	[sflag:s22] =	ssyncadd.s32 s3;
	_ =	sdelay $0x1  }
0xa1: {  	s23 =	simm.s32 $0x1B8B  }
0xa2: {  	_ =	swait.ge [sflag:s23], $0x1  }
0xa3: {  	[sflag:s23] =	ssyncset.done $0x0  }
0xa4: {  	s25 =	simm.s32 $0x1B8E;
	s24 =	sld [smem:$0x3FFE];
	[sflag:s23] =	ssyncadd.s32 $0xFFFFFFFF  }
0xa5: {  	s26 =	simm.s32 $execute0_lowered;
	[smem:$0x3FD2] =	sst s25  }
0xa6: {  	s4 =	sshll.u32 s26, $0x1;
	_ =	strace $0x80000049;
	[dreg:$0x1] =	wrdreg $0xFFFFFFFF  }
0xa7: {  	s28 =	simm.s32 $_size_execute0_lowered;
	s2 =	sadd.s32 s2, s4;
	[dreg:$0x0] =	wrdreg $0x0  }
0xa8: {  	s4 =	sshll.u32 s28, $0x1;
	[dreg:$0x2] =	wrdreg s2  }
0xa9: {  	[dreg:$0x3] =	wrdreg s4  }
0xaa: {  	[dreg:$0x4] =	wrdreg $0xC0  }
0xab: {  	_ =	task [dreg:s6], $0x5FFFF  }
0xac: {  	[dreg:$0x1] =	wrdreg $0xFFFFFFFF  }
0xad: {  	[dreg:$0x0] =	wrdreg $0x60  }
0xae: {  	[dreg:$0x2] =	wrdreg s24  }
0xaf: {  	[dreg:$0x3] =	wrdreg $0x110000  }
0xb0: {  	[dreg:$0x4] =	wrdreg $0x9  }
0xb1: {  	_ =	task.clear_ibuf [dreg:s6], $0x5FFFF;
	_ =	strace $0x90000049  }
0xb2: {  	s29 =	simm.s32 $0x9;
	_ =	strace $0x8000004B  }
0xb3: {  	_ =	swait.ge [sflag:s29], $0x1  }
0xb4: {  	[sflag:s29] =	ssyncadd.s32 $0xFFFFFFFF  }
0xb5: {  	_ =	strace $0x9000004B  }
0xb6: {  	_ =	sfence  }
0xb7: {  	s30 =	sld [smem:$0x0];
	_ =	sdelay $0x2  }
0xb8: {  	s31 =	sshll.u32 s1, $0xD;
	s1 =	sshrl.u32 s1, $0x2  }
0xb9: {  	s3 =	sand.u32 $0x4000, s31;
	s1 =	sadd.s32 s1, s30  }
0xba: {  	s0 =	sor.u32 s3, s0;
	s1 =	sshll.u32 s1, $0x11  }
0xbb: {  	s0 =	sor.u32 s1, s0  }
0xbc: {  	s0 =	sadd.s32 $0x8F2B, s0  }
0xbd: {  	[sflag:s0] =	ssyncadd.remote.s32 $0x1  }
0xbe: {  	_ =	sfence.sel $0xFFFF  }
0xbf: {  	[dreg:$0x0] =	wrdreg $0xFFFFFFFF;
	(pc) =	sbr.abs _section_cstart, $3  }
0xc0: {  	[dreg:$0x1] =	wrdreg $0xFFFFFFFF  }
0xc1: {  	_ =	task.clear_ibuf [dreg:s6], $0x2FFFF;
	_ =	strace $0x9FFFFFFF  }
0xc2: {  	(tm) =	ssettm $0x7FFFFFFF  }
0xc3: {  	_ =	shalt  }
tec
execute0_lowered:
.L_overlay_start_1:
0x0: {  	(tag) =	ssettag $0x1  }
0x1: {  	s0 =	srdreg.scid  }
0x2: {  	s30 =	stileid.u32;
	s5 =	rddreg [dreg:$0x0]  }
0x3: {  	s11 =	simm.s32 $0x2800;
	s14 =	simm.s32 $0x80;
	s15 =	simm.s32 $0x5000  }
0x4: {  	s16 =	simm.s32 $0x8000;
	s17 =	simm.s32 $0xB000;
	s18 =	simm.s32 $0xE000  }
0x5: {  	s19 =	simm.s32 $0x1;
	s20 =	simm.s32 $0x2;
	s21 =	simm.s32 $0x2700  }
0x6: {  	s22 =	simm.s32 $0x2780;
	s23 =	simm.s32 $0x4E00;
	s24 =	simm.s32 $0x4E80  }
0x7: {  	s25 =	simm.s32 $0x4F00;
	s26 =	simm.s32 $0x4F80;
	s28 =	simm.s32 $0x0  }
0x8: {  	s1 =	sand.u32 $0x1, s0;
	s7 =	smul.u32 $0xED00, s30;
	s4 =	sadd.s32 $0x15600, s5  }
0x9: {  	s31 =	sshll.u32 s30, $0x6;
	s2 =	sshll.u32 s1, $0x4;
	s8 =	smul.u32 $0xED000, s1  }
0xa: {  	s1 =	ssub.s32 $0x2, s1;
	s12 =	sor.u32 $0x1C03, s31;
	s3 =	sor.u32 s30, s2  }
0xb: {  	s2 =	rddreg [dreg:$0x1];
	s9 =	sshrl.u32 s7, $0x3;
	s10 =	sshrl.u32 s1, $0x1  }
0xc: {  	s6 =	smul.u32 $0x500, s3;
	s3 =	simm.s32 $0x0;
	s8 =	sadd.s32 s7, s8  }
0xd: {  	s9 =	sadd.s32 s9, s5;
	s1 =	ssub.s32 s1, s10;
	s13 =	sadd.s32 s7, s2  }
0xe: {  	s10 =	simm.s32 $0x3;
	[smem:$0x7FF] =	sst s3;
	s8 =	sshrl.u32 s8, $0x3  }
0xf: {  	s7 =	sadd.s32 $0x32C00, s9;
	s9 =	smax.u32 s1, $0x1;
	s13 =	sshrl.u32 s13, $0x3  }
0x10: {  	_ =	strace $0x8000004A;
	s6 =	sadd.s32 s6, s5;
	s8 =	sadd.s32 s8, s5  }
0x11: {  	s5 =	sadd.s32 $0xB600, s6;
	s6 =	sadd.s32 $0x1600, s6;
	s8 =	sadd.s32 $0x50600, s8  }
.LBB2_1:
0x12: {  	[tilespmem:s3], [sflag:$0x3] =	stream.linear.gather [hbm4b:s5+s3], $0x2800, $0x38;
	[tilespmem:$0x1FD00] =	vst v63  }
0x13: {  	_ =	swait.ge [sflag:s10], $0x2800  }
0x14: {  	[sflag:s10] =	ssyncset.done $0x0  }
0x15: {  	[sflag:s10] =	ssyncadd.s32 $0xFFFFD800  }
0x16: {  	[tilespmem:s11], [sflag:$0x3] =	stream.linear.gather [hbm4b:s6+s3], $0x2800, $0x38;
	[tilespmem:$0x1FD00] =	vst v63  }
0x17: {  	_ =	swait.ge [sflag:s10], $0x2800  }
0x18: {  	[sflag:s10] =	ssyncset.done $0x0  }
0x19: {  	[sflag:s10] =	ssyncadd.s32 $0xFFFFD800  }
0x1a: {  	[spmem:s13], [sflag:s12] =	dma.local [hbm:s7], $0x1DA0  }
0x1b: {  	_ =	swait.ge [sflag:s10], $0x1DA0  }
0x1c: {  	[sflag:s10] =	ssyncset.done $0x0  }
0x1d: {  	[sflag:s10] =	ssyncadd.s32 $0xFFFFE260  }
0x1e: {  	[bflag:$0x0] =	sbarrier.arrive $0xFFFF  }
0x1f: {  	[tilespmem:s15], [sflag:$0x1] =	stream.indirect.gather [hbm4b:s4+s14], $0x60, s3, s14, $0xb8;
	[tilespmem:$0x1FD00] =	vst v63  }
0x20: {  	_ = 	snop  }
0x21: {  	[tilespmem:s16], [sflag:$0x1] =	stream.indirect.gather [hbm4b:s4+s14], $0x60, s14, s14, $0xb8;
	[tilespmem:$0x1FD00] =	vst v63  }
0x22: {  	s1 =	simm.s32 $0x100  }
0x23: {  	[tilespmem:s17], [sflag:$0x2] =	stream.indirect.gather [hbm4b:s4+s14], $0x60, s1, s14, $0xb8;
	[tilespmem:$0x1FD00] =	vst v63  }
0x24: {  	s31 =	simm.s32 $0x180  }
0x25: {  	[tilespmem:s18], [sflag:$0x2] =	stream.indirect.gather [hbm4b:s4+s14], $0x60, s31, s14, $0xb8;
	[tilespmem:$0x1FD00] =	vst v63  }
0x26: {  	_ =	swait.ge [sflag:s19], $0x3000  }
0x27: {  	[sflag:s19] =	ssyncset.done $0x0  }
0x28: {  	[sflag:s19] =	ssyncadd.s32 $0xFFFFD000  }
0x29: {  	_ =	swait.ge [sflag:s19], $0x3000  }
0x2a: {  	[sflag:s19] =	ssyncset.done $0x0  }
0x2b: {  	s0 =	simm.s32 $0x2800;
	[sflag:s19] =	ssyncadd.s32 $0xFFFFD000  }
0x2c: {  	[spmem:s2] =	stream.indirect.scatter.add.f32 [tilespmem:s15], [sflag:$0x3], $0x60, s0, s14, $0xb8;
	[tilespmem:$0x1FD00] =	vst v63  }
0x2d: {  	_ =	swait.ge [sflag:s10], $0x3000  }
0x2e: {  	[sflag:s10] =	ssyncset.done $0x0  }
0x2f: {  	s31 =	simm.s32 $0x2880;
	[sflag:s10] =	ssyncadd.s32 $0xFFFFD000  }
0x30: {  	[spmem:s2] =	stream.indirect.scatter.add.f32 [tilespmem:s16], [sflag:$0x3], $0x60, s31, s14, $0xb8;
	[tilespmem:$0x1FD00] =	vst v63  }
0x31: {  	_ =	swait.ge [sflag:s10], $0x3000  }
0x32: {  	[sflag:s10] =	ssyncset.done $0x0  }
0x33: {  	s0 =	simm.s32 $0x200;
	[sflag:s10] =	ssyncadd.s32 $0xFFFFD000  }
0x34: {  	[tilespmem:s15], [sflag:$0x1] =	stream.indirect.gather [hbm4b:s4+s14], $0x60, s0, s14, $0xb8;
	[tilespmem:$0x1FD00] =	vst v63  }
0x35: {  	s31 =	simm.s32 $0x280  }
0x36: {  	[tilespmem:s16], [sflag:$0x1] =	stream.indirect.gather [hbm4b:s4+s14], $0x60, s31, s14, $0xb8;
	[tilespmem:$0x1FD00] =	vst v63  }
0x37: {  	_ =	swait.ge [sflag:s20], $0x3000  }
0x38: {  	[sflag:s20] =	ssyncset.done $0x0  }
0x39: {  	[sflag:s20] =	ssyncadd.s32 $0xFFFFD000  }
0x3a: {  	_ =	swait.ge [sflag:s20], $0x3000  }
0x3b: {  	[sflag:s20] =	ssyncset.done $0x0  }
0x3c: {  	s0 =	simm.s32 $0x2900;
	[sflag:s20] =	ssyncadd.s32 $0xFFFFD000  }
0x3d: {  	[spmem:s2] =	stream.indirect.scatter.add.f32 [tilespmem:s17], [sflag:$0x3], $0x60, s0, s14, $0xb8;
	[tilespmem:$0x1FD00] =	vst v63  }
0x3e: {  	_ =	swait.ge [sflag:s10], $0x3000  }
0x3f: {  	[sflag:s10] =	ssyncset.done $0x0  }
0x40: {  	s31 =	simm.s32 $0x2980;
	[sflag:s10] =	ssyncadd.s32 $0xFFFFD000  }
0x41: {  	[spmem:s2] =	stream.indirect.scatter.add.f32 [tilespmem:s18], [sflag:$0x3], $0x60, s31, s14, $0xb8;
	[tilespmem:$0x1FD00] =	vst v63  }
0x42: {  	_ =	swait.ge [sflag:s10], $0x3000  }
0x43: {  	s30 =	simm.s32 $0x1000;
	s29 =	simm.s32 $0x200;
	[sflag:s10] =	ssyncset.done $0x0  }
.LBB2_2:
0x44: {  	s0 =	sadd.s32 $0x100, s29  }
0x45: {  	[sflag:s10] =	ssyncadd.s32 $0xFFFFD000;
	s31 =	smov.u32 s30;
	s1 =	sadd.s32 $0x800, s30  }
0x46: {  	[tilespmem:s17], [sflag:$0x2] =	stream.indirect.gather [hbm4b:s4+s14], $0x60, s0, s14, $0xb8;
	[tilespmem:$0x1FD00] =	vst v63  }
0x47: {  	p0 =	sne.s32 s30, $0x9000;
	s0 =	sadd.s32 $0x180, s29  }
0x48: {  	[tilespmem:s18], [sflag:$0x2] =	stream.indirect.gather [hbm4b:s4+s14], $0x60, s0, s14, $0xb8;
	[tilespmem:$0x1FD00] =	vst v63  }
0x49: {  	_ =	swait.ge [sflag:s19], $0x3000  }
0x4a: {  	[sflag:s19] =	ssyncset.done $0x0  }
0x4b: {  	[sflag:s19] =	ssyncadd.s32 $0xFFFFD000  }
0x4c: {  	_ =	swait.ge [sflag:s19], $0x3000  }
0x4d: {  	[sflag:s19] =	ssyncset.done $0x0  }
0x4e: {  	s0 =	sadd.s32 $0x2800, s29;
	[sflag:s19] =	ssyncadd.s32 $0xFFFFD000  }
0x4f: {  	[spmem:s2] =	stream.indirect.scatter.add.f32 [tilespmem:s15], [sflag:$0x3], $0x60, s0, s14, $0xb8;
	[tilespmem:$0x1FD00] =	vst v63  }
0x50: {  	_ =	swait.ge [sflag:s10], $0x3000  }
0x51: {  	[sflag:s10] =	ssyncset.done $0x0  }
0x52: {  	s0 =	sadd.s32 $0x2880, s29;
	[sflag:s10] =	ssyncadd.s32 $0xFFFFD000  }
0x53: {  	[spmem:s2] =	stream.indirect.scatter.add.f32 [tilespmem:s16], [sflag:$0x3], $0x60, s0, s14, $0xb8;
	[tilespmem:$0x1FD00] =	vst v63  }
0x54: {  	_ =	swait.ge [sflag:s10], $0x3000  }
0x55: {  	[sflag:s10] =	ssyncset.done $0x0  }
0x56: {  	s0 =	sadd.s32 $0x200, s29;
	[sflag:s10] =	ssyncadd.s32 $0xFFFFD000  }
0x57: {  	[tilespmem:s15], [sflag:$0x1] =	stream.indirect.gather [hbm4b:s4+s14], $0x60, s0, s14, $0xb8;
	[tilespmem:$0x1FD00] =	vst v63  }
0x58: {  	s0 =	sadd.s32 $0x280, s29  }
0x59: {  	[tilespmem:s16], [sflag:$0x1] =	stream.indirect.gather [hbm4b:s4+s14], $0x60, s0, s14, $0xb8;
	[tilespmem:$0x1FD00] =	vst v63  }
0x5a: {  	_ =	swait.ge [sflag:s20], $0x3000  }
0x5b: {  	[sflag:s20] =	ssyncset.done $0x0  }
0x5c: {  	[sflag:s20] =	ssyncadd.s32 $0xFFFFD000  }
0x5d: {  	_ =	swait.ge [sflag:s20], $0x3000  }
0x5e: {  	[sflag:s20] =	ssyncset.done $0x0  }
0x5f: {  	s0 =	sadd.s32 $0x2900, s29;
	[sflag:s20] =	ssyncadd.s32 $0xFFFFD000  }
0x60: {  	[spmem:s2] =	stream.indirect.scatter.add.f32 [tilespmem:s17], [sflag:$0x3], $0x60, s0, s14, $0xb8;
	[tilespmem:$0x1FD00] =	vst v63  }
0x61: {  	_ =	swait.ge [sflag:s10], $0x3000  }
.Ltmp0:
0x62: {  	[sflag:s10] =	ssyncset.done $0x0;
	(pc) =	sbr.rel @p0 .LBB2_2-.Ltmp0, $4  }
0x63: {  	s0 =	sadd.s32 $0x2980, s29;
	[sflag:s10] =	ssyncadd.s32 $0xFFFFD000  }
0x64: {  	[spmem:s2] =	stream.indirect.scatter.add.f32 [tilespmem:s18], [sflag:$0x3], $0x60, s0, s14, $0xb8;
	[tilespmem:$0x1FD00] =	vst v63  }
0x65: {  	_ =	swait.ge [sflag:s10], $0x3000  }
0x66: {  	s30 =	smov.u32 s1;
	s29 =	sshra.s32 s31, $0x2;
	[sflag:s10] =	ssyncset.done $0x0  }
0x67: {  	s0 =	sadd.s32 $0x100, s29;
	[sflag:s10] =	ssyncadd.s32 $0xFFFFD000  }
0x68: {  	[tilespmem:s17], [sflag:$0x2] =	stream.indirect.gather [hbm4b:s4+s14], $0x60, s0, s14, $0xb8;
	[tilespmem:$0x1FD00] =	vst v63  }
0x69: {  	s31 =	sadd.s32 $0x180, s29  }
0x6a: {  	[tilespmem:s18], [sflag:$0x2] =	stream.indirect.gather [hbm4b:s4+s14], $0x60, s31, s14, $0xb8;
	[tilespmem:$0x1FD00] =	vst v63  }
0x6b: {  	_ =	swait.ge [sflag:s19], $0x3000  }
0x6c: {  	[sflag:s19] =	ssyncset.done $0x0  }
0x6d: {  	[sflag:s19] =	ssyncadd.s32 $0xFFFFD000  }
0x6e: {  	_ =	swait.ge [sflag:s19], $0x3000  }
0x6f: {  	[sflag:s19] =	ssyncset.done $0x0  }
0x70: {  	s1 =	sadd.s32 $0x2800, s29;
	[sflag:s19] =	ssyncadd.s32 $0xFFFFD000  }
0x71: {  	[spmem:s2] =	stream.indirect.scatter.add.f32 [tilespmem:s15], [sflag:$0x3], $0x60, s1, s14, $0xb8;
	[tilespmem:$0x1FD00] =	vst v63  }
0x72: {  	_ =	swait.ge [sflag:s10], $0x3000  }
0x73: {  	[sflag:s10] =	ssyncset.done $0x0  }
0x74: {  	s30 =	sadd.s32 $0x2880, s29;
	[sflag:s10] =	ssyncadd.s32 $0xFFFFD000  }
0x75: {  	[spmem:s2] =	stream.indirect.scatter.add.f32 [tilespmem:s16], [sflag:$0x3], $0x60, s30, s14, $0xb8;
	[tilespmem:$0x1FD00] =	vst v63  }
0x76: {  	_ =	swait.ge [sflag:s10], $0x3000  }
0x77: {  	[sflag:s10] =	ssyncset.done $0x0  }
0x78: {  	s31 =	sadd.s32 $0x200, s29;
	[sflag:s10] =	ssyncadd.s32 $0xFFFFD000  }
0x79: {  	[tilespmem:s15], [sflag:$0x1] =	stream.indirect.gather [hbm4b:s4+s14], $0x60, s31, s14, $0xb8;
	[tilespmem:$0x1FD00] =	vst v63  }
0x7a: {  	s1 =	sadd.s32 $0x280, s29  }
0x7b: {  	[tilespmem:s16], [sflag:$0x1] =	stream.indirect.gather [hbm4b:s4+s14], $0x60, s1, s14, $0xb8;
	[tilespmem:$0x1FD00] =	vst v63  }
0x7c: {  	_ =	swait.ge [sflag:s20], $0x3000  }
0x7d: {  	[sflag:s20] =	ssyncset.done $0x0  }
0x7e: {  	[sflag:s20] =	ssyncadd.s32 $0xFFFFD000  }
0x7f: {  	_ =	swait.ge [sflag:s20], $0x3000  }
0x80: {  	[sflag:s20] =	ssyncset.done $0x0  }
0x81: {  	s30 =	sadd.s32 $0x2900, s29;
	[sflag:s20] =	ssyncadd.s32 $0xFFFFD000  }
0x82: {  	[spmem:s2] =	stream.indirect.scatter.add.f32 [tilespmem:s17], [sflag:$0x3], $0x60, s30, s14, $0xb8;
	[tilespmem:$0x1FD00] =	vst v63  }
0x83: {  	_ =	swait.ge [sflag:s10], $0x3000  }
0x84: {  	[sflag:s10] =	ssyncset.done $0x0  }
0x85: {  	s31 =	sadd.s32 $0x2980, s29;
	[sflag:s10] =	ssyncadd.s32 $0xFFFFD000  }
0x86: {  	[spmem:s2] =	stream.indirect.scatter.add.f32 [tilespmem:s18], [sflag:$0x3], $0x60, s31, s14, $0xb8;
	[tilespmem:$0x1FD00] =	vst v63  }
0x87: {  	_ =	swait.ge [sflag:s10], $0x3000  }
0x88: {  	[sflag:s10] =	ssyncset.done $0x0  }
0x89: {  	[sflag:s10] =	ssyncadd.s32 $0xFFFFD000  }
0x8a: {  	[tilespmem:s17], [sflag:$0x2] =	stream.indirect.gather [hbm4b:s4+s14], $0x60, s21, s14, $0xb8;
	[tilespmem:$0x1FD00] =	vst v63  }
0x8b: {  	_ = 	snop  }
0x8c: {  	[tilespmem:s18], [sflag:$0x2] =	stream.indirect.gather [hbm4b:s4+s14], $0x60, s22, s14, $0xb8;
	[tilespmem:$0x1FD00] =	vst v63  }
0x8d: {  	_ =	swait.ge [sflag:s19], $0x3000  }
0x8e: {  	[sflag:s19] =	ssyncset.done $0x0  }
0x8f: {  	[sflag:s19] =	ssyncadd.s32 $0xFFFFD000  }
0x90: {  	_ =	swait.ge [sflag:s19], $0x3000  }
0x91: {  	[sflag:s19] =	ssyncset.done $0x0  }
0x92: {  	[sflag:s19] =	ssyncadd.s32 $0xFFFFD000  }
0x93: {  	[spmem:s2] =	stream.indirect.scatter.add.f32 [tilespmem:s15], [sflag:$0x3], $0x60, s23, s14, $0xb8;
	[tilespmem:$0x1FD00] =	vst v63  }
0x94: {  	_ =	swait.ge [sflag:s10], $0x3000  }
0x95: {  	[sflag:s10] =	ssyncset.done $0x0  }
0x96: {  	[sflag:s10] =	ssyncadd.s32 $0xFFFFD000  }
0x97: {  	[spmem:s2] =	stream.indirect.scatter.add.f32 [tilespmem:s16], [sflag:$0x3], $0x60, s24, s14, $0xb8;
	[tilespmem:$0x1FD00] =	vst v63  }
0x98: {  	_ =	swait.ge [sflag:s10], $0x3000  }
0x99: {  	[sflag:s10] =	ssyncset.done $0x0  }
0x9a: {  	[sflag:s10] =	ssyncadd.s32 $0xFFFFD000  }
0x9b: {  	_ =	swait.ge [sflag:s20], $0x3000  }
0x9c: {  	[sflag:s20] =	ssyncset.done $0x0  }
0x9d: {  	[sflag:s20] =	ssyncadd.s32 $0xFFFFD000  }
0x9e: {  	_ =	swait.ge [sflag:s20], $0x3000  }
0x9f: {  	[sflag:s20] =	ssyncset.done $0x0  }
0xa0: {  	[sflag:s20] =	ssyncadd.s32 $0xFFFFD000  }
0xa1: {  	[spmem:s2] =	stream.indirect.scatter.add.f32 [tilespmem:s17], [sflag:$0x3], $0x60, s25, s14, $0xb8;
	[tilespmem:$0x1FD00] =	vst v63  }
0xa2: {  	_ =	swait.ge [sflag:s10], $0x3000  }
0xa3: {  	[sflag:s10] =	ssyncset.done $0x0  }
0xa4: {  	[sflag:s10] =	ssyncadd.s32 $0xFFFFD000  }
0xa5: {  	[spmem:s2] =	stream.indirect.scatter.add.f32 [tilespmem:s18], [sflag:$0x3], $0x60, s26, s14, $0xb8;
	[tilespmem:$0x1FD00] =	vst v63  }
0xa6: {  	_ =	swait.ge [sflag:s10], $0x3000  }
0xa7: {  	s28 =	sadd.s32 $0x1, s28;
	[sflag:s10] =	ssyncset.done $0x0  }
0xa8: {  	p0 =	sne.s32 s28, s9;
	[sflag:s10] =	ssyncadd.s32 $0xFFFFD000  }
.Ltmp1:
0xa9: {  	[bflag:$0x0] =	sbarrier.arrive $0xFFFF;
	(pc) =	sbr.rel @p0 .LBB2_1-.Ltmp1, $4  }
0xaa: {  	[hbm:s8], [sflag:s12] =	dma.local [spmem:s13], $0x1DA0  }
0xab: {  	_ =	swait.ge [sflag:s10], $0x1DA0  }
0xac: {  	[sflag:s10] =	ssyncset.done $0x0  }
0xad: {  	[sflag:s10] =	ssyncadd.s32 $0xFFFFE260  }
0xae: {  	_ =	sfence.sel $0x180000  }
0xaf: {  	[bflag:$0x0] =	sbarrier.arrive $0xFFFF  }
0xb0: {  	_ =	strace $0x9000004A  }
0xb1: {  	s0 =	stileid.u32;
	[bflag:$0x2] =	sbarrier.arrive $0xFFFF  }
0xb2: {  	p0 =	sne.s32 s0, $0x0;
	s0 =	rddreg [dreg:$0x2]  }
0xb3: {  	s0 =	sadd.s32 @!p0 $0x100000, s0  }
0xb4: {  	[sflag:s0] =	ssyncadd.tile.s32 @!p0 $0x1;
	_ =	shalt  }
.Lfunc_end2:
_tile_overlayer_lowered:
.L_overlay_start_2:
0xb5: {  	(tag) =	ssettag $0x2  }
0xb6: {  	s0 =	rddreg [dreg:$0x0];
	s2 =	stileid.u32  }
0xb7: {  	s1 =	rddreg [dreg:$0x1];
	p0 =	sne.s32 s2, $0x0  }
0xb8: {  	s3 =	rddreg [dreg:$0x2];
	[bflag:$0x3] =	sbarrier.arrive $0xFFFF;
	s2 =	simm.s32 @!p0 $0x1C03  }
0xb9: {  	[timem:s3], [sflag:s2] =	dma.local @!p0 [hbm:s0], s1  }
0xba: {  	s0 =	simm.s32 @!p0 $0x3  }
0xbb: {  	_ =	swait.ge @!p0 [sflag:s0], s1  }
0xbc: {  	s1 =	ssub.s32 @!p0 $0x0, s1;
	[sflag:s0] =	ssyncset.done @!p0 $0x0  }
0xbd: {  	[sflag:s0] =	ssyncadd.s32 @!p0 s1  }
0xbe: {  	[bflag:$0x3] =	sbarrier.arrive $0xFFFF  }
0xbf: {  	_ =	shalt  }

// kernel: kernel.14.cloned.1.call-start
scs
__scs_entry_jumppad:
0x0: {  	(pc) =	sbr.rel $0x88, $3  }
0x1: {  	(tag) =	ssettag $0x0;
	lr =	simm.s32 $0x1  }
0x2: {  	[smem:$0x3F96] =	sst lr;
	_ =	strace $0xD0000000  }
0x3: {  	_ = 	snop  }
0x4: {  	_ = 	snop  }
0x5: {  	_ = 	snop  }
0x6: {  	_ = 	snop  }
0x7: {  	_ = 	snop  }
__scs_overlays_trampoline_lowered:
0x8: {  	[smem:$0x3FA5] =	sst s0  }
0x9: {  	[smem:$0x3FA6] =	sst s1  }
0xa: {  	[smem:$0x3FA7] =	sst s2  }
0xb: {  	[smem:$0x3FA8] =	sst s3  }
0xc: {  	[smem:$0x3FA9] =	sst s4  }
0xd: {  	[smem:$0x3FAA] =	sst s5  }
0xe: {  	[smem:$0x3FAB] =	sst s6  }
0xf: {  	[smem:$0x3FAC] =	sst s7  }
0x10: {  	[smem:$0x3FAD] =	sst s8  }
0x11: {  	[smem:$0x3FAE] =	sst s9;
	s0 =	simm.s32 @!p0 $0x0  }
0x12: {  	s1 =	sld [smem:$0x3F94];
	s0 =	simm.s32 @p0 $0x1  }
0x13: {  	[smem:$0x3FAF] =	sst s0;
	s0 =	simm.s32 @!p1 $0x0  }
0x14: {  	s2 =	sld [smem:$0x3F93];
	s0 =	simm.s32 @p1 $0x1  }
0x15: {  	[smem:$0x3FB0] =	sst s0;
	s0 =	simm.s32 @!p2 $0x0  }
0x16: {  	s3 =	sld [smem:$0x3FDB];
	s0 =	simm.s32 @p2 $0x1  }
0x17: {  	s4 =	simm.s32 $0x1BF5;
	[smem:$0x3FB2] =	sst s0  }
0x18: {  	s0 =	sld [smem:$0x3F95];
	_ =	swait.ge [sflag:s4], $0x0  }
0x19: {  	s7 =	sld [smem:$0x3F96]  }
0x1a: {  	s8 =	sadd.s32 $0xFFFFE003, lr  }
0x1b: {  	s9 =	sadd.s32 $0xFFFFFEF7, lr;
	s5 =	simm.s32 $0xFFFFFFFF;
	p2 =	slt.u32 s8, $0xFFFFF086  }
0x1c: {  	p1 =	slt.u32 s9, $0xF7A;
	s5 =	simm.s32 @!p2 $0x0  }
0x1d: {  	s5 =	simm.s32 @p1 $0x1;
	p0 =	seq.s32 s7, s2  }
0x1e: {  	s7 =	smul.u32 @!p0 $0xF7A, s2;
	p2 =	seq.s32 @!p0 s5, $0x0  }
0x1f: {  	s9 =	smul.u32 $0xF7A, s1;
	s8 =	simm.s32 @!p0 $0x1BF5;
	p2 =	por !p2, p0  }
0x20: {  	[sflag:s8] =	ssyncset.s32 @!p0 $0xFFFFF086;
	s6 =	sadd.s32 @!p0 s3, s7;
	s7 =	simm.s32 @!p0 $0x108  }
0x21: {  	s3 =	sadd.s32 s3, s9;
	s6 =	sadd.s32 @!p0 $0x88, s6;
	s7 =	simm.s32 @p2 $0x1082  }
0x22: {  	[simem:s7], [sflag:s8] =	dma.local @!p0 [hbm:s6], $0xF7A  }
0x23: {  	s9 =	sor.u32 $0xD0000000, s2;
	s6 =	simm.s32 $0x108;
	_ =	swait.ge @!p0 [sflag:s8], $0x0  }
0x24: {  	s3 =	sadd.s32 $0x88, s3;
	s6 =	simm.s32 @!p1 $0x1082;
	[sflag:s4] =	ssyncset.s32 $0xFFFFF086  }
0x25: {  	[simem:s6], [sflag:s4] =	dma.local [hbm:s3], $0xF7A  }
0x26: {  	[smem:$0x3F96] =	sst s1;
	(tag) =	ssettag s2;
	_ =	strace s9  }
0x27: {  	s1 =	sld [smem:$0x3FA6]  }
0x28: {  	s2 =	sld [smem:$0x3FA7]  }
0x29: {  	s4 =	sld [smem:$0x3FA9]  }
0x2a: {  	p0 =	seq.s32 s5, $0x0;
	s5 =	sld [smem:$0x3FAA]  }
0x2b: {  	s6 =	sld [smem:$0x3FAB]  }
0x2c: {  	s7 =	sld [smem:$0x3FAC]  }
0x2d: {  	s3 =	simm.s32 $0x108;
	s8 =	sld [smem:$0x3FAD]  }
0x2e: {  	s3 =	simm.s32 @!p0 $0x1082;
	s9 =	sld [smem:$0x3FAE]  }
0x2f: {  	lr =	sadd.s32 s0, s3;
	s0 =	sld [smem:$0x3FA5]  }
0x30: {  	s3 =	sld [smem:$0x3FA8]  }
0x31: {  	[smem:$0x3FB1] =	sst s10  }
0x32: {  	s10 =	sld [smem:$0x3FAF];
	_ =	sdelay $0x3  }
0x33: {  	p0 =	seq.s32 s10, $0x1;
	s10 =	sld [smem:$0x3FB1];
	_ =	sdelay $0x3  }
0x34: {  	[smem:$0x3FB1] =	sst s10  }
0x35: {  	s10 =	sld [smem:$0x3FB0];
	_ =	sdelay $0x3  }
0x36: {  	p1 =	seq.s32 s10, $0x1;
	s10 =	sld [smem:$0x3FB1];
	_ =	sdelay $0x3  }
0x37: {  	[smem:$0x3FB1] =	sst s10  }
0x38: {  	s10 =	sld [smem:$0x3FB2]  }
0x39: {  	_ = 	snop;
	(pc) =	sbr.ind lr, $3  }
0x3a: {  	_ = 	snop  }
0x3b: {  	_ = 	snop  }
0x3c: {  	p2 =	seq.s32 s10, $0x1;
	s10 =	sld [smem:$0x3FB1]  }
0x3d: {  	_ =	shalt  }
0x3e: {  	_ =	shalt  }
0x3f: {  	_ =	shalt  }
0x40: {  	_ =	shalt  }
0x41: {  	_ =	shalt  }
0x42: {  	_ =	shalt  }
0x43: {  	_ =	shalt  }
0x44: {  	_ =	shalt  }
0x45: {  	_ =	shalt  }
0x46: {  	_ =	shalt  }
0x47: {  	_ =	shalt  }
0x48: {  	_ =	shalt  }
0x49: {  	_ =	shalt  }
0x4a: {  	_ =	shalt  }
0x4b: {  	_ =	shalt  }
0x4c: {  	_ =	shalt  }
0x4d: {  	_ =	shalt  }
0x4e: {  	_ =	shalt  }
0x4f: {  	_ =	shalt  }
0x50: {  	_ =	shalt  }
0x51: {  	_ =	shalt  }
0x52: {  	_ =	shalt  }
0x53: {  	_ =	shalt  }
0x54: {  	_ =	shalt  }
0x55: {  	_ =	shalt  }
0x56: {  	_ =	shalt  }
0x57: {  	_ =	shalt  }
0x58: {  	_ =	shalt  }
0x59: {  	_ =	shalt  }
0x5a: {  	_ =	shalt  }
0x5b: {  	_ =	shalt  }
0x5c: {  	_ =	shalt  }
0x5d: {  	_ =	shalt  }
0x5e: {  	_ =	shalt  }
0x5f: {  	_ =	shalt  }
0x60: {  	_ =	shalt  }
0x61: {  	_ =	shalt  }
0x62: {  	_ =	shalt  }
0x63: {  	_ =	shalt  }
0x64: {  	_ =	shalt  }
0x65: {  	_ =	shalt  }
0x66: {  	_ =	shalt  }
0x67: {  	_ =	shalt  }
0x68: {  	_ =	shalt  }
0x69: {  	_ =	shalt  }
0x6a: {  	_ =	shalt  }
0x6b: {  	_ =	shalt  }
0x6c: {  	_ =	shalt  }
0x6d: {  	_ =	shalt  }
0x6e: {  	_ =	shalt  }
0x6f: {  	_ =	shalt  }
0x70: {  	_ =	shalt  }
0x71: {  	_ =	shalt  }
0x72: {  	_ =	shalt  }
0x73: {  	_ =	shalt  }
0x74: {  	_ =	shalt  }
0x75: {  	_ =	shalt  }
0x76: {  	_ =	shalt  }
0x77: {  	_ =	shalt  }
0x78: {  	_ =	shalt  }
0x79: {  	_ =	shalt  }
0x7a: {  	_ =	shalt  }
0x7b: {  	_ =	shalt  }
0x7c: {  	_ =	shalt  }
0x7d: {  	_ =	shalt  }
0x7e: {  	_ =	shalt  }
0x7f: {  	_ =	shalt  }
0x80: {  	_ =	shalt  }
0x81: {  	_ =	shalt  }
0x82: {  	_ =	shalt  }
0x83: {  	_ =	shalt  }
0x84: {  	_ =	shalt  }
0x85: {  	_ =	shalt  }
0x86: {  	_ =	shalt  }
0x87: {  	_ =	shalt  }
.Lfunc_end0:
.L_simem_size_0:
called_computation.2_lowered:
.L_overlay_start_0:
0x88: {  	s2 =	sld [smem:$0x3FD9]  }
0x89: {  	s3 =	sld [smem:$0x3FFE];
	_ =	sdelay $0x1  }
0x8a: {  	s1 =	srdreg.scid  }
0x8b: {  	s0 =	sand.u32 $0x1, s1  }
0x8c: {  	s16 =	sshll.u32 s0, $0xA;
	s2 =	sadd.s32 s3, s2  }
0x8d: {  	s2 =	sadd.s32 s2, s16  }
0x8e: {  	[smem:$0x3FBD] =	sst s2  }
0x8f: {  	_ = 	snop  }
0x90: {  	(tm) =	ssettm $0x1  }
0x91: {  	s17 =	sld [smem:$0x3FFB];
	_ =	sdelay $0x3  }
0x92: {  	_ =	strace s17  }
0x93: {  	s2 =	sld [smem:$0x3FFC];
	_ =	sdelay $0x3  }
0x94: {  	_ =	strace s2  }
0x95: {  	s2 =	sld [smem:$0x3FFD];
	_ =	sdelay $0x3  }
0x96: {  	_ =	strace s2  }
0x97: {  	_ =	strace $0x8FFFFFFF  }
0x98: {  	s18 =	sld [smem:$0x3FDB];
	_ =	sdelay $0x1  }
0x99: {  	s19 =	simm.s32 $_scs_section_size  }
0x9a: {  	s4 =	simm.s32 $_size__tile_overlayer_lowered;
	s5 =	simm.s32 $_tile_overlayer_lowered  }
0x9b: {  	s22 =	simm.s32 $0x1BFF;
	s21 =	sshll.u32 s5, $0x1;
	s2 =	sadd.s32 s19, s18  }
0x9c: {  	s6 =	simm.s32 $0x0;
	s20 =	sshll.u32 s4, $0x1;
	s4 =	sadd.s32 s21, s2  }
0x9d: {  	[timem:s6], [sflag:s22] =	dma.local [hbm:s4], s20  }
0x9e: {  	_ =	swait.ge [sflag:s22], s20  }
0x9f: {  	s3 =	ssub.s32 $0x0, s20;
	[sflag:s22] =	ssyncset.done $0x0  }
0xa0: {  	[sflag:s22] =	ssyncadd.s32 s3;
	_ =	sdelay $0x1  }
0xa1: {  	s23 =	simm.s32 $0x1B8B  }
0xa2: {  	_ =	swait.ge [sflag:s23], $0x1  }
0xa3: {  	[sflag:s23] =	ssyncset.done $0x0  }
0xa4: {  	s25 =	simm.s32 $0x1B8E;
	s24 =	sld [smem:$0x3FFE];
	[sflag:s23] =	ssyncadd.s32 $0xFFFFFFFF  }
0xa5: {  	s26 =	simm.s32 $execute0_lowered;
	[smem:$0x3FD2] =	sst s25  }
0xa6: {  	s4 =	sshll.u32 s26, $0x1;
	_ =	strace $0x8000004C;
	[dreg:$0x1] =	wrdreg $0xFFFFFFFF  }
0xa7: {  	s28 =	simm.s32 $_size_execute0_lowered;
	s2 =	sadd.s32 s2, s4;
	[dreg:$0x0] =	wrdreg $0x0  }
0xa8: {  	s4 =	sshll.u32 s28, $0x1;
	[dreg:$0x2] =	wrdreg s2  }
0xa9: {  	[dreg:$0x3] =	wrdreg s4  }
0xaa: {  	[dreg:$0x4] =	wrdreg $0xC0  }
0xab: {  	_ =	task [dreg:s6], $0x5FFFF  }
0xac: {  	[dreg:$0x1] =	wrdreg $0xFFFFFFFF  }
0xad: {  	[dreg:$0x0] =	wrdreg $0x60  }
0xae: {  	[dreg:$0x2] =	wrdreg s24  }
0xaf: {  	[dreg:$0x3] =	wrdreg $0x110000  }
0xb0: {  	[dreg:$0x4] =	wrdreg $0x9  }
0xb1: {  	_ =	task.clear_ibuf [dreg:s6], $0x5FFFF;
	_ =	strace $0x9000004C  }
0xb2: {  	s29 =	simm.s32 $0x9;
	_ =	strace $0x8000004E  }
0xb3: {  	_ =	swait.ge [sflag:s29], $0x1  }
0xb4: {  	[sflag:s29] =	ssyncadd.s32 $0xFFFFFFFF  }
0xb5: {  	_ =	strace $0x9000004E  }
0xb6: {  	_ =	sfence  }
0xb7: {  	s30 =	sld [smem:$0x0];
	_ =	sdelay $0x2  }
0xb8: {  	s31 =	sshll.u32 s1, $0xD;
	s1 =	sshrl.u32 s1, $0x2  }
0xb9: {  	s3 =	sand.u32 $0x4000, s31;
	s1 =	sadd.s32 s1, s30  }
0xba: {  	s0 =	sor.u32 s3, s0;
	s1 =	sshll.u32 s1, $0x11  }
0xbb: {  	s0 =	sor.u32 s1, s0  }
0xbc: {  	s0 =	sadd.s32 $0x8F2B, s0  }
0xbd: {  	[sflag:s0] =	ssyncadd.remote.s32 $0x1  }
0xbe: {  	_ =	sfence.sel $0xFFFF  }
0xbf: {  	[dreg:$0x0] =	wrdreg $0xFFFFFFFF;
	(pc) =	sbr.abs _section_cstart, $3  }
0xc0: {  	[dreg:$0x1] =	wrdreg $0xFFFFFFFF  }
0xc1: {  	_ =	task.clear_ibuf [dreg:s6], $0x2FFFF;
	_ =	strace $0x9FFFFFFF  }
0xc2: {  	(tm) =	ssettm $0x7FFFFFFF  }
0xc3: {  	_ =	shalt  }
tec
execute0_lowered:
.L_overlay_start_1:
0x0: {  	(tag) =	ssettag $0x1  }
0x1: {  	s0 =	srdreg.scid  }
0x2: {  	s30 =	stileid.u32;
	s5 =	rddreg [dreg:$0x0]  }
0x3: {  	s11 =	simm.s32 $0x2800;
	s14 =	simm.s32 $0x80;
	s15 =	simm.s32 $0x5000  }
0x4: {  	s16 =	simm.s32 $0x8000;
	s17 =	simm.s32 $0xB000;
	s18 =	simm.s32 $0xE000  }
0x5: {  	s19 =	simm.s32 $0x1;
	s20 =	simm.s32 $0x2;
	s21 =	simm.s32 $0x2700  }
0x6: {  	s22 =	simm.s32 $0x2780;
	s23 =	simm.s32 $0x4E00;
	s24 =	simm.s32 $0x4E80  }
0x7: {  	s25 =	simm.s32 $0x4F00;
	s26 =	simm.s32 $0x4F80;
	s28 =	simm.s32 $0x0  }
0x8: {  	s1 =	sand.u32 $0x1, s0;
	s7 =	smul.u32 $0xED00, s30;
	s4 =	sadd.s32 $0x15600, s5  }
0x9: {  	s31 =	sshll.u32 s30, $0x6;
	s2 =	sshll.u32 s1, $0x4;
	s8 =	smul.u32 $0xED000, s1  }
0xa: {  	s1 =	ssub.s32 $0x2, s1;
	s12 =	sor.u32 $0x1C03, s31;
	s3 =	sor.u32 s30, s2  }
0xb: {  	s2 =	rddreg [dreg:$0x1];
	s9 =	sshrl.u32 s7, $0x3;
	s10 =	sshrl.u32 s1, $0x1  }
0xc: {  	s6 =	smul.u32 $0x500, s3;
	s3 =	simm.s32 $0x0;
	s8 =	sadd.s32 s7, s8  }
0xd: {  	s9 =	sadd.s32 s9, s5;
	s1 =	ssub.s32 s1, s10;
	s13 =	sadd.s32 s7, s2  }
0xe: {  	s10 =	simm.s32 $0x3;
	[smem:$0x7FF] =	sst s3;
	s8 =	sshrl.u32 s8, $0x3  }
0xf: {  	s7 =	sadd.s32 $0x32C00, s9;
	s9 =	smax.u32 s1, $0x1;
	s13 =	sshrl.u32 s13, $0x3  }
0x10: {  	_ =	strace $0x8000004D;
	s6 =	sadd.s32 s6, s5;
	s8 =	sadd.s32 s8, s5  }
0x11: {  	s5 =	sadd.s32 $0xB600, s6;
	s6 =	sadd.s32 $0x1600, s6;
	s8 =	sadd.s32 $0x50600, s8  }
.LBB2_1:
0x12: {  	[tilespmem:s3], [sflag:$0x3] =	stream.linear.gather [hbm4b:s5+s3], $0x2800, $0x38;
	[tilespmem:$0x1FD00] =	vst v63  }
0x13: {  	_ =	swait.ge [sflag:s10], $0x2800  }
0x14: {  	[sflag:s10] =	ssyncset.done $0x0  }
0x15: {  	[sflag:s10] =	ssyncadd.s32 $0xFFFFD800  }
0x16: {  	[tilespmem:s11], [sflag:$0x3] =	stream.linear.gather [hbm4b:s6+s3], $0x2800, $0x38;
	[tilespmem:$0x1FD00] =	vst v63  }
0x17: {  	_ =	swait.ge [sflag:s10], $0x2800  }
0x18: {  	[sflag:s10] =	ssyncset.done $0x0  }
0x19: {  	[sflag:s10] =	ssyncadd.s32 $0xFFFFD800  }
0x1a: {  	[spmem:s13], [sflag:s12] =	dma.local [hbm:s7], $0x1DA0  }
0x1b: {  	_ =	swait.ge [sflag:s10], $0x1DA0  }
0x1c: {  	[sflag:s10] =	ssyncset.done $0x0  }
0x1d: {  	[sflag:s10] =	ssyncadd.s32 $0xFFFFE260  }
0x1e: {  	[bflag:$0x0] =	sbarrier.arrive $0xFFFF  }
0x1f: {  	[tilespmem:s15], [sflag:$0x1] =	stream.indirect.gather [hbm4b:s4+s14], $0x60, s3, s14, $0xb8;
	[tilespmem:$0x1FD00] =	vst v63  }
0x20: {  	_ = 	snop  }
0x21: {  	[tilespmem:s16], [sflag:$0x1] =	stream.indirect.gather [hbm4b:s4+s14], $0x60, s14, s14, $0xb8;
	[tilespmem:$0x1FD00] =	vst v63  }
0x22: {  	s1 =	simm.s32 $0x100  }
0x23: {  	[tilespmem:s17], [sflag:$0x2] =	stream.indirect.gather [hbm4b:s4+s14], $0x60, s1, s14, $0xb8;
	[tilespmem:$0x1FD00] =	vst v63  }
0x24: {  	s31 =	simm.s32 $0x180  }
0x25: {  	[tilespmem:s18], [sflag:$0x2] =	stream.indirect.gather [hbm4b:s4+s14], $0x60, s31, s14, $0xb8;
	[tilespmem:$0x1FD00] =	vst v63  }
0x26: {  	_ =	swait.ge [sflag:s19], $0x3000  }
0x27: {  	[sflag:s19] =	ssyncset.done $0x0  }
0x28: {  	[sflag:s19] =	ssyncadd.s32 $0xFFFFD000  }
0x29: {  	_ =	swait.ge [sflag:s19], $0x3000  }
0x2a: {  	[sflag:s19] =	ssyncset.done $0x0  }
0x2b: {  	s0 =	simm.s32 $0x2800;
	[sflag:s19] =	ssyncadd.s32 $0xFFFFD000  }
0x2c: {  	[spmem:s2] =	stream.indirect.scatter.add.f32 [tilespmem:s15], [sflag:$0x3], $0x60, s0, s14, $0xb8;
	[tilespmem:$0x1FD00] =	vst v63  }
0x2d: {  	_ =	swait.ge [sflag:s10], $0x3000  }
0x2e: {  	[sflag:s10] =	ssyncset.done $0x0  }
0x2f: {  	s31 =	simm.s32 $0x2880;
	[sflag:s10] =	ssyncadd.s32 $0xFFFFD000  }
0x30: {  	[spmem:s2] =	stream.indirect.scatter.add.f32 [tilespmem:s16], [sflag:$0x3], $0x60, s31, s14, $0xb8;
	[tilespmem:$0x1FD00] =	vst v63  }
0x31: {  	_ =	swait.ge [sflag:s10], $0x3000  }
0x32: {  	[sflag:s10] =	ssyncset.done $0x0  }
0x33: {  	s0 =	simm.s32 $0x200;
	[sflag:s10] =	ssyncadd.s32 $0xFFFFD000  }
0x34: {  	[tilespmem:s15], [sflag:$0x1] =	stream.indirect.gather [hbm4b:s4+s14], $0x60, s0, s14, $0xb8;
	[tilespmem:$0x1FD00] =	vst v63  }
0x35: {  	s31 =	simm.s32 $0x280  }
0x36: {  	[tilespmem:s16], [sflag:$0x1] =	stream.indirect.gather [hbm4b:s4+s14], $0x60, s31, s14, $0xb8;
	[tilespmem:$0x1FD00] =	vst v63  }
0x37: {  	_ =	swait.ge [sflag:s20], $0x3000  }
0x38: {  	[sflag:s20] =	ssyncset.done $0x0  }
0x39: {  	[sflag:s20] =	ssyncadd.s32 $0xFFFFD000  }
0x3a: {  	_ =	swait.ge [sflag:s20], $0x3000  }
0x3b: {  	[sflag:s20] =	ssyncset.done $0x0  }
0x3c: {  	s0 =	simm.s32 $0x2900;
	[sflag:s20] =	ssyncadd.s32 $0xFFFFD000  }
0x3d: {  	[spmem:s2] =	stream.indirect.scatter.add.f32 [tilespmem:s17], [sflag:$0x3], $0x60, s0, s14, $0xb8;
	[tilespmem:$0x1FD00] =	vst v63  }
0x3e: {  	_ =	swait.ge [sflag:s10], $0x3000  }
0x3f: {  	[sflag:s10] =	ssyncset.done $0x0  }
0x40: {  	s31 =	simm.s32 $0x2980;
	[sflag:s10] =	ssyncadd.s32 $0xFFFFD000  }
0x41: {  	[spmem:s2] =	stream.indirect.scatter.add.f32 [tilespmem:s18], [sflag:$0x3], $0x60, s31, s14, $0xb8;
	[tilespmem:$0x1FD00] =	vst v63  }
0x42: {  	_ =	swait.ge [sflag:s10], $0x3000  }
0x43: {  	s30 =	simm.s32 $0x1000;
	s29 =	simm.s32 $0x200;
	[sflag:s10] =	ssyncset.done $0x0  }
.LBB2_2:
0x44: {  	s0 =	sadd.s32 $0x100, s29  }
0x45: {  	[sflag:s10] =	ssyncadd.s32 $0xFFFFD000;
	s31 =	smov.u32 s30;
	s1 =	sadd.s32 $0x800, s30  }
0x46: {  	[tilespmem:s17], [sflag:$0x2] =	stream.indirect.gather [hbm4b:s4+s14], $0x60, s0, s14, $0xb8;
	[tilespmem:$0x1FD00] =	vst v63  }
0x47: {  	p0 =	sne.s32 s30, $0x9000;
	s0 =	sadd.s32 $0x180, s29  }
0x48: {  	[tilespmem:s18], [sflag:$0x2] =	stream.indirect.gather [hbm4b:s4+s14], $0x60, s0, s14, $0xb8;
	[tilespmem:$0x1FD00] =	vst v63  }
0x49: {  	_ =	swait.ge [sflag:s19], $0x3000  }
0x4a: {  	[sflag:s19] =	ssyncset.done $0x0  }
0x4b: {  	[sflag:s19] =	ssyncadd.s32 $0xFFFFD000  }
0x4c: {  	_ =	swait.ge [sflag:s19], $0x3000  }
0x4d: {  	[sflag:s19] =	ssyncset.done $0x0  }
0x4e: {  	s0 =	sadd.s32 $0x2800, s29;
	[sflag:s19] =	ssyncadd.s32 $0xFFFFD000  }
0x4f: {  	[spmem:s2] =	stream.indirect.scatter.add.f32 [tilespmem:s15], [sflag:$0x3], $0x60, s0, s14, $0xb8;
	[tilespmem:$0x1FD00] =	vst v63  }
0x50: {  	_ =	swait.ge [sflag:s10], $0x3000  }
0x51: {  	[sflag:s10] =	ssyncset.done $0x0  }
0x52: {  	s0 =	sadd.s32 $0x2880, s29;
	[sflag:s10] =	ssyncadd.s32 $0xFFFFD000  }
0x53: {  	[spmem:s2] =	stream.indirect.scatter.add.f32 [tilespmem:s16], [sflag:$0x3], $0x60, s0, s14, $0xb8;
	[tilespmem:$0x1FD00] =	vst v63  }
0x54: {  	_ =	swait.ge [sflag:s10], $0x3000  }
0x55: {  	[sflag:s10] =	ssyncset.done $0x0  }
0x56: {  	s0 =	sadd.s32 $0x200, s29;
	[sflag:s10] =	ssyncadd.s32 $0xFFFFD000  }
0x57: {  	[tilespmem:s15], [sflag:$0x1] =	stream.indirect.gather [hbm4b:s4+s14], $0x60, s0, s14, $0xb8;
	[tilespmem:$0x1FD00] =	vst v63  }
0x58: {  	s0 =	sadd.s32 $0x280, s29  }
0x59: {  	[tilespmem:s16], [sflag:$0x1] =	stream.indirect.gather [hbm4b:s4+s14], $0x60, s0, s14, $0xb8;
	[tilespmem:$0x1FD00] =	vst v63  }
0x5a: {  	_ =	swait.ge [sflag:s20], $0x3000  }
0x5b: {  	[sflag:s20] =	ssyncset.done $0x0  }
0x5c: {  	[sflag:s20] =	ssyncadd.s32 $0xFFFFD000  }
0x5d: {  	_ =	swait.ge [sflag:s20], $0x3000  }
0x5e: {  	[sflag:s20] =	ssyncset.done $0x0  }
0x5f: {  	s0 =	sadd.s32 $0x2900, s29;
	[sflag:s20] =	ssyncadd.s32 $0xFFFFD000  }
0x60: {  	[spmem:s2] =	stream.indirect.scatter.add.f32 [tilespmem:s17], [sflag:$0x3], $0x60, s0, s14, $0xb8;
	[tilespmem:$0x1FD00] =	vst v63  }
0x61: {  	_ =	swait.ge [sflag:s10], $0x3000  }
.Ltmp0:
0x62: {  	[sflag:s10] =	ssyncset.done $0x0;
	(pc) =	sbr.rel @p0 .LBB2_2-.Ltmp0, $4  }
0x63: {  	s0 =	sadd.s32 $0x2980, s29;
	[sflag:s10] =	ssyncadd.s32 $0xFFFFD000  }
0x64: {  	[spmem:s2] =	stream.indirect.scatter.add.f32 [tilespmem:s18], [sflag:$0x3], $0x60, s0, s14, $0xb8;
	[tilespmem:$0x1FD00] =	vst v63  }
0x65: {  	_ =	swait.ge [sflag:s10], $0x3000  }
0x66: {  	s30 =	smov.u32 s1;
	s29 =	sshra.s32 s31, $0x2;
	[sflag:s10] =	ssyncset.done $0x0  }
0x67: {  	s0 =	sadd.s32 $0x100, s29;
	[sflag:s10] =	ssyncadd.s32 $0xFFFFD000  }
0x68: {  	[tilespmem:s17], [sflag:$0x2] =	stream.indirect.gather [hbm4b:s4+s14], $0x60, s0, s14, $0xb8;
	[tilespmem:$0x1FD00] =	vst v63  }
0x69: {  	s31 =	sadd.s32 $0x180, s29  }
0x6a: {  	[tilespmem:s18], [sflag:$0x2] =	stream.indirect.gather [hbm4b:s4+s14], $0x60, s31, s14, $0xb8;
	[tilespmem:$0x1FD00] =	vst v63  }
0x6b: {  	_ =	swait.ge [sflag:s19], $0x3000  }
0x6c: {  	[sflag:s19] =	ssyncset.done $0x0  }
0x6d: {  	[sflag:s19] =	ssyncadd.s32 $0xFFFFD000  }
0x6e: {  	_ =	swait.ge [sflag:s19], $0x3000  }
0x6f: {  	[sflag:s19] =	ssyncset.done $0x0  }
0x70: {  	s1 =	sadd.s32 $0x2800, s29;
	[sflag:s19] =	ssyncadd.s32 $0xFFFFD000  }
0x71: {  	[spmem:s2] =	stream.indirect.scatter.add.f32 [tilespmem:s15], [sflag:$0x3], $0x60, s1, s14, $0xb8;
	[tilespmem:$0x1FD00] =	vst v63  }
0x72: {  	_ =	swait.ge [sflag:s10], $0x3000  }
0x73: {  	[sflag:s10] =	ssyncset.done $0x0  }
0x74: {  	s30 =	sadd.s32 $0x2880, s29;
	[sflag:s10] =	ssyncadd.s32 $0xFFFFD000  }
0x75: {  	[spmem:s2] =	stream.indirect.scatter.add.f32 [tilespmem:s16], [sflag:$0x3], $0x60, s30, s14, $0xb8;
	[tilespmem:$0x1FD00] =	vst v63  }
0x76: {  	_ =	swait.ge [sflag:s10], $0x3000  }
0x77: {  	[sflag:s10] =	ssyncset.done $0x0  }
0x78: {  	s31 =	sadd.s32 $0x200, s29;
	[sflag:s10] =	ssyncadd.s32 $0xFFFFD000  }
0x79: {  	[tilespmem:s15], [sflag:$0x1] =	stream.indirect.gather [hbm4b:s4+s14], $0x60, s31, s14, $0xb8;
	[tilespmem:$0x1FD00] =	vst v63  }
0x7a: {  	s1 =	sadd.s32 $0x280, s29  }
0x7b: {  	[tilespmem:s16], [sflag:$0x1] =	stream.indirect.gather [hbm4b:s4+s14], $0x60, s1, s14, $0xb8;
	[tilespmem:$0x1FD00] =	vst v63  }
0x7c: {  	_ =	swait.ge [sflag:s20], $0x3000  }
0x7d: {  	[sflag:s20] =	ssyncset.done $0x0  }
0x7e: {  	[sflag:s20] =	ssyncadd.s32 $0xFFFFD000  }
0x7f: {  	_ =	swait.ge [sflag:s20], $0x3000  }
0x80: {  	[sflag:s20] =	ssyncset.done $0x0  }
0x81: {  	s30 =	sadd.s32 $0x2900, s29;
	[sflag:s20] =	ssyncadd.s32 $0xFFFFD000  }
0x82: {  	[spmem:s2] =	stream.indirect.scatter.add.f32 [tilespmem:s17], [sflag:$0x3], $0x60, s30, s14, $0xb8;
	[tilespmem:$0x1FD00] =	vst v63  }
0x83: {  	_ =	swait.ge [sflag:s10], $0x3000  }
0x84: {  	[sflag:s10] =	ssyncset.done $0x0  }
0x85: {  	s31 =	sadd.s32 $0x2980, s29;
	[sflag:s10] =	ssyncadd.s32 $0xFFFFD000  }
0x86: {  	[spmem:s2] =	stream.indirect.scatter.add.f32 [tilespmem:s18], [sflag:$0x3], $0x60, s31, s14, $0xb8;
	[tilespmem:$0x1FD00] =	vst v63  }
0x87: {  	_ =	swait.ge [sflag:s10], $0x3000  }
0x88: {  	[sflag:s10] =	ssyncset.done $0x0  }
0x89: {  	[sflag:s10] =	ssyncadd.s32 $0xFFFFD000  }
0x8a: {  	[tilespmem:s17], [sflag:$0x2] =	stream.indirect.gather [hbm4b:s4+s14], $0x60, s21, s14, $0xb8;
	[tilespmem:$0x1FD00] =	vst v63  }
0x8b: {  	_ = 	snop  }
0x8c: {  	[tilespmem:s18], [sflag:$0x2] =	stream.indirect.gather [hbm4b:s4+s14], $0x60, s22, s14, $0xb8;
	[tilespmem:$0x1FD00] =	vst v63  }
0x8d: {  	_ =	swait.ge [sflag:s19], $0x3000  }
0x8e: {  	[sflag:s19] =	ssyncset.done $0x0  }
0x8f: {  	[sflag:s19] =	ssyncadd.s32 $0xFFFFD000  }
0x90: {  	_ =	swait.ge [sflag:s19], $0x3000  }
0x91: {  	[sflag:s19] =	ssyncset.done $0x0  }
0x92: {  	[sflag:s19] =	ssyncadd.s32 $0xFFFFD000  }
0x93: {  	[spmem:s2] =	stream.indirect.scatter.add.f32 [tilespmem:s15], [sflag:$0x3], $0x60, s23, s14, $0xb8;
	[tilespmem:$0x1FD00] =	vst v63  }
0x94: {  	_ =	swait.ge [sflag:s10], $0x3000  }
0x95: {  	[sflag:s10] =	ssyncset.done $0x0  }
0x96: {  	[sflag:s10] =	ssyncadd.s32 $0xFFFFD000  }
0x97: {  	[spmem:s2] =	stream.indirect.scatter.add.f32 [tilespmem:s16], [sflag:$0x3], $0x60, s24, s14, $0xb8;
	[tilespmem:$0x1FD00] =	vst v63  }
0x98: {  	_ =	swait.ge [sflag:s10], $0x3000  }
0x99: {  	[sflag:s10] =	ssyncset.done $0x0  }
0x9a: {  	[sflag:s10] =	ssyncadd.s32 $0xFFFFD000  }
0x9b: {  	_ =	swait.ge [sflag:s20], $0x3000  }
0x9c: {  	[sflag:s20] =	ssyncset.done $0x0  }
0x9d: {  	[sflag:s20] =	ssyncadd.s32 $0xFFFFD000  }
0x9e: {  	_ =	swait.ge [sflag:s20], $0x3000  }
0x9f: {  	[sflag:s20] =	ssyncset.done $0x0  }
0xa0: {  	[sflag:s20] =	ssyncadd.s32 $0xFFFFD000  }
0xa1: {  	[spmem:s2] =	stream.indirect.scatter.add.f32 [tilespmem:s17], [sflag:$0x3], $0x60, s25, s14, $0xb8;
	[tilespmem:$0x1FD00] =	vst v63  }
0xa2: {  	_ =	swait.ge [sflag:s10], $0x3000  }
0xa3: {  	[sflag:s10] =	ssyncset.done $0x0  }
0xa4: {  	[sflag:s10] =	ssyncadd.s32 $0xFFFFD000  }
0xa5: {  	[spmem:s2] =	stream.indirect.scatter.add.f32 [tilespmem:s18], [sflag:$0x3], $0x60, s26, s14, $0xb8;
	[tilespmem:$0x1FD00] =	vst v63  }
0xa6: {  	_ =	swait.ge [sflag:s10], $0x3000  }
0xa7: {  	s28 =	sadd.s32 $0x1, s28;
	[sflag:s10] =	ssyncset.done $0x0  }
0xa8: {  	p0 =	sne.s32 s28, s9;
	[sflag:s10] =	ssyncadd.s32 $0xFFFFD000  }
.Ltmp1:
0xa9: {  	[bflag:$0x0] =	sbarrier.arrive $0xFFFF;
	(pc) =	sbr.rel @p0 .LBB2_1-.Ltmp1, $4  }
0xaa: {  	[hbm:s8], [sflag:s12] =	dma.local [spmem:s13], $0x1DA0  }
0xab: {  	_ =	swait.ge [sflag:s10], $0x1DA0  }
0xac: {  	[sflag:s10] =	ssyncset.done $0x0  }
0xad: {  	[sflag:s10] =	ssyncadd.s32 $0xFFFFE260  }
0xae: {  	_ =	sfence.sel $0x180000  }
0xaf: {  	[bflag:$0x0] =	sbarrier.arrive $0xFFFF  }
0xb0: {  	_ =	strace $0x9000004D  }
0xb1: {  	s0 =	stileid.u32;
	[bflag:$0x2] =	sbarrier.arrive $0xFFFF  }
0xb2: {  	p0 =	sne.s32 s0, $0x0;
	s0 =	rddreg [dreg:$0x2]  }
0xb3: {  	s0 =	sadd.s32 @!p0 $0x100000, s0  }
0xb4: {  	[sflag:s0] =	ssyncadd.tile.s32 @!p0 $0x1;
	_ =	shalt  }
.Lfunc_end2:
_tile_overlayer_lowered:
.L_overlay_start_2:
0xb5: {  	(tag) =	ssettag $0x2  }
0xb6: {  	s0 =	rddreg [dreg:$0x0];
	s2 =	stileid.u32  }
0xb7: {  	s1 =	rddreg [dreg:$0x1];
	p0 =	sne.s32 s2, $0x0  }
0xb8: {  	s3 =	rddreg [dreg:$0x2];
	[bflag:$0x3] =	sbarrier.arrive $0xFFFF;
	s2 =	simm.s32 @!p0 $0x1C03  }
0xb9: {  	[timem:s3], [sflag:s2] =	dma.local @!p0 [hbm:s0], s1  }
0xba: {  	s0 =	simm.s32 @!p0 $0x3  }
0xbb: {  	_ =	swait.ge @!p0 [sflag:s0], s1  }
0xbc: {  	s1 =	ssub.s32 @!p0 $0x0, s1;
	[sflag:s0] =	ssyncset.done @!p0 $0x0  }
0xbd: {  	[sflag:s0] =	ssyncadd.s32 @!p0 s1  }
0xbe: {  	[bflag:$0x3] =	sbarrier.arrive $0xFFFF  }
0xbf: {  	_ =	shalt  }

// kernel: kernel.8.cloned.1.call-start
scs
__scs_entry_jumppad:
0x0: {  	(pc) =	sbr.rel $0x88, $3  }
0x1: {  	(tag) =	ssettag $0x0;
	lr =	simm.s32 $0x1  }
0x2: {  	[smem:$0x3F96] =	sst lr;
	_ =	strace $0xD0000000  }
0x3: {  	_ = 	snop  }
0x4: {  	_ = 	snop  }
0x5: {  	_ = 	snop  }
0x6: {  	_ = 	snop  }
0x7: {  	_ = 	snop  }
__scs_overlays_trampoline_lowered:
0x8: {  	[smem:$0x3FA5] =	sst s0  }
0x9: {  	[smem:$0x3FA6] =	sst s1  }
0xa: {  	[smem:$0x3FA7] =	sst s2  }
0xb: {  	[smem:$0x3FA8] =	sst s3  }
0xc: {  	[smem:$0x3FA9] =	sst s4  }
0xd: {  	[smem:$0x3FAA] =	sst s5  }
0xe: {  	[smem:$0x3FAB] =	sst s6  }
0xf: {  	[smem:$0x3FAC] =	sst s7  }
0x10: {  	[smem:$0x3FAD] =	sst s8  }
0x11: {  	[smem:$0x3FAE] =	sst s9;
	s0 =	simm.s32 @!p0 $0x0  }
0x12: {  	s1 =	sld [smem:$0x3F94];
	s0 =	simm.s32 @p0 $0x1  }
0x13: {  	[smem:$0x3FAF] =	sst s0;
	s0 =	simm.s32 @!p1 $0x0  }
0x14: {  	s2 =	sld [smem:$0x3F93];
	s0 =	simm.s32 @p1 $0x1  }
0x15: {  	[smem:$0x3FB0] =	sst s0;
	s0 =	simm.s32 @!p2 $0x0  }
0x16: {  	s3 =	sld [smem:$0x3FDB];
	s0 =	simm.s32 @p2 $0x1  }
0x17: {  	s4 =	simm.s32 $0x1BF5;
	[smem:$0x3FB2] =	sst s0  }
0x18: {  	s0 =	sld [smem:$0x3F95];
	_ =	swait.ge [sflag:s4], $0x0  }
0x19: {  	s7 =	sld [smem:$0x3F96]  }
0x1a: {  	s8 =	sadd.s32 $0xFFFFE003, lr  }
0x1b: {  	s9 =	sadd.s32 $0xFFFFFEF7, lr;
	s5 =	simm.s32 $0xFFFFFFFF;
	p2 =	slt.u32 s8, $0xFFFFF086  }
0x1c: {  	p1 =	slt.u32 s9, $0xF7A;
	s5 =	simm.s32 @!p2 $0x0  }
0x1d: {  	s5 =	simm.s32 @p1 $0x1;
	p0 =	seq.s32 s7, s2  }
0x1e: {  	s7 =	smul.u32 @!p0 $0xF7A, s2;
	p2 =	seq.s32 @!p0 s5, $0x0  }
0x1f: {  	s9 =	smul.u32 $0xF7A, s1;
	s8 =	simm.s32 @!p0 $0x1BF5;
	p2 =	por !p2, p0  }
0x20: {  	[sflag:s8] =	ssyncset.s32 @!p0 $0xFFFFF086;
	s6 =	sadd.s32 @!p0 s3, s7;
	s7 =	simm.s32 @!p0 $0x108  }
0x21: {  	s3 =	sadd.s32 s3, s9;
	s6 =	sadd.s32 @!p0 $0x88, s6;
	s7 =	simm.s32 @p2 $0x1082  }
0x22: {  	[simem:s7], [sflag:s8] =	dma.local @!p0 [hbm:s6], $0xF7A  }
0x23: {  	s9 =	sor.u32 $0xD0000000, s2;
	s6 =	simm.s32 $0x108;
	_ =	swait.ge @!p0 [sflag:s8], $0x0  }
0x24: {  	s3 =	sadd.s32 $0x88, s3;
	s6 =	simm.s32 @!p1 $0x1082;
	[sflag:s4] =	ssyncset.s32 $0xFFFFF086  }
0x25: {  	[simem:s6], [sflag:s4] =	dma.local [hbm:s3], $0xF7A  }
0x26: {  	[smem:$0x3F96] =	sst s1;
	(tag) =	ssettag s2;
	_ =	strace s9  }
0x27: {  	s1 =	sld [smem:$0x3FA6]  }
0x28: {  	s2 =	sld [smem:$0x3FA7]  }
0x29: {  	s4 =	sld [smem:$0x3FA9]  }
0x2a: {  	p0 =	seq.s32 s5, $0x0;
	s5 =	sld [smem:$0x3FAA]  }
0x2b: {  	s6 =	sld [smem:$0x3FAB]  }
0x2c: {  	s7 =	sld [smem:$0x3FAC]  }
0x2d: {  	s3 =	simm.s32 $0x108;
	s8 =	sld [smem:$0x3FAD]  }
0x2e: {  	s3 =	simm.s32 @!p0 $0x1082;
	s9 =	sld [smem:$0x3FAE]  }
0x2f: {  	lr =	sadd.s32 s0, s3;
	s0 =	sld [smem:$0x3FA5]  }
0x30: {  	s3 =	sld [smem:$0x3FA8]  }
0x31: {  	[smem:$0x3FB1] =	sst s10  }
0x32: {  	s10 =	sld [smem:$0x3FAF];
	_ =	sdelay $0x3  }
0x33: {  	p0 =	seq.s32 s10, $0x1;
	s10 =	sld [smem:$0x3FB1];
	_ =	sdelay $0x3  }
0x34: {  	[smem:$0x3FB1] =	sst s10  }
0x35: {  	s10 =	sld [smem:$0x3FB0];
	_ =	sdelay $0x3  }
0x36: {  	p1 =	seq.s32 s10, $0x1;
	s10 =	sld [smem:$0x3FB1];
	_ =	sdelay $0x3  }
0x37: {  	[smem:$0x3FB1] =	sst s10  }
0x38: {  	s10 =	sld [smem:$0x3FB2]  }
0x39: {  	_ = 	snop;
	(pc) =	sbr.ind lr, $3  }
0x3a: {  	_ = 	snop  }
0x3b: {  	_ = 	snop  }
0x3c: {  	p2 =	seq.s32 s10, $0x1;
	s10 =	sld [smem:$0x3FB1]  }
0x3d: {  	_ =	shalt  }
0x3e: {  	_ =	shalt  }
0x3f: {  	_ =	shalt  }
0x40: {  	_ =	shalt  }
0x41: {  	_ =	shalt  }
0x42: {  	_ =	shalt  }
0x43: {  	_ =	shalt  }
0x44: {  	_ =	shalt  }
0x45: {  	_ =	shalt  }
0x46: {  	_ =	shalt  }
0x47: {  	_ =	shalt  }
0x48: {  	_ =	shalt  }
0x49: {  	_ =	shalt  }
0x4a: {  	_ =	shalt  }
0x4b: {  	_ =	shalt  }
0x4c: {  	_ =	shalt  }
0x4d: {  	_ =	shalt  }
0x4e: {  	_ =	shalt  }
0x4f: {  	_ =	shalt  }
0x50: {  	_ =	shalt  }
0x51: {  	_ =	shalt  }
0x52: {  	_ =	shalt  }
0x53: {  	_ =	shalt  }
0x54: {  	_ =	shalt  }
0x55: {  	_ =	shalt  }
0x56: {  	_ =	shalt  }
0x57: {  	_ =	shalt  }
0x58: {  	_ =	shalt  }
0x59: {  	_ =	shalt  }
0x5a: {  	_ =	shalt  }
0x5b: {  	_ =	shalt  }
0x5c: {  	_ =	shalt  }
0x5d: {  	_ =	shalt  }
0x5e: {  	_ =	shalt  }
0x5f: {  	_ =	shalt  }
0x60: {  	_ =	shalt  }
0x61: {  	_ =	shalt  }
0x62: {  	_ =	shalt  }
0x63: {  	_ =	shalt  }
0x64: {  	_ =	shalt  }
0x65: {  	_ =	shalt  }
0x66: {  	_ =	shalt  }
0x67: {  	_ =	shalt  }
0x68: {  	_ =	shalt  }
0x69: {  	_ =	shalt  }
0x6a: {  	_ =	shalt  }
0x6b: {  	_ =	shalt  }
0x6c: {  	_ =	shalt  }
0x6d: {  	_ =	shalt  }
0x6e: {  	_ =	shalt  }
0x6f: {  	_ =	shalt  }
0x70: {  	_ =	shalt  }
0x71: {  	_ =	shalt  }
0x72: {  	_ =	shalt  }
0x73: {  	_ =	shalt  }
0x74: {  	_ =	shalt  }
0x75: {  	_ =	shalt  }
0x76: {  	_ =	shalt  }
0x77: {  	_ =	shalt  }
0x78: {  	_ =	shalt  }
0x79: {  	_ =	shalt  }
0x7a: {  	_ =	shalt  }
0x7b: {  	_ =	shalt  }
0x7c: {  	_ =	shalt  }
0x7d: {  	_ =	shalt  }
0x7e: {  	_ =	shalt  }
0x7f: {  	_ =	shalt  }
0x80: {  	_ =	shalt  }
0x81: {  	_ =	shalt  }
0x82: {  	_ =	shalt  }
0x83: {  	_ =	shalt  }
0x84: {  	_ =	shalt  }
0x85: {  	_ =	shalt  }
0x86: {  	_ =	shalt  }
0x87: {  	_ =	shalt  }
.Lfunc_end0:
.L_simem_size_0:
called_computation_lowered:
.L_overlay_start_0:
0x88: {  	s2 =	sld [smem:$0x3FD9]  }
0x89: {  	s3 =	sld [smem:$0x3FFE];
	_ =	sdelay $0x1  }
0x8a: {  	s1 =	srdreg.scid  }
0x8b: {  	s0 =	sand.u32 $0x1, s1  }
0x8c: {  	s14 =	sshll.u32 s0, $0xA;
	s2 =	sadd.s32 s3, s2  }
0x8d: {  	s2 =	sadd.s32 s2, s14  }
0x8e: {  	[smem:$0x3FBD] =	sst s2  }
0x8f: {  	_ = 	snop  }
0x90: {  	s2 =	sld [smem:$0x3FD0];
	_ =	sdelay $0x2  }
0x91: {  	s15 =	simm.s32 $0xA;
	s4 =	simm.s32 $0x10  }
0x92: {  	[smem:s4], [sflag:s15] =	dma.local [hbm:s2], $0x1  }
0x93: {  	_ =	swait.eq [sflag:s15], $0x1  }
0x94: {  	[sflag:s15] =	ssyncset.done $0x0  }
0x95: {  	[sflag:s15] =	ssyncadd.s32 $0xFFFFFFFF  }
0x96: {  	s16 =	sld [smem:$0x11];
	(tm) =	ssettm $0x1  }
0x97: {  	s17 =	sld [smem:$0x3FFB];
	_ =	sdelay $0x3  }
0x98: {  	_ =	strace s17  }
0x99: {  	s3 =	sld [smem:$0x3FFC];
	_ =	sdelay $0x3  }
0x9a: {  	_ =	strace s3  }
0x9b: {  	s3 =	sld [smem:$0x3FFD];
	_ =	sdelay $0x3  }
0x9c: {  	_ =	strace s3  }
0x9d: {  	_ =	strace $0x8FFFFFFF  }
0x9e: {  	s18 =	sld [smem:$0x3FDB];
	_ =	sdelay $0x1  }
0x9f: {  	s19 =	simm.s32 $_scs_section_size  }
0xa0: {  	s5 =	simm.s32 $_size__tile_overlayer_lowered;
	s6 =	simm.s32 $_tile_overlayer_lowered  }
0xa1: {  	s22 =	simm.s32 $0x1BFF;
	s21 =	sshll.u32 s6, $0x1;
	s3 =	sadd.s32 s19, s18  }
0xa2: {  	s7 =	simm.s32 $0x0;
	s20 =	sshll.u32 s5, $0x1;
	s5 =	sadd.s32 s21, s3  }
0xa3: {  	[timem:s7], [sflag:s22] =	dma.local [hbm:s5], s20  }
0xa4: {  	_ =	swait.ge [sflag:s22], s20  }
0xa5: {  	s4 =	ssub.s32 $0x0, s20;
	[sflag:s22] =	ssyncset.done $0x0  }
0xa6: {  	[sflag:s22] =	ssyncadd.s32 s4;
	_ =	sdelay $0x1  }
0xa7: {  	s23 =	simm.s32 $0x1B8B  }
0xa8: {  	_ =	swait.ge [sflag:s23], $0x1  }
0xa9: {  	[sflag:s23] =	ssyncset.done $0x0  }
0xaa: {  	s25 =	simm.s32 $0x1B8E;
	s24 =	sld [smem:$0x3FFE];
	[sflag:s23] =	ssyncadd.s32 $0xFFFFFFFF  }
0xab: {  	s26 =	simm.s32 $execute0_lowered;
	[smem:$0x3FD2] =	sst s25  }
0xac: {  	s5 =	sshll.u32 s26, $0x1;
	_ =	strace $0x80000046;
	[dreg:$0x1] =	wrdreg $0xFFFFFFFF  }
0xad: {  	s28 =	simm.s32 $_size_execute0_lowered;
	s3 =	sadd.s32 s3, s5;
	[dreg:$0x0] =	wrdreg $0x0  }
0xae: {  	s5 =	sshll.u32 s28, $0x1;
	[dreg:$0x2] =	wrdreg s3  }
0xaf: {  	[dreg:$0x3] =	wrdreg s5  }
0xb0: {  	[dreg:$0x4] =	wrdreg $0xC0  }
0xb1: {  	_ =	task [dreg:s7], $0x5FFFF  }
0xb2: {  	[dreg:$0x1] =	wrdreg $0xFFFFFFFF  }
0xb3: {  	[dreg:$0x0] =	wrdreg $0x60  }
0xb4: {  	[dreg:$0x2] =	wrdreg s24  }
0xb5: {  	[dreg:$0x3] =	wrdreg s16  }
0xb6: {  	[dreg:$0x4] =	wrdreg $0xA000  }
0xb7: {  	[dreg:$0x5] =	wrdreg $0x9  }
0xb8: {  	_ =	task.clear_ibuf [dreg:s7], $0x6FFFF;
	_ =	strace $0x90000046  }
0xb9: {  	s29 =	simm.s32 $0x9;
	_ =	strace $0x80000048  }
0xba: {  	_ =	swait.ge [sflag:s29], $0x1  }
0xbb: {  	[sflag:s29] =	ssyncadd.s32 $0xFFFFFFFF  }
0xbc: {  	_ =	strace $0x90000048  }
0xbd: {  	_ =	sfence  }
0xbe: {  	s30 =	sld [smem:$0x0];
	_ =	sdelay $0x2  }
0xbf: {  	s31 =	sshll.u32 s1, $0xD;
	s1 =	sshrl.u32 s1, $0x2  }
0xc0: {  	s3 =	sand.u32 $0x4000, s31;
	s1 =	sadd.s32 s1, s30  }
0xc1: {  	s0 =	sor.u32 s3, s0;
	s1 =	sshll.u32 s1, $0x11  }
0xc2: {  	s0 =	sor.u32 s1, s0  }
0xc3: {  	s0 =	sadd.s32 $0x8F2B, s0  }
0xc4: {  	[sflag:s0] =	ssyncadd.remote.s32 $0x1  }
0xc5: {  	_ =	sfence.sel $0xFFFF  }
0xc6: {  	[dreg:$0x0] =	wrdreg $0xFFFFFFFF;
	(pc) =	sbr.abs _section_cstart, $3  }
0xc7: {  	[dreg:$0x1] =	wrdreg $0xFFFFFFFF  }
0xc8: {  	_ =	task.clear_ibuf [dreg:s7], $0x2FFFF;
	_ =	strace $0x9FFFFFFF  }
0xc9: {  	(tm) =	ssettm $0x7FFFFFFF  }
tec
execute0_lowered:
.L_overlay_start_1:
0x0: {  	(tag) =	ssettag $0x1  }
0x1: {  	s5 =	rddreg [dreg:$0x0]  }
0x2: {  	s2 =	rddreg [dreg:$0x1]  }
0x3: {  	s0 =	srdreg.scid;
	s3 =	rddreg [dreg:$0x2]  }
0x4: {  	s1 =	rddreg [dreg:$0x3];
	s6 =	sand.u32 $0x1, s0  }
0x5: {  	s4 =	simm.s32 $0x0;
	s0 =	stileid.u32;
	s7 =	smul.u32 $0x28000, s6  }
0x6: {  	s13 =	simm.s32 $0x80;
	s14 =	simm.s32 $0x100;
	s8 =	smul.u32 $0x2800, s0  }
0x7: {  	s15 =	simm.s32 $0x180;
	s16 =	simm.s32 $0x0;
	s9 =	smul.u32 $0x2780, s0  }
0x8: {  	[smem:$0x7FF] =	sst s4;
	s26 =	smul.u32 $0x27800, s6;
	s6 =	ssub.s32 $0x2, s6  }
0x9: {  	_ =	strace $0x80000047;
	s31 =	sshll.u32 s0, $0x6;
	s30 =	sshrl.u32 s6, $0x1  }
0xa: {  	s7 =	sadd.s32 s8, s7;
	s28 =	sadd.s32 s9, s26;
	s29 =	sshrl.u32 s9, $0x3  }
0xb: {  	s11 =	ssub.s32 s6, s30;
	s12 =	sadd.s32 s9, s3;
	s7 =	sshrl.u32 s7, $0x3  }
0xc: {  	s9 =	simm.s32 $0x200;
	s10 =	sadd.s32 s7, s5;
	s7 =	sshrl.u32 s28, $0x3  }
0xd: {  	s8 =	sadd.s32 s29, s5;
	s12 =	sshrl.u32 s12, $0x3;
	s7 =	sadd.s32 s7, s5  }
0xe: {  	s5 =	sadd.s32 $0x15600, s8;
	s8 =	sadd.s32 $0x1600, s10;
	s10 =	simm.s32 $0x1  }
0xf: {  	s6 =	sadd.s32 $0x1A600, s7;
	s7 =	smax.u32 s11, $0x1;
	s11 =	sor.u32 $0x1C01, s31  }
.LBB2_1:
0x10: {  	[tilespmem:s9], [sflag:$0x1] =	stream.linear.gather [hbm4b:s2+s4], $0x800, $0x38;
	[tilespmem:$0x3180] =	vst v63  }
0x11: {  	_ =	swait.ge [sflag:s10], $0x800  }
0x12: {  	[sflag:s10] =	ssyncset.done $0x0  }
0x13: {  	[sflag:s10] =	ssyncadd.s32 $0xFFFFF800  }
0x14: {  	[spmem:s12], [sflag:s11] =	dma.local [hbm:s5], $0x4F0  }
0x15: {  	_ =	swait.ge [sflag:s10], $0x4F0  }
0x16: {  	[sflag:s10] =	ssyncset.done $0x0  }
0x17: {  	[sflag:s10] =	ssyncadd.s32 $0xFFFFFB10  }
0x18: {  	s17 =	sadd.s32 $0x0, s8;
	[bflag:$0x0] =	sbarrier.arrive $0xFFFF  }
0x19: {  	[tilespmem:s4], [sflag:$0x1] =	stream.linear.gather [hbm4b:s17+s4], $0x200, $0x38;
	[tilespmem:$0x3180] =	vst v63  }
0x1a: {  	_ =	swait.ge [sflag:s10], $0x200  }
0x1b: {  	[sflag:s10] =	ssyncset.done $0x0  }
0x1c: {  	[sflag:s10] =	ssyncadd.s32 $0xFFFFFE00  }
0x1d: {  	[spmem:s3] =	stream.indirect.scatter.add.f32 [tilespmem:s9], [sflag:$0x1], $0x10, s4, s13, $0xb8;
	[tilespmem:$0x3180] =	vst v63  }
0x1e: {  	_ =	swait.ge [sflag:s10], $0x800  }
0x1f: {  	[sflag:s10] =	ssyncset.done $0x0  }
0x20: {  	[sflag:s10] =	ssyncadd.s32 $0xFFFFF800  }
0x21: {  	[spmem:s3] =	stream.indirect.scatter.add.f32 [tilespmem:s9], [sflag:$0x1], $0x10, s13, s13, $0xb8;
	[tilespmem:$0x3180] =	vst v63  }
0x22: {  	_ =	swait.ge [sflag:s10], $0x800  }
0x23: {  	[sflag:s10] =	ssyncset.done $0x0  }
0x24: {  	[sflag:s10] =	ssyncadd.s32 $0xFFFFF800  }
0x25: {  	[spmem:s3] =	stream.indirect.scatter.add.f32 [tilespmem:s9], [sflag:$0x1], $0x10, s14, s13, $0xb8;
	[tilespmem:$0x3180] =	vst v63  }
0x26: {  	_ =	swait.ge [sflag:s10], $0x800  }
0x27: {  	[sflag:s10] =	ssyncset.done $0x0  }
0x28: {  	[sflag:s10] =	ssyncadd.s32 $0xFFFFF800  }
0x29: {  	[spmem:s3] =	stream.indirect.scatter.add.f32 [tilespmem:s9], [sflag:$0x1], $0x10, s15, s13, $0xb8;
	[tilespmem:$0x3180] =	vst v63  }
0x2a: {  	_ =	swait.ge [sflag:s10], $0x800  }
0x2b: {  	s18 =	simm.s32 $0x80;
	s17 =	simm.s32 $0x40;
	[sflag:s10] =	ssyncset.done $0x0  }
.LBB2_2:
0x2c: {  	s19 =	sadd.s32 s17, s8  }
0x2d: {  	[sflag:s10] =	ssyncadd.s32 $0xFFFFF800;
	s17 =	smov.u32 s18;
	s20 =	sadd.s32 $0x40, s18  }
0x2e: {  	[tilespmem:s4], [sflag:$0x1] =	stream.linear.gather [hbm4b:s19+s4], $0x200, $0x38;
	[tilespmem:$0x3180] =	vst v63  }
0x2f: {  	p0 =	sne.s32 s18, $0x4C0;
	_ =	swait.ge [sflag:s10], $0x200  }
0x30: {  	[sflag:s10] =	ssyncset.done $0x0  }
0x31: {  	[sflag:s10] =	ssyncadd.s32 $0xFFFFFE00  }
0x32: {  	[spmem:s3] =	stream.indirect.scatter.add.f32 [tilespmem:s9], [sflag:$0x1], $0x10, s4, s13, $0xb8;
	[tilespmem:$0x3180] =	vst v63  }
0x33: {  	_ =	swait.ge [sflag:s10], $0x800  }
0x34: {  	[sflag:s10] =	ssyncset.done $0x0  }
0x35: {  	[sflag:s10] =	ssyncadd.s32 $0xFFFFF800  }
0x36: {  	[spmem:s3] =	stream.indirect.scatter.add.f32 [tilespmem:s9], [sflag:$0x1], $0x10, s13, s13, $0xb8;
	[tilespmem:$0x3180] =	vst v63  }
0x37: {  	_ =	swait.ge [sflag:s10], $0x800  }
0x38: {  	[sflag:s10] =	ssyncset.done $0x0  }
0x39: {  	[sflag:s10] =	ssyncadd.s32 $0xFFFFF800  }
0x3a: {  	[spmem:s3] =	stream.indirect.scatter.add.f32 [tilespmem:s9], [sflag:$0x1], $0x10, s14, s13, $0xb8;
	[tilespmem:$0x3180] =	vst v63  }
0x3b: {  	_ =	swait.ge [sflag:s10], $0x800  }
.Ltmp0:
0x3c: {  	[sflag:s10] =	ssyncset.done $0x0;
	(pc) =	sbr.rel @p0 .LBB2_2-.Ltmp0, $4  }
0x3d: {  	[sflag:s10] =	ssyncadd.s32 $0xFFFFF800  }
0x3e: {  	[spmem:s3] =	stream.indirect.scatter.add.f32 [tilespmem:s9], [sflag:$0x1], $0x10, s15, s13, $0xb8;
	[tilespmem:$0x3180] =	vst v63  }
0x3f: {  	_ =	swait.ge [sflag:s10], $0x800  }
0x40: {  	s18 =	smov.u32 s20;
	[sflag:s10] =	ssyncset.done $0x0  }
0x41: {  	s17 =	sadd.s32 s17, s8;
	[sflag:s10] =	ssyncadd.s32 $0xFFFFF800  }
0x42: {  	[tilespmem:s4], [sflag:$0x1] =	stream.linear.gather [hbm4b:s17+s4], $0x200, $0x38;
	[tilespmem:$0x3180] =	vst v63  }
0x43: {  	_ =	swait.ge [sflag:s10], $0x200  }
0x44: {  	[sflag:s10] =	ssyncset.done $0x0  }
0x45: {  	[sflag:s10] =	ssyncadd.s32 $0xFFFFFE00  }
0x46: {  	[spmem:s3] =	stream.indirect.scatter.add.f32 [tilespmem:s9], [sflag:$0x1], $0x10, s4, s13, $0xb8;
	[tilespmem:$0x3180] =	vst v63  }
0x47: {  	_ =	swait.ge [sflag:s10], $0x800  }
0x48: {  	[sflag:s10] =	ssyncset.done $0x0  }
0x49: {  	[sflag:s10] =	ssyncadd.s32 $0xFFFFF800  }
0x4a: {  	[spmem:s3] =	stream.indirect.scatter.add.f32 [tilespmem:s9], [sflag:$0x1], $0x10, s13, s13, $0xb8;
	[tilespmem:$0x3180] =	vst v63  }
0x4b: {  	_ =	swait.ge [sflag:s10], $0x800  }
0x4c: {  	[sflag:s10] =	ssyncset.done $0x0  }
0x4d: {  	[sflag:s10] =	ssyncadd.s32 $0xFFFFF800  }
0x4e: {  	[spmem:s3] =	stream.indirect.scatter.add.f32 [tilespmem:s9], [sflag:$0x1], $0x10, s14, s13, $0xb8;
	[tilespmem:$0x3180] =	vst v63  }
0x4f: {  	_ =	swait.ge [sflag:s10], $0x800  }
0x50: {  	[sflag:s10] =	ssyncset.done $0x0  }
0x51: {  	[sflag:s10] =	ssyncadd.s32 $0xFFFFF800  }
0x52: {  	[spmem:s3] =	stream.indirect.scatter.add.f32 [tilespmem:s9], [sflag:$0x1], $0x10, s15, s13, $0xb8;
	[tilespmem:$0x3180] =	vst v63  }
0x53: {  	_ =	swait.ge [sflag:s10], $0x800  }
0x54: {  	s16 =	sadd.s32 $0x1, s16;
	[sflag:s10] =	ssyncset.done $0x0  }
0x55: {  	p0 =	sne.s32 s16, s7;
	[sflag:s10] =	ssyncadd.s32 $0xFFFFF800  }
.Ltmp1:
0x56: {  	[bflag:$0x0] =	sbarrier.arrive $0xFFFF;
	(pc) =	sbr.rel @p0 .LBB2_1-.Ltmp1, $4  }
0x57: {  	[hbm:s6], [sflag:s11] =	dma.local [spmem:s12], $0x4F0  }
0x58: {  	_ =	swait.ge [sflag:s10], $0x4F0  }
0x59: {  	[sflag:s10] =	ssyncset.done $0x0  }
0x5a: {  	[sflag:s10] =	ssyncadd.s32 $0xFFFFFB10  }
0x5b: {  	_ =	sfence.sel $0x180000  }
0x5c: {  	[bflag:$0x0] =	sbarrier.arrive $0xFFFF  }
0x5d: {  	p0 =	sne.s32 s0, $0x0;
	_ =	strace $0x90000047  }
0x5e: {  	s0 =	sadd.s32 @!p0 $0x100000, s1;
	[bflag:$0x2] =	sbarrier.arrive $0xFFFF  }
0x5f: {  	[sflag:s0] =	ssyncadd.tile.s32 @!p0 $0x1;
	_ =	shalt  }
.Lfunc_end2:
_tile_overlayer_lowered:
.L_overlay_start_2:
0x60: {  	(tag) =	ssettag $0x2  }
0x61: {  	s0 =	rddreg [dreg:$0x0];
	s2 =	stileid.u32  }
0x62: {  	s1 =	rddreg [dreg:$0x1];
	p0 =	sne.s32 s2, $0x0  }
0x63: {  	s3 =	rddreg [dreg:$0x2];
	[bflag:$0x3] =	sbarrier.arrive $0xFFFF;
	s2 =	simm.s32 @!p0 $0x1C01  }
0x64: {  	[timem:s3], [sflag:s2] =	dma.local @!p0 [hbm:s0], s1  }
0x65: {  	s0 =	simm.s32 @!p0 $0x1  }
0x66: {  	_ =	swait.ge @!p0 [sflag:s0], s1  }
0x67: {  	s1 =	ssub.s32 @!p0 $0x0, s1;
	[sflag:s0] =	ssyncset.done @!p0 $0x0  }
0x68: {  	[sflag:s0] =	ssyncadd.s32 @!p0 s1  }
0x69: {  	[bflag:$0x3] =	sbarrier.arrive $0xFFFF  }
0x6a: {  	_ =	shalt  }

</sc_bundles>
